<compile_context>
chip_gen: v7x
topology: tpu7x:2x2x1
jax: 0.10.2.dev20260603
libtpu: 0.0.44.dev20260713+nightly
codegen_flags: <defaults>
</compile_context>

<pallas_src>
import functools

import jax
import jax.numpy as jnp
from jax import lax
from jax.experimental import pallas as pl
from jax.experimental.pallas import tpu as pltpu
from jax.experimental.pallas import tpu_sc as plsc

NC = 2
NS = 16
NW = NC * NS
L = 16

K = 32
D = 128
G = 4
GK = G * K
CH = GK // 128
NCHUNK = D // L


def _pool_body(points_hbm, idx_hbm, out_hbm, table_sh, idx_v, rows_v, out_v,
               gsem0, gsem1, osem0, osem1, *, nb, n):
    gsems = (gsem0, gsem1)
    osems = (osem0, osem1)
    sid = lax.axis_index("s")
    wid = sid * NC + lax.axis_index("c")
    row_base = wid * (nb * G)

    @pl.when(sid == 0)
    def _():
        pltpu.sync_copy(points_hbm, table_sh)

    pltpu.sync_copy(idx_hbm.at[pl.ds(wid * (nb * CH), nb * CH)], idx_v)
    plsc.subcore_barrier()

    def fire_gather(batch, buf):
        for c in range(CH):
            pltpu.async_copy(table_sh.at[idx_v.at[batch * CH + c]],
                             rows_v.at[buf, pl.ds(c * 128, 128)],
                             gsems[buf])

    def wait_gather(batch, buf):
        for c in range(CH):
            pltpu.make_async_copy(table_sh.at[idx_v.at[batch * CH + c]],
                                  rows_v.at[buf, pl.ds(c * 128, 128)],
                                  gsems[buf]).wait()

    def fire_store(batch, buf):
        pltpu.async_copy(out_v.at[buf],
                         out_hbm.at[pl.ds(row_base + batch * G, G)],
                         osems[buf])

    def wait_store(batch, buf):
        pltpu.make_async_copy(out_v.at[buf],
                              out_hbm.at[pl.ds(row_base + batch * G, G)],
                              osems[buf]).wait()

    def compute(buf):
        rv = rows_v.at[buf]
        ov = out_v.at[buf]

        UNR = 8

        neg_inf = jnp.full((L,), -jnp.inf, dtype=jnp.float32)

        def per_row(g, carry):
            r0 = g * K
            accs = (neg_inf,) * NCHUNK

            def jstep(t, accs):
                r = r0 + t * UNR
                for j in range(UNR):
                    accs = tuple(
                        jnp.maximum(accs[c], rv[r + j, pl.ds(c * L, L)])
                        for c in range(NCHUNK))
                return accs

            accs = lax.fori_loop(0, K // UNR, jstep, accs)
            for c in range(NCHUNK):
                ov[g, pl.ds(c * L, L)] = accs[c]
            return carry

        lax.fori_loop(0, G, per_row, 0)

    fire_gather(0, 0)

    def two_batches(t, carry):
        for b in range(2):
            i = 2 * t + b
            nbuf = (b + 1) % 2

            @pl.when(i + 1 < nb)
            def _():
                fire_gather(i + 1, nbuf)

            wait_gather(i, b)

            @pl.when(i >= 2)
            def _():
                wait_store(i - 2, b)

            compute(b)
            fire_store(i, b)
        return carry

    lax.fori_loop(0, nb // 2, two_batches, 0)
    wait_store(nb - 2, 0)
    wait_store(nb - 1, 1)


def kernel(points, indices):
    m, k = indices.shape
    n, d = points.shape
    assert k == K and d == D

    rows_per_w = -(-m // (NW * G)) * G
    nb = rows_per_w // G
    if nb % 2:
        nb += 1
        rows_per_w += G
    m_pad = NW * rows_per_w

    idx = indices.astype(jnp.int32)
    idx = jnp.pad(idx, ((0, m_pad - m), (0, 0)))
    idx2 = idx.reshape(m_pad * K // 128, 128)

    pool = functools.partial(
        pl.kernel,
        out_type=jax.ShapeDtypeStruct((m_pad, D), jnp.float32),
        mesh=plsc.VectorSubcoreMesh(core_axis_name="c", subcore_axis_name="s"),
        scratch_types=[
            pltpu.VMEM_SHARED((n, D), jnp.float32),
            pltpu.VMEM((nb * CH, 128), jnp.int32),
            pltpu.VMEM((2, GK, D), jnp.float32),
            pltpu.VMEM((2, G, D), jnp.float32),
            pltpu.SemaphoreType.DMA,
            pltpu.SemaphoreType.DMA,
            pltpu.SemaphoreType.DMA,
            pltpu.SemaphoreType.DMA,
        ],
    )(functools.partial(_pool_body, nb=nb, n=n))

    out = pool(points, idx2)
    return out[:m]

# --- scband reference (transcript-rebuilt; emitter-appended) ---
"""Pipeline reference for scband-pool-tree-14474039787892 (READ-ONLY COPY).

The authoritative reference and input builder live on the scoring server;
editing this copy changes nothing except your own understanding.
"""

import jax, jax.numpy as jnp
import numpy as np


def setup_inputs(seed: int = 0) -> dict:
    key = jax.random.key(seed)
    k1, k2 = jax.random.split(key)
    points = jax.random.normal(k1, (10000, 128), dtype=jnp.float32)
    indices = jax.random.randint(k2, (10000, 32), 0, 10000, dtype=jnp.int64)
    return {"points": points, "indices": indices}


def reference(points, indices):
    # Faithful translation of PoolTree.forward:
    #   selected_points = points[indices]  -> gather along axis 0
    #   out, _ = torch.max(selected_points, dim=1)
    selected_points = jnp.take(points, indices, axis=0)  # [M, K, d]
    out = jnp.max(selected_points, axis=1)  # [M, d]
    return out

if __name__ == "__main__":
    import jax
    _d = setup_inputs()
    print(jax.jit(kernel)(*tuple(_d.values())))

</pallas_src>

<mosaic_0001>
#map = affine_map<(d0, d1) -> (0, 0)>
module attributes {stable_mosaic.version = 14 : i64} {
  func.func @_pool_body(%arg0: i32, %arg1: i32, %arg2: memref<10000x128xf32, #tpu.memory_space<hbm>>, %arg3: memref<2560x128xi32, #tpu.memory_space<hbm>>, %arg4: memref<10240x128xf32, #tpu.memory_space<hbm>>, %arg5: memref<10000x128xf32, #tpu.memory_space<vmem_shared>>, %arg6: memref<80x128xi32, #tpu.memory_space<vmem>>, %arg7: memref<2x128x128xf32, #tpu.memory_space<vmem>>, %arg8: memref<2x4x128xf32, #tpu.memory_space<vmem>>, %arg9: memref<!tpu.dma_semaphore, #tpu.memory_space<semaphore_mem>>, %arg10: memref<!tpu.dma_semaphore, #tpu.memory_space<semaphore_mem>>, %arg11: memref<!tpu.dma_semaphore, #tpu.memory_space<semaphore_mem>>, %arg12: memref<!tpu.dma_semaphore, #tpu.memory_space<semaphore_mem>>) attributes {dimension_semantics = [#tpu.dimension_semantics<core_parallel>, #tpu.dimension_semantics<subcore_parallel>], iteration_bounds = array<i64: 2, 16>, scalar_prefetch = 0 : i64, scratch_operands = 8 : i64, tpu.core_type = #tpu.core_type<sc_vector_subcore>, window_params = [{transform_indices = #map}, {transform_indices = #map}, {transform_indices = #map}]} {
    %mul3A = arith.constant 2 : i32
    %mul3A_0 = arith.muli %arg1, %mul3A : i32
    %add3A = arith.addi %mul3A_0, %arg0 : i32
    %mul3A_1 = arith.constant 320 : i32
    %mul3A_2 = arith.muli %add3A, %mul3A_1 : i32
    %eq3A = arith.constant 0 : i32
    %eq3A_3 = arith.cmpi eq, %arg1, %eq3A : i32
    %convert_element_type3A = arith.extui %eq3A_3 : i1 to i32
    %cond3A = arith.constant 0 : i32
    %cond3A_4 = arith.cmpi ne, %convert_element_type3A, %cond3A : i32
    scf.if %cond3A_4 {
      "tpu.region"() ({
        %run_scoped3A = tpu.sem_alloc : memref<!tpu.dma_semaphore, #tpu.memory_space<semaphore_mem>>
        tpu.enqueue_dma source(%arg2 : memref<10000x128xf32, #tpu.memory_space<hbm>>) target(%arg5 : memref<10000x128xf32, #tpu.memory_space<vmem_shared>>) target_semaphore(%run_scoped3A : memref<!tpu.dma_semaphore, #tpu.memory_space<semaphore_mem>>)
        tpu.wait_dma2 semaphore(%run_scoped3A : memref<!tpu.dma_semaphore, #tpu.memory_space<semaphore_mem>>) src(%arg2 : memref<10000x128xf32, #tpu.memory_space<hbm>>) dst(%arg5 : memref<10000x128xf32, #tpu.memory_space<vmem_shared>>)
        tpu.yield
      }) : () -> ()
    } else {
    }
    %mul3A_5 = arith.constant 80 : i32
    %mul3A_6 = arith.muli %add3A, %mul3A_5 : i32
    "tpu.region"() ({
      %run_scoped3A = tpu.sem_alloc : memref<!tpu.dma_semaphore, #tpu.memory_space<semaphore_mem>>
      %dma_start3A_52 = arith.constant 0 : i32
      %dma_start3A_53 = tpu.memref_slice %arg3[%mul3A_6, %dma_start3A_52] : memref<2560x128xi32, #tpu.memory_space<hbm>> -> memref<80x128xi32, #tpu.memory_space<hbm>>
      %dma_start3A_54 = arith.constant 0 : i32
      %dma_start3A_55 = tpu.memref_slice %arg3[%mul3A_6, %dma_start3A_54] : memref<2560x128xi32, #tpu.memory_space<hbm>> -> memref<80x128xi32, #tpu.memory_space<hbm>>
      tpu.enqueue_dma source(%dma_start3A_55 : memref<80x128xi32, #tpu.memory_space<hbm>>) target(%arg6 : memref<80x128xi32, #tpu.memory_space<vmem>>) target_semaphore(%run_scoped3A : memref<!tpu.dma_semaphore, #tpu.memory_space<semaphore_mem>>)
      %dma_wait3A_56 = arith.constant 0 : i32
      %dma_wait3A_57 = tpu.memref_slice %arg3[%mul3A_6, %dma_wait3A_56] : memref<2560x128xi32, #tpu.memory_space<hbm>> -> memref<80x128xi32, #tpu.memory_space<hbm>>
      %dma_wait3A_58 = arith.constant 0 : i32
      %dma_wait3A_59 = tpu.memref_slice %arg3[%mul3A_6, %dma_wait3A_58] : memref<2560x128xi32, #tpu.memory_space<hbm>> -> memref<80x128xi32, #tpu.memory_space<hbm>>
      tpu.wait_dma2 semaphore(%run_scoped3A : memref<!tpu.dma_semaphore, #tpu.memory_space<semaphore_mem>>) src(%dma_wait3A_59 : memref<80x128xi32, #tpu.memory_space<hbm>>) dst(%arg6 : memref<80x128xi32, #tpu.memory_space<vmem>>)
      tpu.yield
    }) : () -> ()
    %barrier3A = arith.constant 0 : index
    tpu.barrier barrier_id(%barrier3A)
    %dma_start3A = arith.constant 0 : i32
    %dma_start3A_7 = arith.constant 0 : i32
    %dma_start3A_8 = arith.constant 0 : i32
    %dma_start3A_9 = arith.constant 0 : i32
    %dma_start3A_10 = tpu.memref_slice %arg7[%dma_start3A_7, %dma_start3A_8, %dma_start3A_9] : memref<2x128x128xf32, #tpu.memory_space<vmem>> -> memref<1x128x128xf32, #tpu.memory_space<vmem>>
    %dma_start3A_11 = tpu.memref_squeeze %dma_start3A_10 : memref<1x128x128xf32, #tpu.memory_space<vmem>> -> memref<128x128xf32, #tpu.memory_space<vmem>>
    %dma_start3A_12 = arith.constant 0 : i32
    %dma_start3A_13 = tpu.memref_slice %arg6[%dma_start3A, %dma_start3A_12] : memref<80x128xi32, #tpu.memory_space<vmem>> -> memref<1x128xi32, #tpu.memory_space<vmem>>
    %dma_start3A_14 = tpu.memref_squeeze %dma_start3A_13 : memref<1x128xi32, #tpu.memory_space<vmem>> -> memref<128xi32, #tpu.memory_space<vmem>>
    %dma_start3A_15 = arith.constant 0 : i32
    %dma_start3A_16 = arith.constant 0 : i32
    %dma_start3A_17 = tpu.memref_slice %arg5[%dma_start3A_15, %dma_start3A_16] : memref<10000x128xf32, #tpu.memory_space<vmem_shared>> -> memref<10000x128xf32, #tpu.memory_space<vmem_shared>>
    tpu.enqueue_indirect_dma source(%dma_start3A_17 : memref<10000x128xf32, #tpu.memory_space<vmem_shared>>) target(%dma_start3A_11 : memref<128x128xf32, #tpu.memory_space<vmem>>) offsets(%dma_start3A_14 : memref<128xi32, #tpu.memory_space<vmem>>) semaphore(%arg9 : memref<!tpu.dma_semaphore, #tpu.memory_space<semaphore_mem>>)
    %scan3A = arith.constant 0 : i32
    %scan3A_18 = arith.constant 0 : i32
    %scan3A_19 = arith.constant 40 : i32
    %scan3A_20 = arith.addi %scan3A_18, %scan3A_19 : i32
    %scan3A_21 = arith.constant 1 : i32
    scf.for %scan3A_52 = %scan3A_18 to %scan3A_20 step %scan3A_21  : i32 {
      %mul3A_53 = arith.constant 2 : i32
      %mul3A_54 = arith.muli %mul3A_53, %scan3A_52 : i32
      %add3A_55 = arith.constant 0 : i32
      %add3A_56 = arith.addi %mul3A_54, %add3A_55 : i32
      %add3A_57 = arith.constant 1 : i32
      %add3A_58 = arith.addi %add3A_56, %add3A_57 : i32
      %lt3A = arith.constant 80 : i32
      %lt3A_59 = arith.cmpi slt, %add3A_58, %lt3A : i32
      %convert_element_type3A_60 = arith.extui %lt3A_59 : i1 to i32
      %cond3A_61 = arith.constant 0 : i32
      %cond3A_62 = arith.cmpi ne, %convert_element_type3A_60, %cond3A_61 : i32
      scf.if %cond3A_62 {
        %add3A_164 = arith.constant 1 : i32
        %add3A_165 = arith.addi %add3A_56, %add3A_164 : i32
        %mul3A_166 = arith.constant 1 : i32
        %mul3A_167 = arith.muli %add3A_165, %mul3A_166 : i32
        %add3A_168 = arith.constant 0 : i32
        %add3A_169 = arith.addi %mul3A_167, %add3A_168 : i32
        %dma_start3A_170 = arith.constant 1 : i32
        %dma_start3A_171 = arith.constant 0 : i32
        %dma_start3A_172 = arith.constant 0 : i32
        %dma_start3A_173 = tpu.memref_slice %arg7[%dma_start3A_170, %dma_start3A_171, %dma_start3A_172] : memref<2x128x128xf32, #tpu.memory_space<vmem>> -> memref<1x128x128xf32, #tpu.memory_space<vmem>>
        %dma_start3A_174 = tpu.memref_squeeze %dma_start3A_173 : memref<1x128x128xf32, #tpu.memory_space<vmem>> -> memref<128x128xf32, #tpu.memory_space<vmem>>
        %dma_start3A_175 = arith.constant 0 : i32
        %dma_start3A_176 = tpu.memref_slice %arg6[%add3A_169, %dma_start3A_175] : memref<80x128xi32, #tpu.memory_space<vmem>> -> memref<1x128xi32, #tpu.memory_space<vmem>>
        %dma_start3A_177 = tpu.memref_squeeze %dma_start3A_176 : memref<1x128xi32, #tpu.memory_space<vmem>> -> memref<128xi32, #tpu.memory_space<vmem>>
        %dma_start3A_178 = arith.constant 0 : i32
        %dma_start3A_179 = arith.constant 0 : i32
        %dma_start3A_180 = tpu.memref_slice %arg5[%dma_start3A_178, %dma_start3A_179] : memref<10000x128xf32, #tpu.memory_space<vmem_shared>> -> memref<10000x128xf32, #tpu.memory_space<vmem_shared>>
        tpu.enqueue_indirect_dma source(%dma_start3A_180 : memref<10000x128xf32, #tpu.memory_space<vmem_shared>>) target(%dma_start3A_174 : memref<128x128xf32, #tpu.memory_space<vmem>>) offsets(%dma_start3A_177 : memref<128xi32, #tpu.memory_space<vmem>>) semaphore(%arg10 : memref<!tpu.dma_semaphore, #tpu.memory_space<semaphore_mem>>)
      } else {
      }
      %mul3A_63 = arith.constant 1 : i32
      %mul3A_64 = arith.muli %add3A_56, %mul3A_63 : i32
      %add3A_65 = arith.constant 0 : i32
      %add3A_66 = arith.addi %mul3A_64, %add3A_65 : i32
      %dma_wait3A_67 = arith.constant 0 : i32
      %dma_wait3A_68 = arith.constant 0 : i32
      %dma_wait3A_69 = arith.constant 0 : i32
      %dma_wait3A_70 = tpu.memref_slice %arg7[%dma_wait3A_67, %dma_wait3A_68, %dma_wait3A_69] : memref<2x128x128xf32, #tpu.memory_space<vmem>> -> memref<1x128x128xf32, #tpu.memory_space<vmem>>
      %dma_wait3A_71 = tpu.memref_squeeze %dma_wait3A_70 : memref<1x128x128xf32, #tpu.memory_space<vmem>> -> memref<128x128xf32, #tpu.memory_space<vmem>>
      %dma_wait3A_72 = arith.constant 0 : i32
      %dma_wait3A_73 = tpu.memref_slice %arg6[%add3A_66, %dma_wait3A_72] : memref<80x128xi32, #tpu.memory_space<vmem>> -> memref<1x128xi32, #tpu.memory_space<vmem>>
      %dma_wait3A_74 = tpu.memref_squeeze %dma_wait3A_73 : memref<1x128xi32, #tpu.memory_space<vmem>> -> memref<128xi32, #tpu.memory_space<vmem>>
      %dma_wait3A_75 = arith.constant 0 : i32
      %dma_wait3A_76 = arith.constant 0 : i32
      %dma_wait3A_77 = tpu.memref_slice %arg5[%dma_wait3A_75, %dma_wait3A_76] : memref<10000x128xf32, #tpu.memory_space<vmem_shared>> -> memref<10000x128xf32, #tpu.memory_space<vmem_shared>>
      tpu.wait_indirect_dma semaphore(%arg9 : memref<!tpu.dma_semaphore, #tpu.memory_space<semaphore_mem>>) src(%dma_wait3A_77 : memref<10000x128xf32, #tpu.memory_space<vmem_shared>>) dst(%dma_wait3A_71 : memref<128x128xf32, #tpu.memory_space<vmem>>)
      %ge3A = arith.constant 2 : i32
      %ge3A_78 = arith.cmpi sge, %add3A_56, %ge3A : i32
      %convert_element_type3A_79 = arith.extui %ge3A_78 : i1 to i32
      %cond3A_80 = arith.constant 0 : i32
      %cond3A_81 = arith.cmpi ne, %convert_element_type3A_79, %cond3A_80 : i32
      scf.if %cond3A_81 {
        %sub3A = arith.constant 2 : i32
        %sub3A_164 = arith.subi %add3A_56, %sub3A : i32
        %mul3A_165 = arith.constant 4 : i32
        %mul3A_166 = arith.muli %sub3A_164, %mul3A_165 : i32
        %add3A_167 = arith.addi %mul3A_2, %mul3A_166 : i32
        %dma_wait3A_168 = arith.constant 0 : i32
        %dma_wait3A_169 = arith.constant 0 : i32
        %dma_wait3A_170 = arith.constant 0 : i32
        %dma_wait3A_171 = tpu.memref_slice %arg8[%dma_wait3A_168, %dma_wait3A_169, %dma_wait3A_170] : memref<2x4x128xf32, #tpu.memory_space<vmem>> -> memref<1x4x128xf32, #tpu.memory_space<vmem>>
        %dma_wait3A_172 = tpu.memref_squeeze %dma_wait3A_171 : memref<1x4x128xf32, #tpu.memory_space<vmem>> -> memref<4x128xf32, #tpu.memory_space<vmem>>
        %dma_wait3A_173 = arith.constant 0 : i32
        %dma_wait3A_174 = tpu.memref_slice %arg4[%add3A_167, %dma_wait3A_173] : memref<10240x128xf32, #tpu.memory_space<hbm>> -> memref<4x128xf32, #tpu.memory_space<hbm>>
        %dma_wait3A_175 = arith.constant 0 : i32
        %dma_wait3A_176 = tpu.memref_slice %arg4[%add3A_167, %dma_wait3A_175] : memref<10240x128xf32, #tpu.memory_space<hbm>> -> memref<4x128xf32, #tpu.memory_space<hbm>>
        %dma_wait3A_177 = arith.constant 0 : i32
        %dma_wait3A_178 = arith.constant 0 : i32
        %dma_wait3A_179 = tpu.memref_slice %arg8[%dma_wait3A_168, %dma_wait3A_177, %dma_wait3A_178] : memref<2x4x128xf32, #tpu.memory_space<vmem>> -> memref<1x4x128xf32, #tpu.memory_space<vmem>>
        %dma_wait3A_180 = tpu.memref_squeeze %dma_wait3A_179 : memref<1x4x128xf32, #tpu.memory_space<vmem>> -> memref<4x128xf32, #tpu.memory_space<vmem>>
        tpu.wait_dma2 semaphore(%arg11 : memref<!tpu.dma_semaphore, #tpu.memory_space<semaphore_mem>>) src(%dma_wait3A_180 : memref<4x128xf32, #tpu.memory_space<vmem>>) dst(%dma_wait3A_176 : memref<4x128xf32, #tpu.memory_space<hbm>>)
      } else {
      }
      %broadcast_in_dim3A = arith.constant 0xFF800000 : f32
      %broadcast_in_dim3A_82 = vector.broadcast %broadcast_in_dim3A : f32 to vector<16xf32>
      %scan3A_83 = arith.constant 0 : i32
      %scan3A_84 = arith.constant 0 : i32
      %scan3A_85 = arith.constant 0 : i32
      %scan3A_86 = arith.constant 0 : i32
      %scan3A_87 = arith.constant 4 : i32
      %scan3A_88 = arith.addi %scan3A_86, %scan3A_87 : i32
      %scan3A_89 = arith.constant 1 : i32
      scf.for %scan3A_164 = %scan3A_86 to %scan3A_88 step %scan3A_89  : i32 {
        %mul3A_165 = arith.constant 32 : i32
        %mul3A_166 = arith.muli %scan3A_164, %mul3A_165 : i32
        %scan3A_167 = arith.constant 0 : i32
        %scan3A_168 = arith.constant 4 : i32
        %scan3A_169 = arith.addi %scan3A_167, %scan3A_168 : i32
        %scan3A_170 = arith.constant 1 : i32
        %scan3A_171:8 = scf.for %scan3A_244 = %scan3A_167 to %scan3A_169 step %scan3A_170 iter_args(%scan3A_245 = %broadcast_in_dim3A_82, %scan3A_246 = %broadcast_in_dim3A_82, %scan3A_247 = %broadcast_in_dim3A_82, %scan3A_248 = %broadcast_in_dim3A_82, %scan3A_249 = %broadcast_in_dim3A_82, %scan3A_250 = %broadcast_in_dim3A_82, %scan3A_251 = %broadcast_in_dim3A_82, %scan3A_252 = %broadcast_in_dim3A_82) -> (vector<16xf32>, vector<16xf32>, vector<16xf32>, vector<16xf32>, vector<16xf32>, vector<16xf32>, vector<16xf32>, vector<16xf32>)  : i32 {
          %mul3A_253 = arith.constant 8 : i32
          %mul3A_254 = arith.muli %scan3A_244, %mul3A_253 : i32
          %add3A_255 = arith.addi %mul3A_166, %mul3A_254 : i32
          %add3A_256 = arith.constant 0 : i32
          %add3A_257 = arith.addi %add3A_255, %add3A_256 : i32
          %get3A = arith.constant 0 : i32
          %get3A_258 = arith.constant 0 : i32
          %get3A_259 = tpu.memref_slice %arg7[%scan3A_84, %get3A, %get3A_258] : memref<2x128x128xf32, #tpu.memory_space<vmem>> -> memref<1x128x128xf32, #tpu.memory_space<vmem>>
          %get3A_260 = tpu.memref_squeeze %get3A_259 : memref<1x128x128xf32, #tpu.memory_space<vmem>> -> memref<128x128xf32, #tpu.memory_space<vmem>>
          %get3A_261 = arith.index_cast %add3A_257 : i32 to index
          %get3A_262 = arith.constant 0 : index
          %get3A_263 = tpu.vector_load %get3A_260[%get3A_261, %get3A_262] {strides = array<i32>} : memref<128x128xf32, #tpu.memory_space<vmem>>, vector<1x16xf32>,
          %get3A_264 = vector.shape_cast %get3A_263 : vector<1x16xf32> to vector<16xf32>
          %max3A = arith.maximumf %scan3A_245, %get3A_264 : vector<16xf32>
          %add3A_265 = arith.constant 0 : i32
          %add3A_266 = arith.addi %add3A_255, %add3A_265 : i32
          %get3A_267 = arith.constant 0 : i32
          %get3A_268 = arith.constant 0 : i32
          %get3A_269 = tpu.memref_slice %arg7[%scan3A_84, %get3A_267, %get3A_268] : memref<2x128x128xf32, #tpu.memory_space<vmem>> -> memref<1x128x128xf32, #tpu.memory_space<vmem>>
          %get3A_270 = tpu.memref_squeeze %get3A_269 : memref<1x128x128xf32, #tpu.memory_space<vmem>> -> memref<128x128xf32, #tpu.memory_space<vmem>>
          %get3A_271 = arith.index_cast %add3A_266 : i32 to index
          %get3A_272 = arith.constant 16 : index
          %get3A_273 = tpu.vector_load %get3A_270[%get3A_271, %get3A_272] {strides = array<i32>} : memref<128x128xf32, #tpu.memory_space<vmem>>, vector<1x16xf32>,
          %get3A_274 = vector.shape_cast %get3A_273 : vector<1x16xf32> to vector<16xf32>
          %max3A_275 = arith.maximumf %scan3A_246, %get3A_274 : vector<16xf32>
          %add3A_276 = arith.constant 0 : i32
          %add3A_277 = arith.addi %add3A_255, %add3A_276 : i32
          %get3A_278 = arith.constant 0 : i32
          %get3A_279 = arith.constant 0 : i32
          %get3A_280 = tpu.memref_slice %arg7[%scan3A_84, %get3A_278, %get3A_279] : memref<2x128x128xf32, #tpu.memory_space<vmem>> -> memref<1x128x128xf32, #tpu.memory_space<vmem>>
          %get3A_281 = tpu.memref_squeeze %get3A_280 : memref<1x128x128xf32, #tpu.memory_space<vmem>> -> memref<128x128xf32, #tpu.memory_space<vmem>>
          %get3A_282 = arith.index_cast %add3A_277 : i32 to index
          %get3A_283 = arith.constant 32 : index
          %get3A_284 = tpu.vector_load %get3A_281[%get3A_282, %get3A_283] {strides = array<i32>} : memref<128x128xf32, #tpu.memory_space<vmem>>, vector<1x16xf32>,
          %get3A_285 = vector.shape_cast %get3A_284 : vector<1x16xf32> to vector<16xf32>
          %max3A_286 = arith.maximumf %scan3A_247, %get3A_285 : vector<16xf32>
          %add3A_287 = arith.constant 0 : i32
          %add3A_288 = arith.addi %add3A_255, %add3A_287 : i32
          %get3A_289 = arith.constant 0 : i32
          %get3A_290 = arith.constant 0 : i32
          %get3A_291 = tpu.memref_slice %arg7[%scan3A_84, %get3A_289, %get3A_290] : memref<2x128x128xf32, #tpu.memory_space<vmem>> -> memref<1x128x128xf32, #tpu.memory_space<vmem>>
          %get3A_292 = tpu.memref_squeeze %get3A_291 : memref<1x128x128xf32, #tpu.memory_space<vmem>> -> memref<128x128xf32, #tpu.memory_space<vmem>>
          %get3A_293 = arith.index_cast %add3A_288 : i32 to index
          %get3A_294 = arith.constant 48 : index
          %get3A_295 = tpu.vector_load %get3A_292[%get3A_293, %get3A_294] {strides = array<i32>} : memref<128x128xf32, #tpu.memory_space<vmem>>, vector<1x16xf32>,
          %get3A_296 = vector.shape_cast %get3A_295 : vector<1x16xf32> to vector<16xf32>
          %max3A_297 = arith.maximumf %scan3A_248, %get3A_296 : vector<16xf32>
          %add3A_298 = arith.constant 0 : i32
          %add3A_299 = arith.addi %add3A_255, %add3A_298 : i32
          %get3A_300 = arith.constant 0 : i32
          %get3A_301 = arith.constant 0 : i32
          %get3A_302 = tpu.memref_slice %arg7[%scan3A_84, %get3A_300, %get3A_301] : memref<2x128x128xf32, #tpu.memory_space<vmem>> -> memref<1x128x128xf32, #tpu.memory_space<vmem>>
          %get3A_303 = tpu.memref_squeeze %get3A_302 : memref<1x128x128xf32, #tpu.memory_space<vmem>> -> memref<128x128xf32, #tpu.memory_space<vmem>>
          %get3A_304 = arith.index_cast %add3A_299 : i32 to index
          %get3A_305 = arith.constant 64 : index
          %get3A_306 = tpu.vector_load %get3A_303[%get3A_304, %get3A_305] {strides = array<i32>} : memref<128x128xf32, #tpu.memory_space<vmem>>, vector<1x16xf32>,
          %get3A_307 = vector.shape_cast %get3A_306 : vector<1x16xf32> to vector<16xf32>
          %max3A_308 = arith.maximumf %scan3A_249, %get3A_307 : vector<16xf32>
          %add3A_309 = arith.constant 0 : i32
          %add3A_310 = arith.addi %add3A_255, %add3A_309 : i32
          %get3A_311 = arith.constant 0 : i32
          %get3A_312 = arith.constant 0 : i32
          %get3A_313 = tpu.memref_slice %arg7[%scan3A_84, %get3A_311, %get3A_312] : memref<2x128x128xf32, #tpu.memory_space<vmem>> -> memref<1x128x128xf32, #tpu.memory_space<vmem>>
          %get3A_314 = tpu.memref_squeeze %get3A_313 : memref<1x128x128xf32, #tpu.memory_space<vmem>> -> memref<128x128xf32, #tpu.memory_space<vmem>>
          %get3A_315 = arith.index_cast %add3A_310 : i32 to index
          %get3A_316 = arith.constant 80 : index
          %get3A_317 = tpu.vector_load %get3A_314[%get3A_315, %get3A_316] {strides = array<i32>} : memref<128x128xf32, #tpu.memory_space<vmem>>, vector<1x16xf32>,
          %get3A_318 = vector.shape_cast %get3A_317 : vector<1x16xf32> to vector<16xf32>
          %max3A_319 = arith.maximumf %scan3A_250, %get3A_318 : vector<16xf32>
          %add3A_320 = arith.constant 0 : i32
          %add3A_321 = arith.addi %add3A_255, %add3A_320 : i32
          %get3A_322 = arith.constant 0 : i32
          %get3A_323 = arith.constant 0 : i32
          %get3A_324 = tpu.memref_slice %arg7[%scan3A_84, %get3A_322, %get3A_323] : memref<2x128x128xf32, #tpu.memory_space<vmem>> -> memref<1x128x128xf32, #tpu.memory_space<vmem>>
          %get3A_325 = tpu.memref_squeeze %get3A_324 : memref<1x128x128xf32, #tpu.memory_space<vmem>> -> memref<128x128xf32, #tpu.memory_space<vmem>>
          %get3A_326 = arith.index_cast %add3A_321 : i32 to index
          %get3A_327 = arith.constant 96 : index
          %get3A_328 = tpu.vector_load %get3A_325[%get3A_326, %get3A_327] {strides = array<i32>} : memref<128x128xf32, #tpu.memory_space<vmem>>, vector<1x16xf32>,
          %get3A_329 = vector.shape_cast %get3A_328 : vector<1x16xf32> to vector<16xf32>
          %max3A_330 = arith.maximumf %scan3A_251, %get3A_329 : vector<16xf32>
          %add3A_331 = arith.constant 0 : i32
          %add3A_332 = arith.addi %add3A_255, %add3A_331 : i32
          %get3A_333 = arith.constant 0 : i32
          %get3A_334 = arith.constant 0 : i32
          %get3A_335 = tpu.memref_slice %arg7[%scan3A_84, %get3A_333, %get3A_334] : memref<2x128x128xf32, #tpu.memory_space<vmem>> -> memref<1x128x128xf32, #tpu.memory_space<vmem>>
          %get3A_336 = tpu.memref_squeeze %get3A_335 : memref<1x128x128xf32, #tpu.memory_space<vmem>> -> memref<128x128xf32, #tpu.memory_space<vmem>>
          %get3A_337 = arith.index_cast %add3A_332 : i32 to index
          %get3A_338 = arith.constant 112 : index
          %get3A_339 = tpu.vector_load %get3A_336[%get3A_337, %get3A_338] {strides = array<i32>} : memref<128x128xf32, #tpu.memory_space<vmem>>, vector<1x16xf32>,
          %get3A_340 = vector.shape_cast %get3A_339 : vector<1x16xf32> to vector<16xf32>
          %max3A_341 = arith.maximumf %scan3A_252, %get3A_340 : vector<16xf32>
          %add3A_342 = arith.constant 1 : i32
          %add3A_343 = arith.addi %add3A_255, %add3A_342 : i32
          %get3A_344 = arith.constant 0 : i32
          %get3A_345 = arith.constant 0 : i32
          %get3A_346 = tpu.memref_slice %arg7[%scan3A_84, %get3A_344, %get3A_345] : memref<2x128x128xf32, #tpu.memory_space<vmem>> -> memref<1x128x128xf32, #tpu.memory_space<vmem>>
          %get3A_347 = tpu.memref_squeeze %get3A_346 : memref<1x128x128xf32, #tpu.memory_space<vmem>> -> memref<128x128xf32, #tpu.memory_space<vmem>>
          %get3A_348 = arith.index_cast %add3A_343 : i32 to index
          %get3A_349 = arith.constant 0 : index
          %get3A_350 = tpu.vector_load %get3A_347[%get3A_348, %get3A_349] {strides = array<i32>} : memref<128x128xf32, #tpu.memory_space<vmem>>, vector<1x16xf32>,
          %get3A_351 = vector.shape_cast %get3A_350 : vector<1x16xf32> to vector<16xf32>
          %max3A_352 = arith.maximumf %max3A, %get3A_351 : vector<16xf32>
          %add3A_353 = arith.constant 1 : i32
          %add3A_354 = arith.addi %add3A_255, %add3A_353 : i32
          %get3A_355 = arith.constant 0 : i32
          %get3A_356 = arith.constant 0 : i32
          %get3A_357 = tpu.memref_slice %arg7[%scan3A_84, %get3A_355, %get3A_356] : memref<2x128x128xf32, #tpu.memory_space<vmem>> -> memref<1x128x128xf32, #tpu.memory_space<vmem>>
          %get3A_358 = tpu.memref_squeeze %get3A_357 : memref<1x128x128xf32, #tpu.memory_space<vmem>> -> memref<128x128xf32, #tpu.memory_space<vmem>>
          %get3A_359 = arith.index_cast %add3A_354 : i32 to index
          %get3A_360 = arith.constant 16 : index
          %get3A_361 = tpu.vector_load %get3A_358[%get3A_359, %get3A_360] {strides = array<i32>} : memref<128x128xf32, #tpu.memory_space<vmem>>, vector<1x16xf32>,
          %get3A_362 = vector.shape_cast %get3A_361 : vector<1x16xf32> to vector<16xf32>
          %max3A_363 = arith.maximumf %max3A_275, %get3A_362 : vector<16xf32>
          %add3A_364 = arith.constant 1 : i32
          %add3A_365 = arith.addi %add3A_255, %add3A_364 : i32
          %get3A_366 = arith.constant 0 : i32
          %get3A_367 = arith.constant 0 : i32
          %get3A_368 = tpu.memref_slice %arg7[%scan3A_84, %get3A_366, %get3A_367] : memref<2x128x128xf32, #tpu.memory_space<vmem>> -> memref<1x128x128xf32, #tpu.memory_space<vmem>>
          %get3A_369 = tpu.memref_squeeze %get3A_368 : memref<1x128x128xf32, #tpu.memory_space<vmem>> -> memref<128x128xf32, #tpu.memory_space<vmem>>
          %get3A_370 = arith.index_cast %add3A_365 : i32 to index
          %get3A_371 = arith.constant 32 : index
          %get3A_372 = tpu.vector_load %get3A_369[%get3A_370, %get3A_371] {strides = array<i32>} : memref<128x128xf32, #tpu.memory_space<vmem>>, vector<1x16xf32>,
          %get3A_373 = vector.shape_cast %get3A_372 : vector<1x16xf32> to vector<16xf32>
          %max3A_374 = arith.maximumf %max3A_286, %get3A_373 : vector<16xf32>
          %add3A_375 = arith.constant 1 : i32
          %add3A_376 = arith.addi %add3A_255, %add3A_375 : i32
          %get3A_377 = arith.constant 0 : i32
          %get3A_378 = arith.constant 0 : i32
          %get3A_379 = tpu.memref_slice %arg7[%scan3A_84, %get3A_377, %get3A_378] : memref<2x128x128xf32, #tpu.memory_space<vmem>> -> memref<1x128x128xf32, #tpu.memory_space<vmem>>
          %get3A_380 = tpu.memref_squeeze %get3A_379 : memref<1x128x128xf32, #tpu.memory_space<vmem>> -> memref<128x128xf32, #tpu.memory_space<vmem>>
          %get3A_381 = arith.index_cast %add3A_376 : i32 to index
          %get3A_382 = arith.constant 48 : index
          %get3A_383 = tpu.vector_load %get3A_380[%get3A_381, %get3A_382] {strides = array<i32>} : memref<128x128xf32, #tpu.memory_space<vmem>>, vector<1x16xf32>,
          %get3A_384 = vector.shape_cast %get3A_383 : vector<1x16xf32> to vector<16xf32>
          %max3A_385 = arith.maximumf %max3A_297, %get3A_384 : vector<16xf32>
          %add3A_386 = arith.constant 1 : i32
          %add3A_387 = arith.addi %add3A_255, %add3A_386 : i32
          %get3A_388 = arith.constant 0 : i32
          %get3A_389 = arith.constant 0 : i32
          %get3A_390 = tpu.memref_slice %arg7[%scan3A_84, %get3A_388, %get3A_389] : memref<2x128x128xf32, #tpu.memory_space<vmem>> -> memref<1x128x128xf32, #tpu.memory_space<vmem>>
          %get3A_391 = tpu.memref_squeeze %get3A_390 : memref<1x128x128xf32, #tpu.memory_space<vmem>> -> memref<128x128xf32, #tpu.memory_space<vmem>>
          %get3A_392 = arith.index_cast %add3A_387 : i32 to index
          %get3A_393 = arith.constant 64 : index
          %get3A_394 = tpu.vector_load %get3A_391[%get3A_392, %get3A_393] {strides = array<i32>} : memref<128x128xf32, #tpu.memory_space<vmem>>, vector<1x16xf32>,
          %get3A_395 = vector.shape_cast %get3A_394 : vector<1x16xf32> to vector<16xf32>
          %max3A_396 = arith.maximumf %max3A_308, %get3A_395 : vector<16xf32>
          %add3A_397 = arith.constant 1 : i32
          %add3A_398 = arith.addi %add3A_255, %add3A_397 : i32
          %get3A_399 = arith.constant 0 : i32
          %get3A_400 = arith.constant 0 : i32
          %get3A_401 = tpu.memref_slice %arg7[%scan3A_84, %get3A_399, %get3A_400] : memref<2x128x128xf32, #tpu.memory_space<vmem>> -> memref<1x128x128xf32, #tpu.memory_space<vmem>>
          %get3A_402 = tpu.memref_squeeze %get3A_401 : memref<1x128x128xf32, #tpu.memory_space<vmem>> -> memref<128x128xf32, #tpu.memory_space<vmem>>
          %get3A_403 = arith.index_cast %add3A_398 : i32 to index
          %get3A_404 = arith.constant 80 : index
          %get3A_405 = tpu.vector_load %get3A_402[%get3A_403, %get3A_404] {strides = array<i32>} : memref<128x128xf32, #tpu.memory_space<vmem>>, vector<1x16xf32>,
          %get3A_406 = vector.shape_cast %get3A_405 : vector<1x16xf32> to vector<16xf32>
          %max3A_407 = arith.maximumf %max3A_319, %get3A_406 : vector<16xf32>
          %add3A_408 = arith.constant 1 : i32
          %add3A_409 = arith.addi %add3A_255, %add3A_408 : i32
          %get3A_410 = arith.constant 0 : i32
          %get3A_411 = arith.constant 0 : i32
          %get3A_412 = tpu.memref_slice %arg7[%scan3A_84, %get3A_410, %get3A_411] : memref<2x128x128xf32, #tpu.memory_space<vmem>> -> memref<1x128x128xf32, #tpu.memory_space<vmem>>
          %get3A_413 = tpu.memref_squeeze %get3A_412 : memref<1x128x128xf32, #tpu.memory_space<vmem>> -> memref<128x128xf32, #tpu.memory_space<vmem>>
          %get3A_414 = arith.index_cast %add3A_409 : i32 to index
          %get3A_415 = arith.constant 96 : index
          %get3A_416 = tpu.vector_load %get3A_413[%get3A_414, %get3A_415] {strides = array<i32>} : memref<128x128xf32, #tpu.memory_space<vmem>>, vector<1x16xf32>,
          %get3A_417 = vector.shape_cast %get3A_416 : vector<1x16xf32> to vector<16xf32>
          %max3A_418 = arith.maximumf %max3A_330, %get3A_417 : vector<16xf32>
          %add3A_419 = arith.constant 1 : i32
          %add3A_420 = arith.addi %add3A_255, %add3A_419 : i32
          %get3A_421 = arith.constant 0 : i32
          %get3A_422 = arith.constant 0 : i32
          %get3A_423 = tpu.memref_slice %arg7[%scan3A_84, %get3A_421, %get3A_422] : memref<2x128x128xf32, #tpu.memory_space<vmem>> -> memref<1x128x128xf32, #tpu.memory_space<vmem>>
          %get3A_424 = tpu.memref_squeeze %get3A_423 : memref<1x128x128xf32, #tpu.memory_space<vmem>> -> memref<128x128xf32, #tpu.memory_space<vmem>>
          %get3A_425 = arith.index_cast %add3A_420 : i32 to index
          %get3A_426 = arith.constant 112 : index
          %get3A_427 = tpu.vector_load %get3A_424[%get3A_425, %get3A_426] {strides = array<i32>} : memref<128x128xf32, #tpu.memory_space<vmem>>, vector<1x16xf32>,
          %get3A_428 = vector.shape_cast %get3A_427 : vector<1x16xf32> to vector<16xf32>
          %max3A_429 = arith.maximumf %max3A_341, %get3A_428 : vector<16xf32>
          %add3A_430 = arith.constant 2 : i32
          %add3A_431 = arith.addi %add3A_255, %add3A_430 : i32
          %get3A_432 = arith.constant 0 : i32
          %get3A_433 = arith.constant 0 : i32
          %get3A_434 = tpu.memref_slice %arg7[%scan3A_84, %get3A_432, %get3A_433] : memref<2x128x128xf32, #tpu.memory_space<vmem>> -> memref<1x128x128xf32, #tpu.memory_space<vmem>>
          %get3A_435 = tpu.memref_squeeze %get3A_434 : memref<1x128x128xf32, #tpu.memory_space<vmem>> -> memref<128x128xf32, #tpu.memory_space<vmem>>
          %get3A_436 = arith.index_cast %add3A_431 : i32 to index
          %get3A_437 = arith.constant 0 : index
          %get3A_438 = tpu.vector_load %get3A_435[%get3A_436, %get3A_437] {strides = array<i32>} : memref<128x128xf32, #tpu.memory_space<vmem>>, vector<1x16xf32>,
          %get3A_439 = vector.shape_cast %get3A_438 : vector<1x16xf32> to vector<16xf32>
          %max3A_440 = arith.maximumf %max3A_352, %get3A_439 : vector<16xf32>
          %add3A_441 = arith.constant 2 : i32
          %add3A_442 = arith.addi %add3A_255, %add3A_441 : i32
          %get3A_443 = arith.constant 0 : i32
          %get3A_444 = arith.constant 0 : i32
          %get3A_445 = tpu.memref_slice %arg7[%scan3A_84, %get3A_443, %get3A_444] : memref<2x128x128xf32, #tpu.memory_space<vmem>> -> memref<1x128x128xf32, #tpu.memory_space<vmem>>
          %get3A_446 = tpu.memref_squeeze %get3A_445 : memref<1x128x128xf32, #tpu.memory_space<vmem>> -> memref<128x128xf32, #tpu.memory_space<vmem>>
          %get3A_447 = arith.index_cast %add3A_442 : i32 to index
          %get3A_448 = arith.constant 16 : index
          %get3A_449 = tpu.vector_load %get3A_446[%get3A_447, %get3A_448] {strides = array<i32>} : memref<128x128xf32, #tpu.memory_space<vmem>>, vector<1x16xf32>,
          %get3A_450 = vector.shape_cast %get3A_449 : vector<1x16xf32> to vector<16xf32>
          %max3A_451 = arith.maximumf %max3A_363, %get3A_450 : vector<16xf32>
          %add3A_452 = arith.constant 2 : i32
          %add3A_453 = arith.addi %add3A_255, %add3A_452 : i32
          %get3A_454 = arith.constant 0 : i32
          %get3A_455 = arith.constant 0 : i32
          %get3A_456 = tpu.memref_slice %arg7[%scan3A_84, %get3A_454, %get3A_455] : memref<2x128x128xf32, #tpu.memory_space<vmem>> -> memref<1x128x128xf32, #tpu.memory_space<vmem>>
          %get3A_457 = tpu.memref_squeeze %get3A_456 : memref<1x128x128xf32, #tpu.memory_space<vmem>> -> memref<128x128xf32, #tpu.memory_space<vmem>>
          %get3A_458 = arith.index_cast %add3A_453 : i32 to index
          %get3A_459 = arith.constant 32 : index
          %get3A_460 = tpu.vector_load %get3A_457[%get3A_458, %get3A_459] {strides = array<i32>} : memref<128x128xf32, #tpu.memory_space<vmem>>, vector<1x16xf32>,
          %get3A_461 = vector.shape_cast %get3A_460 : vector<1x16xf32> to vector<16xf32>
          %max3A_462 = arith.maximumf %max3A_374, %get3A_461 : vector<16xf32>
          %add3A_463 = arith.constant 2 : i32
          %add3A_464 = arith.addi %add3A_255, %add3A_463 : i32
          %get3A_465 = arith.constant 0 : i32
          %get3A_466 = arith.constant 0 : i32
          %get3A_467 = tpu.memref_slice %arg7[%scan3A_84, %get3A_465, %get3A_466] : memref<2x128x128xf32, #tpu.memory_space<vmem>> -> memref<1x128x128xf32, #tpu.memory_space<vmem>>
          %get3A_468 = tpu.memref_squeeze %get3A_467 : memref<1x128x128xf32, #tpu.memory_space<vmem>> -> memref<128x128xf32, #tpu.memory_space<vmem>>
          %get3A_469 = arith.index_cast %add3A_464 : i32 to index
          %get3A_470 = arith.constant 48 : index
          %get3A_471 = tpu.vector_load %get3A_468[%get3A_469, %get3A_470] {strides = array<i32>} : memref<128x128xf32, #tpu.memory_space<vmem>>, vector<1x16xf32>,
          %get3A_472 = vector.shape_cast %get3A_471 : vector<1x16xf32> to vector<16xf32>
          %max3A_473 = arith.maximumf %max3A_385, %get3A_472 : vector<16xf32>
          %add3A_474 = arith.constant 2 : i32
          %add3A_475 = arith.addi %add3A_255, %add3A_474 : i32
          %get3A_476 = arith.constant 0 : i32
          %get3A_477 = arith.constant 0 : i32
          %get3A_478 = tpu.memref_slice %arg7[%scan3A_84, %get3A_476, %get3A_477] : memref<2x128x128xf32, #tpu.memory_space<vmem>> -> memref<1x128x128xf32, #tpu.memory_space<vmem>>
          %get3A_479 = tpu.memref_squeeze %get3A_478 : memref<1x128x128xf32, #tpu.memory_space<vmem>> -> memref<128x128xf32, #tpu.memory_space<vmem>>
          %get3A_480 = arith.index_cast %add3A_475 : i32 to index
          %get3A_481 = arith.constant 64 : index
          %get3A_482 = tpu.vector_load %get3A_479[%get3A_480, %get3A_481] {strides = array<i32>} : memref<128x128xf32, #tpu.memory_space<vmem>>, vector<1x16xf32>,
          %get3A_483 = vector.shape_cast %get3A_482 : vector<1x16xf32> to vector<16xf32>
          %max3A_484 = arith.maximumf %max3A_396, %get3A_483 : vector<16xf32>
          %add3A_485 = arith.constant 2 : i32
          %add3A_486 = arith.addi %add3A_255, %add3A_485 : i32
          %get3A_487 = arith.constant 0 : i32
          %get3A_488 = arith.constant 0 : i32
          %get3A_489 = tpu.memref_slice %arg7[%scan3A_84, %get3A_487, %get3A_488] : memref<2x128x128xf32, #tpu.memory_space<vmem>> -> memref<1x128x128xf32, #tpu.memory_space<vmem>>
          %get3A_490 = tpu.memref_squeeze %get3A_489 : memref<1x128x128xf32, #tpu.memory_space<vmem>> -> memref<128x128xf32, #tpu.memory_space<vmem>>
          %get3A_491 = arith.index_cast %add3A_486 : i32 to index
          %get3A_492 = arith.constant 80 : index
          %get3A_493 = tpu.vector_load %get3A_490[%get3A_491, %get3A_492] {strides = array<i32>} : memref<128x128xf32, #tpu.memory_space<vmem>>, vector<1x16xf32>,
          %get3A_494 = vector.shape_cast %get3A_493 : vector<1x16xf32> to vector<16xf32>
          %max3A_495 = arith.maximumf %max3A_407, %get3A_494 : vector<16xf32>
          %add3A_496 = arith.constant 2 : i32
          %add3A_497 = arith.addi %add3A_255, %add3A_496 : i32
          %get3A_498 = arith.constant 0 : i32
          %get3A_499 = arith.constant 0 : i32
          %get3A_500 = tpu.memref_slice %arg7[%scan3A_84, %get3A_498, %get3A_499] : memref<2x128x128xf32, #tpu.memory_space<vmem>> -> memref<1x128x128xf32, #tpu.memory_space<vmem>>
          %get3A_501 = tpu.memref_squeeze %get3A_500 : memref<1x128x128xf32, #tpu.memory_space<vmem>> -> memref<128x128xf32, #tpu.memory_space<vmem>>
          %get3A_502 = arith.index_cast %add3A_497 : i32 to index
          %get3A_503 = arith.constant 96 : index
          %get3A_504 = tpu.vector_load %get3A_501[%get3A_502, %get3A_503] {strides = array<i32>} : memref<128x128xf32, #tpu.memory_space<vmem>>, vector<1x16xf32>,
          %get3A_505 = vector.shape_cast %get3A_504 : vector<1x16xf32> to vector<16xf32>
          %max3A_506 = arith.maximumf %max3A_418, %get3A_505 : vector<16xf32>
          %add3A_507 = arith.constant 2 : i32
          %add3A_508 = arith.addi %add3A_255, %add3A_507 : i32
          %get3A_509 = arith.constant 0 : i32
          %get3A_510 = arith.constant 0 : i32
          %get3A_511 = tpu.memref_slice %arg7[%scan3A_84, %get3A_509, %get3A_510] : memref<2x128x128xf32, #tpu.memory_space<vmem>> -> memref<1x128x128xf32, #tpu.memory_space<vmem>>
          %get3A_512 = tpu.memref_squeeze %get3A_511 : memref<1x128x128xf32, #tpu.memory_space<vmem>> -> memref<128x128xf32, #tpu.memory_space<vmem>>
          %get3A_513 = arith.index_cast %add3A_508 : i32 to index
          %get3A_514 = arith.constant 112 : index
          %get3A_515 = tpu.vector_load %get3A_512[%get3A_513, %get3A_514] {strides = array<i32>} : memref<128x128xf32, #tpu.memory_space<vmem>>, vector<1x16xf32>,
          %get3A_516 = vector.shape_cast %get3A_515 : vector<1x16xf32> to vector<16xf32>
          %max3A_517 = arith.maximumf %max3A_429, %get3A_516 : vector<16xf32>
          %add3A_518 = arith.constant 3 : i32
          %add3A_519 = arith.addi %add3A_255, %add3A_518 : i32
          %get3A_520 = arith.constant 0 : i32
          %get3A_521 = arith.constant 0 : i32
          %get3A_522 = tpu.memref_slice %arg7[%scan3A_84, %get3A_520, %get3A_521] : memref<2x128x128xf32, #tpu.memory_space<vmem>> -> memref<1x128x128xf32, #tpu.memory_space<vmem>>
          %get3A_523 = tpu.memref_squeeze %get3A_522 : memref<1x128x128xf32, #tpu.memory_space<vmem>> -> memref<128x128xf32, #tpu.memory_space<vmem>>
          %get3A_524 = arith.index_cast %add3A_519 : i32 to index
          %get3A_525 = arith.constant 0 : index
          %get3A_526 = tpu.vector_load %get3A_523[%get3A_524, %get3A_525] {strides = array<i32>} : memref<128x128xf32, #tpu.memory_space<vmem>>, vector<1x16xf32>,
          %get3A_527 = vector.shape_cast %get3A_526 : vector<1x16xf32> to vector<16xf32>
          %max3A_528 = arith.maximumf %max3A_440, %get3A_527 : vector<16xf32>
          %add3A_529 = arith.constant 3 : i32
          %add3A_530 = arith.addi %add3A_255, %add3A_529 : i32
          %get3A_531 = arith.constant 0 : i32
          %get3A_532 = arith.constant 0 : i32
          %get3A_533 = tpu.memref_slice %arg7[%scan3A_84, %get3A_531, %get3A_532] : memref<2x128x128xf32, #tpu.memory_space<vmem>> -> memref<1x128x128xf32, #tpu.memory_space<vmem>>
          %get3A_534 = tpu.memref_squeeze %get3A_533 : memref<1x128x128xf32, #tpu.memory_space<vmem>> -> memref<128x128xf32, #tpu.memory_space<vmem>>
          %get3A_535 = arith.index_cast %add3A_530 : i32 to index
          %get3A_536 = arith.constant 16 : index
          %get3A_537 = tpu.vector_load %get3A_534[%get3A_535, %get3A_536] {strides = array<i32>} : memref<128x128xf32, #tpu.memory_space<vmem>>, vector<1x16xf32>,
          %get3A_538 = vector.shape_cast %get3A_537 : vector<1x16xf32> to vector<16xf32>
          %max3A_539 = arith.maximumf %max3A_451, %get3A_538 : vector<16xf32>
          %add3A_540 = arith.constant 3 : i32
          %add3A_541 = arith.addi %add3A_255, %add3A_540 : i32
          %get3A_542 = arith.constant 0 : i32
          %get3A_543 = arith.constant 0 : i32
          %get3A_544 = tpu.memref_slice %arg7[%scan3A_84, %get3A_542, %get3A_543] : memref<2x128x128xf32, #tpu.memory_space<vmem>> -> memref<1x128x128xf32, #tpu.memory_space<vmem>>
          %get3A_545 = tpu.memref_squeeze %get3A_544 : memref<1x128x128xf32, #tpu.memory_space<vmem>> -> memref<128x128xf32, #tpu.memory_space<vmem>>
          %get3A_546 = arith.index_cast %add3A_541 : i32 to index
          %get3A_547 = arith.constant 32 : index
          %get3A_548 = tpu.vector_load %get3A_545[%get3A_546, %get3A_547] {strides = array<i32>} : memref<128x128xf32, #tpu.memory_space<vmem>>, vector<1x16xf32>,
          %get3A_549 = vector.shape_cast %get3A_548 : vector<1x16xf32> to vector<16xf32>
          %max3A_550 = arith.maximumf %max3A_462, %get3A_549 : vector<16xf32>
          %add3A_551 = arith.constant 3 : i32
          %add3A_552 = arith.addi %add3A_255, %add3A_551 : i32
          %get3A_553 = arith.constant 0 : i32
          %get3A_554 = arith.constant 0 : i32
          %get3A_555 = tpu.memref_slice %arg7[%scan3A_84, %get3A_553, %get3A_554] : memref<2x128x128xf32, #tpu.memory_space<vmem>> -> memref<1x128x128xf32, #tpu.memory_space<vmem>>
          %get3A_556 = tpu.memref_squeeze %get3A_555 : memref<1x128x128xf32, #tpu.memory_space<vmem>> -> memref<128x128xf32, #tpu.memory_space<vmem>>
          %get3A_557 = arith.index_cast %add3A_552 : i32 to index
          %get3A_558 = arith.constant 48 : index
          %get3A_559 = tpu.vector_load %get3A_556[%get3A_557, %get3A_558] {strides = array<i32>} : memref<128x128xf32, #tpu.memory_space<vmem>>, vector<1x16xf32>,
          %get3A_560 = vector.shape_cast %get3A_559 : vector<1x16xf32> to vector<16xf32>
          %max3A_561 = arith.maximumf %max3A_473, %get3A_560 : vector<16xf32>
          %add3A_562 = arith.constant 3 : i32
          %add3A_563 = arith.addi %add3A_255, %add3A_562 : i32
          %get3A_564 = arith.constant 0 : i32
          %get3A_565 = arith.constant 0 : i32
          %get3A_566 = tpu.memref_slice %arg7[%scan3A_84, %get3A_564, %get3A_565] : memref<2x128x128xf32, #tpu.memory_space<vmem>> -> memref<1x128x128xf32, #tpu.memory_space<vmem>>
          %get3A_567 = tpu.memref_squeeze %get3A_566 : memref<1x128x128xf32, #tpu.memory_space<vmem>> -> memref<128x128xf32, #tpu.memory_space<vmem>>
          %get3A_568 = arith.index_cast %add3A_563 : i32 to index
          %get3A_569 = arith.constant 64 : index
          %get3A_570 = tpu.vector_load %get3A_567[%get3A_568, %get3A_569] {strides = array<i32>} : memref<128x128xf32, #tpu.memory_space<vmem>>, vector<1x16xf32>,
          %get3A_571 = vector.shape_cast %get3A_570 : vector<1x16xf32> to vector<16xf32>
          %max3A_572 = arith.maximumf %max3A_484, %get3A_571 : vector<16xf32>
          %add3A_573 = arith.constant 3 : i32
          %add3A_574 = arith.addi %add3A_255, %add3A_573 : i32
          %get3A_575 = arith.constant 0 : i32
          %get3A_576 = arith.constant 0 : i32
          %get3A_577 = tpu.memref_slice %arg7[%scan3A_84, %get3A_575, %get3A_576] : memref<2x128x128xf32, #tpu.memory_space<vmem>> -> memref<1x128x128xf32, #tpu.memory_space<vmem>>
          %get3A_578 = tpu.memref_squeeze %get3A_577 : memref<1x128x128xf32, #tpu.memory_space<vmem>> -> memref<128x128xf32, #tpu.memory_space<vmem>>
          %get3A_579 = arith.index_cast %add3A_574 : i32 to index
          %get3A_580 = arith.constant 80 : index
          %get3A_581 = tpu.vector_load %get3A_578[%get3A_579, %get3A_580] {strides = array<i32>} : memref<128x128xf32, #tpu.memory_space<vmem>>, vector<1x16xf32>,
          %get3A_582 = vector.shape_cast %get3A_581 : vector<1x16xf32> to vector<16xf32>
          %max3A_583 = arith.maximumf %max3A_495, %get3A_582 : vector<16xf32>
          %add3A_584 = arith.constant 3 : i32
          %add3A_585 = arith.addi %add3A_255, %add3A_584 : i32
          %get3A_586 = arith.constant 0 : i32
          %get3A_587 = arith.constant 0 : i32
          %get3A_588 = tpu.memref_slice %arg7[%scan3A_84, %get3A_586, %get3A_587] : memref<2x128x128xf32, #tpu.memory_space<vmem>> -> memref<1x128x128xf32, #tpu.memory_space<vmem>>
          %get3A_589 = tpu.memref_squeeze %get3A_588 : memref<1x128x128xf32, #tpu.memory_space<vmem>> -> memref<128x128xf32, #tpu.memory_space<vmem>>
          %get3A_590 = arith.index_cast %add3A_585 : i32 to index
          %get3A_591 = arith.constant 96 : index
          %get3A_592 = tpu.vector_load %get3A_589[%get3A_590, %get3A_591] {strides = array<i32>} : memref<128x128xf32, #tpu.memory_space<vmem>>, vector<1x16xf32>,
          %get3A_593 = vector.shape_cast %get3A_592 : vector<1x16xf32> to vector<16xf32>
          %max3A_594 = arith.maximumf %max3A_506, %get3A_593 : vector<16xf32>
          %add3A_595 = arith.constant 3 : i32
          %add3A_596 = arith.addi %add3A_255, %add3A_595 : i32
          %get3A_597 = arith.constant 0 : i32
          %get3A_598 = arith.constant 0 : i32
          %get3A_599 = tpu.memref_slice %arg7[%scan3A_84, %get3A_597, %get3A_598] : memref<2x128x128xf32, #tpu.memory_space<vmem>> -> memref<1x128x128xf32, #tpu.memory_space<vmem>>
          %get3A_600 = tpu.memref_squeeze %get3A_599 : memref<1x128x128xf32, #tpu.memory_space<vmem>> -> memref<128x128xf32, #tpu.memory_space<vmem>>
          %get3A_601 = arith.index_cast %add3A_596 : i32 to index
          %get3A_602 = arith.constant 112 : index
          %get3A_603 = tpu.vector_load %get3A_600[%get3A_601, %get3A_602] {strides = array<i32>} : memref<128x128xf32, #tpu.memory_space<vmem>>, vector<1x16xf32>,
          %get3A_604 = vector.shape_cast %get3A_603 : vector<1x16xf32> to vector<16xf32>
          %max3A_605 = arith.maximumf %max3A_517, %get3A_604 : vector<16xf32>
          %add3A_606 = arith.constant 4 : i32
          %add3A_607 = arith.addi %add3A_255, %add3A_606 : i32
          %get3A_608 = arith.constant 0 : i32
          %get3A_609 = arith.constant 0 : i32
          %get3A_610 = tpu.memref_slice %arg7[%scan3A_84, %get3A_608, %get3A_609] : memref<2x128x128xf32, #tpu.memory_space<vmem>> -> memref<1x128x128xf32, #tpu.memory_space<vmem>>
          %get3A_611 = tpu.memref_squeeze %get3A_610 : memref<1x128x128xf32, #tpu.memory_space<vmem>> -> memref<128x128xf32, #tpu.memory_space<vmem>>
          %get3A_612 = arith.index_cast %add3A_607 : i32 to index
          %get3A_613 = arith.constant 0 : index
          %get3A_614 = tpu.vector_load %get3A_611[%get3A_612, %get3A_613] {strides = array<i32>} : memref<128x128xf32, #tpu.memory_space<vmem>>, vector<1x16xf32>,
          %get3A_615 = vector.shape_cast %get3A_614 : vector<1x16xf32> to vector<16xf32>
          %max3A_616 = arith.maximumf %max3A_528, %get3A_615 : vector<16xf32>
          %add3A_617 = arith.constant 4 : i32
          %add3A_618 = arith.addi %add3A_255, %add3A_617 : i32
          %get3A_619 = arith.constant 0 : i32
          %get3A_620 = arith.constant 0 : i32
          %get3A_621 = tpu.memref_slice %arg7[%scan3A_84, %get3A_619, %get3A_620] : memref<2x128x128xf32, #tpu.memory_space<vmem>> -> memref<1x128x128xf32, #tpu.memory_space<vmem>>
          %get3A_622 = tpu.memref_squeeze %get3A_621 : memref<1x128x128xf32, #tpu.memory_space<vmem>> -> memref<128x128xf32, #tpu.memory_space<vmem>>
          %get3A_623 = arith.index_cast %add3A_618 : i32 to index
          %get3A_624 = arith.constant 16 : index
          %get3A_625 = tpu.vector_load %get3A_622[%get3A_623, %get3A_624] {strides = array<i32>} : memref<128x128xf32, #tpu.memory_space<vmem>>, vector<1x16xf32>,
          %get3A_626 = vector.shape_cast %get3A_625 : vector<1x16xf32> to vector<16xf32>
          %max3A_627 = arith.maximumf %max3A_539, %get3A_626 : vector<16xf32>
          %add3A_628 = arith.constant 4 : i32
          %add3A_629 = arith.addi %add3A_255, %add3A_628 : i32
          %get3A_630 = arith.constant 0 : i32
          %get3A_631 = arith.constant 0 : i32
          %get3A_632 = tpu.memref_slice %arg7[%scan3A_84, %get3A_630, %get3A_631] : memref<2x128x128xf32, #tpu.memory_space<vmem>> -> memref<1x128x128xf32, #tpu.memory_space<vmem>>
          %get3A_633 = tpu.memref_squeeze %get3A_632 : memref<1x128x128xf32, #tpu.memory_space<vmem>> -> memref<128x128xf32, #tpu.memory_space<vmem>>
          %get3A_634 = arith.index_cast %add3A_629 : i32 to index
          %get3A_635 = arith.constant 32 : index
          %get3A_636 = tpu.vector_load %get3A_633[%get3A_634, %get3A_635] {strides = array<i32>} : memref<128x128xf32, #tpu.memory_space<vmem>>, vector<1x16xf32>,
          %get3A_637 = vector.shape_cast %get3A_636 : vector<1x16xf32> to vector<16xf32>
          %max3A_638 = arith.maximumf %max3A_550, %get3A_637 : vector<16xf32>
          %add3A_639 = arith.constant 4 : i32
          %add3A_640 = arith.addi %add3A_255, %add3A_639 : i32
          %get3A_641 = arith.constant 0 : i32
          %get3A_642 = arith.constant 0 : i32
          %get3A_643 = tpu.memref_slice %arg7[%scan3A_84, %get3A_641, %get3A_642] : memref<2x128x128xf32, #tpu.memory_space<vmem>> -> memref<1x128x128xf32, #tpu.memory_space<vmem>>
          %get3A_644 = tpu.memref_squeeze %get3A_643 : memref<1x128x128xf32, #tpu.memory_space<vmem>> -> memref<128x128xf32, #tpu.memory_space<vmem>>
          %get3A_645 = arith.index_cast %add3A_640 : i32 to index
          %get3A_646 = arith.constant 48 : index
          %get3A_647 = tpu.vector_load %get3A_644[%get3A_645, %get3A_646] {strides = array<i32>} : memref<128x128xf32, #tpu.memory_space<vmem>>, vector<1x16xf32>,
          %get3A_648 = vector.shape_cast %get3A_647 : vector<1x16xf32> to vector<16xf32>
          %max3A_649 = arith.maximumf %max3A_561, %get3A_648 : vector<16xf32>
          %add3A_650 = arith.constant 4 : i32
          %add3A_651 = arith.addi %add3A_255, %add3A_650 : i32
          %get3A_652 = arith.constant 0 : i32
          %get3A_653 = arith.constant 0 : i32
          %get3A_654 = tpu.memref_slice %arg7[%scan3A_84, %get3A_652, %get3A_653] : memref<2x128x128xf32, #tpu.memory_space<vmem>> -> memref<1x128x128xf32, #tpu.memory_space<vmem>>
          %get3A_655 = tpu.memref_squeeze %get3A_654 : memref<1x128x128xf32, #tpu.memory_space<vmem>> -> memref<128x128xf32, #tpu.memory_space<vmem>>
          %get3A_656 = arith.index_cast %add3A_651 : i32 to index
          %get3A_657 = arith.constant 64 : index
          %get3A_658 = tpu.vector_load %get3A_655[%get3A_656, %get3A_657] {strides = array<i32>} : memref<128x128xf32, #tpu.memory_space<vmem>>, vector<1x16xf32>,
          %get3A_659 = vector.shape_cast %get3A_658 : vector<1x16xf32> to vector<16xf32>
          %max3A_660 = arith.maximumf %max3A_572, %get3A_659 : vector<16xf32>
          %add3A_661 = arith.constant 4 : i32
          %add3A_662 = arith.addi %add3A_255, %add3A_661 : i32
          %get3A_663 = arith.constant 0 : i32
          %get3A_664 = arith.constant 0 : i32
          %get3A_665 = tpu.memref_slice %arg7[%scan3A_84, %get3A_663, %get3A_664] : memref<2x128x128xf32, #tpu.memory_space<vmem>> -> memref<1x128x128xf32, #tpu.memory_space<vmem>>
          %get3A_666 = tpu.memref_squeeze %get3A_665 : memref<1x128x128xf32, #tpu.memory_space<vmem>> -> memref<128x128xf32, #tpu.memory_space<vmem>>
          %get3A_667 = arith.index_cast %add3A_662 : i32 to index
          %get3A_668 = arith.constant 80 : index
          %get3A_669 = tpu.vector_load %get3A_666[%get3A_667, %get3A_668] {strides = array<i32>} : memref<128x128xf32, #tpu.memory_space<vmem>>, vector<1x16xf32>,
          %get3A_670 = vector.shape_cast %get3A_669 : vector<1x16xf32> to vector<16xf32>
          %max3A_671 = arith.maximumf %max3A_583, %get3A_670 : vector<16xf32>
          %add3A_672 = arith.constant 4 : i32
          %add3A_673 = arith.addi %add3A_255, %add3A_672 : i32
          %get3A_674 = arith.constant 0 : i32
          %get3A_675 = arith.constant 0 : i32
          %get3A_676 = tpu.memref_slice %arg7[%scan3A_84, %get3A_674, %get3A_675] : memref<2x128x128xf32, #tpu.memory_space<vmem>> -> memref<1x128x128xf32, #tpu.memory_space<vmem>>
          %get3A_677 = tpu.memref_squeeze %get3A_676 : memref<1x128x128xf32, #tpu.memory_space<vmem>> -> memref<128x128xf32, #tpu.memory_space<vmem>>
          %get3A_678 = arith.index_cast %add3A_673 : i32 to index
          %get3A_679 = arith.constant 96 : index
          %get3A_680 = tpu.vector_load %get3A_677[%get3A_678, %get3A_679] {strides = array<i32>} : memref<128x128xf32, #tpu.memory_space<vmem>>, vector<1x16xf32>,
          %get3A_681 = vector.shape_cast %get3A_680 : vector<1x16xf32> to vector<16xf32>
          %max3A_682 = arith.maximumf %max3A_594, %get3A_681 : vector<16xf32>
          %add3A_683 = arith.constant 4 : i32
          %add3A_684 = arith.addi %add3A_255, %add3A_683 : i32
          %get3A_685 = arith.constant 0 : i32
          %get3A_686 = arith.constant 0 : i32
          %get3A_687 = tpu.memref_slice %arg7[%scan3A_84, %get3A_685, %get3A_686] : memref<2x128x128xf32, #tpu.memory_space<vmem>> -> memref<1x128x128xf32, #tpu.memory_space<vmem>>
          %get3A_688 = tpu.memref_squeeze %get3A_687 : memref<1x128x128xf32, #tpu.memory_space<vmem>> -> memref<128x128xf32, #tpu.memory_space<vmem>>
          %get3A_689 = arith.index_cast %add3A_684 : i32 to index
          %get3A_690 = arith.constant 112 : index
          %get3A_691 = tpu.vector_load %get3A_688[%get3A_689, %get3A_690] {strides = array<i32>} : memref<128x128xf32, #tpu.memory_space<vmem>>, vector<1x16xf32>,
          %get3A_692 = vector.shape_cast %get3A_691 : vector<1x16xf32> to vector<16xf32>
          %max3A_693 = arith.maximumf %max3A_605, %get3A_692 : vector<16xf32>
          %add3A_694 = arith.constant 5 : i32
          %add3A_695 = arith.addi %add3A_255, %add3A_694 : i32
          %get3A_696 = arith.constant 0 : i32
          %get3A_697 = arith.constant 0 : i32
          %get3A_698 = tpu.memref_slice %arg7[%scan3A_84, %get3A_696, %get3A_697] : memref<2x128x128xf32, #tpu.memory_space<vmem>> -> memref<1x128x128xf32, #tpu.memory_space<vmem>>
          %get3A_699 = tpu.memref_squeeze %get3A_698 : memref<1x128x128xf32, #tpu.memory_space<vmem>> -> memref<128x128xf32, #tpu.memory_space<vmem>>
          %get3A_700 = arith.index_cast %add3A_695 : i32 to index
          %get3A_701 = arith.constant 0 : index
          %get3A_702 = tpu.vector_load %get3A_699[%get3A_700, %get3A_701] {strides = array<i32>} : memref<128x128xf32, #tpu.memory_space<vmem>>, vector<1x16xf32>,
          %get3A_703 = vector.shape_cast %get3A_702 : vector<1x16xf32> to vector<16xf32>
          %max3A_704 = arith.maximumf %max3A_616, %get3A_703 : vector<16xf32>
          %add3A_705 = arith.constant 5 : i32
          %add3A_706 = arith.addi %add3A_255, %add3A_705 : i32
          %get3A_707 = arith.constant 0 : i32
          %get3A_708 = arith.constant 0 : i32
          %get3A_709 = tpu.memref_slice %arg7[%scan3A_84, %get3A_707, %get3A_708] : memref<2x128x128xf32, #tpu.memory_space<vmem>> -> memref<1x128x128xf32, #tpu.memory_space<vmem>>
          %get3A_710 = tpu.memref_squeeze %get3A_709 : memref<1x128x128xf32, #tpu.memory_space<vmem>> -> memref<128x128xf32, #tpu.memory_space<vmem>>
          %get3A_711 = arith.index_cast %add3A_706 : i32 to index
          %get3A_712 = arith.constant 16 : index
          %get3A_713 = tpu.vector_load %get3A_710[%get3A_711, %get3A_712] {strides = array<i32>} : memref<128x128xf32, #tpu.memory_space<vmem>>, vector<1x16xf32>,
          %get3A_714 = vector.shape_cast %get3A_713 : vector<1x16xf32> to vector<16xf32>
          %max3A_715 = arith.maximumf %max3A_627, %get3A_714 : vector<16xf32>
          %add3A_716 = arith.constant 5 : i32
          %add3A_717 = arith.addi %add3A_255, %add3A_716 : i32
          %get3A_718 = arith.constant 0 : i32
          %get3A_719 = arith.constant 0 : i32
          %get3A_720 = tpu.memref_slice %arg7[%scan3A_84, %get3A_718, %get3A_719] : memref<2x128x128xf32, #tpu.memory_space<vmem>> -> memref<1x128x128xf32, #tpu.memory_space<vmem>>
          %get3A_721 = tpu.memref_squeeze %get3A_720 : memref<1x128x128xf32, #tpu.memory_space<vmem>> -> memref<128x128xf32, #tpu.memory_space<vmem>>
          %get3A_722 = arith.index_cast %add3A_717 : i32 to index
          %get3A_723 = arith.constant 32 : index
          %get3A_724 = tpu.vector_load %get3A_721[%get3A_722, %get3A_723] {strides = array<i32>} : memref<128x128xf32, #tpu.memory_space<vmem>>, vector<1x16xf32>,
          %get3A_725 = vector.shape_cast %get3A_724 : vector<1x16xf32> to vector<16xf32>
          %max3A_726 = arith.maximumf %max3A_638, %get3A_725 : vector<16xf32>
          %add3A_727 = arith.constant 5 : i32
          %add3A_728 = arith.addi %add3A_255, %add3A_727 : i32
          %get3A_729 = arith.constant 0 : i32
          %get3A_730 = arith.constant 0 : i32
          %get3A_731 = tpu.memref_slice %arg7[%scan3A_84, %get3A_729, %get3A_730] : memref<2x128x128xf32, #tpu.memory_space<vmem>> -> memref<1x128x128xf32, #tpu.memory_space<vmem>>
          %get3A_732 = tpu.memref_squeeze %get3A_731 : memref<1x128x128xf32, #tpu.memory_space<vmem>> -> memref<128x128xf32, #tpu.memory_space<vmem>>
          %get3A_733 = arith.index_cast %add3A_728 : i32 to index
          %get3A_734 = arith.constant 48 : index
          %get3A_735 = tpu.vector_load %get3A_732[%get3A_733, %get3A_734] {strides = array<i32>} : memref<128x128xf32, #tpu.memory_space<vmem>>, vector<1x16xf32>,
          %get3A_736 = vector.shape_cast %get3A_735 : vector<1x16xf32> to vector<16xf32>
          %max3A_737 = arith.maximumf %max3A_649, %get3A_736 : vector<16xf32>
          %add3A_738 = arith.constant 5 : i32
          %add3A_739 = arith.addi %add3A_255, %add3A_738 : i32
          %get3A_740 = arith.constant 0 : i32
          %get3A_741 = arith.constant 0 : i32
          %get3A_742 = tpu.memref_slice %arg7[%scan3A_84, %get3A_740, %get3A_741] : memref<2x128x128xf32, #tpu.memory_space<vmem>> -> memref<1x128x128xf32, #tpu.memory_space<vmem>>
          %get3A_743 = tpu.memref_squeeze %get3A_742 : memref<1x128x128xf32, #tpu.memory_space<vmem>> -> memref<128x128xf32, #tpu.memory_space<vmem>>
          %get3A_744 = arith.index_cast %add3A_739 : i32 to index
          %get3A_745 = arith.constant 64 : index
          %get3A_746 = tpu.vector_load %get3A_743[%get3A_744, %get3A_745] {strides = array<i32>} : memref<128x128xf32, #tpu.memory_space<vmem>>, vector<1x16xf32>,
          %get3A_747 = vector.shape_cast %get3A_746 : vector<1x16xf32> to vector<16xf32>
          %max3A_748 = arith.maximumf %max3A_660, %get3A_747 : vector<16xf32>
          %add3A_749 = arith.constant 5 : i32
          %add3A_750 = arith.addi %add3A_255, %add3A_749 : i32
          %get3A_751 = arith.constant 0 : i32
          %get3A_752 = arith.constant 0 : i32
          %get3A_753 = tpu.memref_slice %arg7[%scan3A_84, %get3A_751, %get3A_752] : memref<2x128x128xf32, #tpu.memory_space<vmem>> -> memref<1x128x128xf32, #tpu.memory_space<vmem>>
          %get3A_754 = tpu.memref_squeeze %get3A_753 : memref<1x128x128xf32, #tpu.memory_space<vmem>> -> memref<128x128xf32, #tpu.memory_space<vmem>>
          %get3A_755 = arith.index_cast %add3A_750 : i32 to index
          %get3A_756 = arith.constant 80 : index
          %get3A_757 = tpu.vector_load %get3A_754[%get3A_755, %get3A_756] {strides = array<i32>} : memref<128x128xf32, #tpu.memory_space<vmem>>, vector<1x16xf32>,
          %get3A_758 = vector.shape_cast %get3A_757 : vector<1x16xf32> to vector<16xf32>
          %max3A_759 = arith.maximumf %max3A_671, %get3A_758 : vector<16xf32>
          %add3A_760 = arith.constant 5 : i32
          %add3A_761 = arith.addi %add3A_255, %add3A_760 : i32
          %get3A_762 = arith.constant 0 : i32
          %get3A_763 = arith.constant 0 : i32
          %get3A_764 = tpu.memref_slice %arg7[%scan3A_84, %get3A_762, %get3A_763] : memref<2x128x128xf32, #tpu.memory_space<vmem>> -> memref<1x128x128xf32, #tpu.memory_space<vmem>>
          %get3A_765 = tpu.memref_squeeze %get3A_764 : memref<1x128x128xf32, #tpu.memory_space<vmem>> -> memref<128x128xf32, #tpu.memory_space<vmem>>
          %get3A_766 = arith.index_cast %add3A_761 : i32 to index
          %get3A_767 = arith.constant 96 : index
          %get3A_768 = tpu.vector_load %get3A_765[%get3A_766, %get3A_767] {strides = array<i32>} : memref<128x128xf32, #tpu.memory_space<vmem>>, vector<1x16xf32>,
          %get3A_769 = vector.shape_cast %get3A_768 : vector<1x16xf32> to vector<16xf32>
          %max3A_770 = arith.maximumf %max3A_682, %get3A_769 : vector<16xf32>
          %add3A_771 = arith.constant 5 : i32
          %add3A_772 = arith.addi %add3A_255, %add3A_771 : i32
          %get3A_773 = arith.constant 0 : i32
          %get3A_774 = arith.constant 0 : i32
          %get3A_775 = tpu.memref_slice %arg7[%scan3A_84, %get3A_773, %get3A_774] : memref<2x128x128xf32, #tpu.memory_space<vmem>> -> memref<1x128x128xf32, #tpu.memory_space<vmem>>
          %get3A_776 = tpu.memref_squeeze %get3A_775 : memref<1x128x128xf32, #tpu.memory_space<vmem>> -> memref<128x128xf32, #tpu.memory_space<vmem>>
          %get3A_777 = arith.index_cast %add3A_772 : i32 to index
          %get3A_778 = arith.constant 112 : index
          %get3A_779 = tpu.vector_load %get3A_776[%get3A_777, %get3A_778] {strides = array<i32>} : memref<128x128xf32, #tpu.memory_space<vmem>>, vector<1x16xf32>,
          %get3A_780 = vector.shape_cast %get3A_779 : vector<1x16xf32> to vector<16xf32>
          %max3A_781 = arith.maximumf %max3A_693, %get3A_780 : vector<16xf32>
          %add3A_782 = arith.constant 6 : i32
          %add3A_783 = arith.addi %add3A_255, %add3A_782 : i32
          %get3A_784 = arith.constant 0 : i32
          %get3A_785 = arith.constant 0 : i32
          %get3A_786 = tpu.memref_slice %arg7[%scan3A_84, %get3A_784, %get3A_785] : memref<2x128x128xf32, #tpu.memory_space<vmem>> -> memref<1x128x128xf32, #tpu.memory_space<vmem>>
          %get3A_787 = tpu.memref_squeeze %get3A_786 : memref<1x128x128xf32, #tpu.memory_space<vmem>> -> memref<128x128xf32, #tpu.memory_space<vmem>>
          %get3A_788 = arith.index_cast %add3A_783 : i32 to index
          %get3A_789 = arith.constant 0 : index
          %get3A_790 = tpu.vector_load %get3A_787[%get3A_788, %get3A_789] {strides = array<i32>} : memref<128x128xf32, #tpu.memory_space<vmem>>, vector<1x16xf32>,
          %get3A_791 = vector.shape_cast %get3A_790 : vector<1x16xf32> to vector<16xf32>
          %max3A_792 = arith.maximumf %max3A_704, %get3A_791 : vector<16xf32>
          %add3A_793 = arith.constant 6 : i32
          %add3A_794 = arith.addi %add3A_255, %add3A_793 : i32
          %get3A_795 = arith.constant 0 : i32
          %get3A_796 = arith.constant 0 : i32
          %get3A_797 = tpu.memref_slice %arg7[%scan3A_84, %get3A_795, %get3A_796] : memref<2x128x128xf32, #tpu.memory_space<vmem>> -> memref<1x128x128xf32, #tpu.memory_space<vmem>>
          %get3A_798 = tpu.memref_squeeze %get3A_797 : memref<1x128x128xf32, #tpu.memory_space<vmem>> -> memref<128x128xf32, #tpu.memory_space<vmem>>
          %get3A_799 = arith.index_cast %add3A_794 : i32 to index
          %get3A_800 = arith.constant 16 : index
          %get3A_801 = tpu.vector_load %get3A_798[%get3A_799, %get3A_800] {strides = array<i32>} : memref<128x128xf32, #tpu.memory_space<vmem>>, vector<1x16xf32>,
          %get3A_802 = vector.shape_cast %get3A_801 : vector<1x16xf32> to vector<16xf32>
          %max3A_803 = arith.maximumf %max3A_715, %get3A_802 : vector<16xf32>
          %add3A_804 = arith.constant 6 : i32
          %add3A_805 = arith.addi %add3A_255, %add3A_804 : i32
          %get3A_806 = arith.constant 0 : i32
          %get3A_807 = arith.constant 0 : i32
          %get3A_808 = tpu.memref_slice %arg7[%scan3A_84, %get3A_806, %get3A_807] : memref<2x128x128xf32, #tpu.memory_space<vmem>> -> memref<1x128x128xf32, #tpu.memory_space<vmem>>
          %get3A_809 = tpu.memref_squeeze %get3A_808 : memref<1x128x128xf32, #tpu.memory_space<vmem>> -> memref<128x128xf32, #tpu.memory_space<vmem>>
          %get3A_810 = arith.index_cast %add3A_805 : i32 to index
          %get3A_811 = arith.constant 32 : index
          %get3A_812 = tpu.vector_load %get3A_809[%get3A_810, %get3A_811] {strides = array<i32>} : memref<128x128xf32, #tpu.memory_space<vmem>>, vector<1x16xf32>,
          %get3A_813 = vector.shape_cast %get3A_812 : vector<1x16xf32> to vector<16xf32>
          %max3A_814 = arith.maximumf %max3A_726, %get3A_813 : vector<16xf32>
          %add3A_815 = arith.constant 6 : i32
          %add3A_816 = arith.addi %add3A_255, %add3A_815 : i32
          %get3A_817 = arith.constant 0 : i32
          %get3A_818 = arith.constant 0 : i32
          %get3A_819 = tpu.memref_slice %arg7[%scan3A_84, %get3A_817, %get3A_818] : memref<2x128x128xf32, #tpu.memory_space<vmem>> -> memref<1x128x128xf32, #tpu.memory_space<vmem>>
          %get3A_820 = tpu.memref_squeeze %get3A_819 : memref<1x128x128xf32, #tpu.memory_space<vmem>> -> memref<128x128xf32, #tpu.memory_space<vmem>>
          %get3A_821 = arith.index_cast %add3A_816 : i32 to index
          %get3A_822 = arith.constant 48 : index
          %get3A_823 = tpu.vector_load %get3A_820[%get3A_821, %get3A_822] {strides = array<i32>} : memref<128x128xf32, #tpu.memory_space<vmem>>, vector<1x16xf32>,
          %get3A_824 = vector.shape_cast %get3A_823 : vector<1x16xf32> to vector<16xf32>
          %max3A_825 = arith.maximumf %max3A_737, %get3A_824 : vector<16xf32>
          %add3A_826 = arith.constant 6 : i32
          %add3A_827 = arith.addi %add3A_255, %add3A_826 : i32
          %get3A_828 = arith.constant 0 : i32
          %get3A_829 = arith.constant 0 : i32
          %get3A_830 = tpu.memref_slice %arg7[%scan3A_84, %get3A_828, %get3A_829] : memref<2x128x128xf32, #tpu.memory_space<vmem>> -> memref<1x128x128xf32, #tpu.memory_space<vmem>>
          %get3A_831 = tpu.memref_squeeze %get3A_830 : memref<1x128x128xf32, #tpu.memory_space<vmem>> -> memref<128x128xf32, #tpu.memory_space<vmem>>
          %get3A_832 = arith.index_cast %add3A_827 : i32 to index
          %get3A_833 = arith.constant 64 : index
          %get3A_834 = tpu.vector_load %get3A_831[%get3A_832, %get3A_833] {strides = array<i32>} : memref<128x128xf32, #tpu.memory_space<vmem>>, vector<1x16xf32>,
          %get3A_835 = vector.shape_cast %get3A_834 : vector<1x16xf32> to vector<16xf32>
          %max3A_836 = arith.maximumf %max3A_748, %get3A_835 : vector<16xf32>
          %add3A_837 = arith.constant 6 : i32
          %add3A_838 = arith.addi %add3A_255, %add3A_837 : i32
          %get3A_839 = arith.constant 0 : i32
          %get3A_840 = arith.constant 0 : i32
          %get3A_841 = tpu.memref_slice %arg7[%scan3A_84, %get3A_839, %get3A_840] : memref<2x128x128xf32, #tpu.memory_space<vmem>> -> memref<1x128x128xf32, #tpu.memory_space<vmem>>
          %get3A_842 = tpu.memref_squeeze %get3A_841 : memref<1x128x128xf32, #tpu.memory_space<vmem>> -> memref<128x128xf32, #tpu.memory_space<vmem>>
          %get3A_843 = arith.index_cast %add3A_838 : i32 to index
          %get3A_844 = arith.constant 80 : index
          %get3A_845 = tpu.vector_load %get3A_842[%get3A_843, %get3A_844] {strides = array<i32>} : memref<128x128xf32, #tpu.memory_space<vmem>>, vector<1x16xf32>,
          %get3A_846 = vector.shape_cast %get3A_845 : vector<1x16xf32> to vector<16xf32>
          %max3A_847 = arith.maximumf %max3A_759, %get3A_846 : vector<16xf32>
          %add3A_848 = arith.constant 6 : i32
          %add3A_849 = arith.addi %add3A_255, %add3A_848 : i32
          %get3A_850 = arith.constant 0 : i32
          %get3A_851 = arith.constant 0 : i32
          %get3A_852 = tpu.memref_slice %arg7[%scan3A_84, %get3A_850, %get3A_851] : memref<2x128x128xf32, #tpu.memory_space<vmem>> -> memref<1x128x128xf32, #tpu.memory_space<vmem>>
          %get3A_853 = tpu.memref_squeeze %get3A_852 : memref<1x128x128xf32, #tpu.memory_space<vmem>> -> memref<128x128xf32, #tpu.memory_space<vmem>>
          %get3A_854 = arith.index_cast %add3A_849 : i32 to index
          %get3A_855 = arith.constant 96 : index
          %get3A_856 = tpu.vector_load %get3A_853[%get3A_854, %get3A_855] {strides = array<i32>} : memref<128x128xf32, #tpu.memory_space<vmem>>, vector<1x16xf32>,
          %get3A_857 = vector.shape_cast %get3A_856 : vector<1x16xf32> to vector<16xf32>
          %max3A_858 = arith.maximumf %max3A_770, %get3A_857 : vector<16xf32>
          %add3A_859 = arith.constant 6 : i32
          %add3A_860 = arith.addi %add3A_255, %add3A_859 : i32
          %get3A_861 = arith.constant 0 : i32
          %get3A_862 = arith.constant 0 : i32
          %get3A_863 = tpu.memref_slice %arg7[%scan3A_84, %get3A_861, %get3A_862] : memref<2x128x128xf32, #tpu.memory_space<vmem>> -> memref<1x128x128xf32, #tpu.memory_space<vmem>>
          %get3A_864 = tpu.memref_squeeze %get3A_863 : memref<1x128x128xf32, #tpu.memory_space<vmem>> -> memref<128x128xf32, #tpu.memory_space<vmem>>
          %get3A_865 = arith.index_cast %add3A_860 : i32 to index
          %get3A_866 = arith.constant 112 : index
          %get3A_867 = tpu.vector_load %get3A_864[%get3A_865, %get3A_866] {strides = array<i32>} : memref<128x128xf32, #tpu.memory_space<vmem>>, vector<1x16xf32>,
          %get3A_868 = vector.shape_cast %get3A_867 : vector<1x16xf32> to vector<16xf32>
          %max3A_869 = arith.maximumf %max3A_781, %get3A_868 : vector<16xf32>
          %add3A_870 = arith.constant 7 : i32
          %add3A_871 = arith.addi %add3A_255, %add3A_870 : i32
          %get3A_872 = arith.constant 0 : i32
          %get3A_873 = arith.constant 0 : i32
          %get3A_874 = tpu.memref_slice %arg7[%scan3A_84, %get3A_872, %get3A_873] : memref<2x128x128xf32, #tpu.memory_space<vmem>> -> memref<1x128x128xf32, #tpu.memory_space<vmem>>
          %get3A_875 = tpu.memref_squeeze %get3A_874 : memref<1x128x128xf32, #tpu.memory_space<vmem>> -> memref<128x128xf32, #tpu.memory_space<vmem>>
          %get3A_876 = arith.index_cast %add3A_871 : i32 to index
          %get3A_877 = arith.constant 0 : index
          %get3A_878 = tpu.vector_load %get3A_875[%get3A_876, %get3A_877] {strides = array<i32>} : memref<128x128xf32, #tpu.memory_space<vmem>>, vector<1x16xf32>,
          %get3A_879 = vector.shape_cast %get3A_878 : vector<1x16xf32> to vector<16xf32>
          %max3A_880 = arith.maximumf %max3A_792, %get3A_879 : vector<16xf32>
          %add3A_881 = arith.constant 7 : i32
          %add3A_882 = arith.addi %add3A_255, %add3A_881 : i32
          %get3A_883 = arith.constant 0 : i32
          %get3A_884 = arith.constant 0 : i32
          %get3A_885 = tpu.memref_slice %arg7[%scan3A_84, %get3A_883, %get3A_884] : memref<2x128x128xf32, #tpu.memory_space<vmem>> -> memref<1x128x128xf32, #tpu.memory_space<vmem>>
          %get3A_886 = tpu.memref_squeeze %get3A_885 : memref<1x128x128xf32, #tpu.memory_space<vmem>> -> memref<128x128xf32, #tpu.memory_space<vmem>>
          %get3A_887 = arith.index_cast %add3A_882 : i32 to index
          %get3A_888 = arith.constant 16 : index
          %get3A_889 = tpu.vector_load %get3A_886[%get3A_887, %get3A_888] {strides = array<i32>} : memref<128x128xf32, #tpu.memory_space<vmem>>, vector<1x16xf32>,
          %get3A_890 = vector.shape_cast %get3A_889 : vector<1x16xf32> to vector<16xf32>
          %max3A_891 = arith.maximumf %max3A_803, %get3A_890 : vector<16xf32>
          %add3A_892 = arith.constant 7 : i32
          %add3A_893 = arith.addi %add3A_255, %add3A_892 : i32
          %get3A_894 = arith.constant 0 : i32
          %get3A_895 = arith.constant 0 : i32
          %get3A_896 = tpu.memref_slice %arg7[%scan3A_84, %get3A_894, %get3A_895] : memref<2x128x128xf32, #tpu.memory_space<vmem>> -> memref<1x128x128xf32, #tpu.memory_space<vmem>>
          %get3A_897 = tpu.memref_squeeze %get3A_896 : memref<1x128x128xf32, #tpu.memory_space<vmem>> -> memref<128x128xf32, #tpu.memory_space<vmem>>
          %get3A_898 = arith.index_cast %add3A_893 : i32 to index
          %get3A_899 = arith.constant 32 : index
          %get3A_900 = tpu.vector_load %get3A_897[%get3A_898, %get3A_899] {strides = array<i32>} : memref<128x128xf32, #tpu.memory_space<vmem>>, vector<1x16xf32>,
          %get3A_901 = vector.shape_cast %get3A_900 : vector<1x16xf32> to vector<16xf32>
          %max3A_902 = arith.maximumf %max3A_814, %get3A_901 : vector<16xf32>
          %add3A_903 = arith.constant 7 : i32
          %add3A_904 = arith.addi %add3A_255, %add3A_903 : i32
          %get3A_905 = arith.constant 0 : i32
          %get3A_906 = arith.constant 0 : i32
          %get3A_907 = tpu.memref_slice %arg7[%scan3A_84, %get3A_905, %get3A_906] : memref<2x128x128xf32, #tpu.memory_space<vmem>> -> memref<1x128x128xf32, #tpu.memory_space<vmem>>
          %get3A_908 = tpu.memref_squeeze %get3A_907 : memref<1x128x128xf32, #tpu.memory_space<vmem>> -> memref<128x128xf32, #tpu.memory_space<vmem>>
          %get3A_909 = arith.index_cast %add3A_904 : i32 to index
          %get3A_910 = arith.constant 48 : index
          %get3A_911 = tpu.vector_load %get3A_908[%get3A_909, %get3A_910] {strides = array<i32>} : memref<128x128xf32, #tpu.memory_space<vmem>>, vector<1x16xf32>,
          %get3A_912 = vector.shape_cast %get3A_911 : vector<1x16xf32> to vector<16xf32>
          %max3A_913 = arith.maximumf %max3A_825, %get3A_912 : vector<16xf32>
          %add3A_914 = arith.constant 7 : i32
          %add3A_915 = arith.addi %add3A_255, %add3A_914 : i32
          %get3A_916 = arith.constant 0 : i32
          %get3A_917 = arith.constant 0 : i32
          %get3A_918 = tpu.memref_slice %arg7[%scan3A_84, %get3A_916, %get3A_917] : memref<2x128x128xf32, #tpu.memory_space<vmem>> -> memref<1x128x128xf32, #tpu.memory_space<vmem>>
          %get3A_919 = tpu.memref_squeeze %get3A_918 : memref<1x128x128xf32, #tpu.memory_space<vmem>> -> memref<128x128xf32, #tpu.memory_space<vmem>>
          %get3A_920 = arith.index_cast %add3A_915 : i32 to index
          %get3A_921 = arith.constant 64 : index
          %get3A_922 = tpu.vector_load %get3A_919[%get3A_920, %get3A_921] {strides = array<i32>} : memref<128x128xf32, #tpu.memory_space<vmem>>, vector<1x16xf32>,
          %get3A_923 = vector.shape_cast %get3A_922 : vector<1x16xf32> to vector<16xf32>
          %max3A_924 = arith.maximumf %max3A_836, %get3A_923 : vector<16xf32>
          %add3A_925 = arith.constant 7 : i32
          %add3A_926 = arith.addi %add3A_255, %add3A_925 : i32
          %get3A_927 = arith.constant 0 : i32
          %get3A_928 = arith.constant 0 : i32
          %get3A_929 = tpu.memref_slice %arg7[%scan3A_84, %get3A_927, %get3A_928] : memref<2x128x128xf32, #tpu.memory_space<vmem>> -> memref<1x128x128xf32, #tpu.memory_space<vmem>>
          %get3A_930 = tpu.memref_squeeze %get3A_929 : memref<1x128x128xf32, #tpu.memory_space<vmem>> -> memref<128x128xf32, #tpu.memory_space<vmem>>
          %get3A_931 = arith.index_cast %add3A_926 : i32 to index
          %get3A_932 = arith.constant 80 : index
          %get3A_933 = tpu.vector_load %get3A_930[%get3A_931, %get3A_932] {strides = array<i32>} : memref<128x128xf32, #tpu.memory_space<vmem>>, vector<1x16xf32>,
          %get3A_934 = vector.shape_cast %get3A_933 : vector<1x16xf32> to vector<16xf32>
          %max3A_935 = arith.maximumf %max3A_847, %get3A_934 : vector<16xf32>
          %add3A_936 = arith.constant 7 : i32
          %add3A_937 = arith.addi %add3A_255, %add3A_936 : i32
          %get3A_938 = arith.constant 0 : i32
          %get3A_939 = arith.constant 0 : i32
          %get3A_940 = tpu.memref_slice %arg7[%scan3A_84, %get3A_938, %get3A_939] : memref<2x128x128xf32, #tpu.memory_space<vmem>> -> memref<1x128x128xf32, #tpu.memory_space<vmem>>
          %get3A_941 = tpu.memref_squeeze %get3A_940 : memref<1x128x128xf32, #tpu.memory_space<vmem>> -> memref<128x128xf32, #tpu.memory_space<vmem>>
          %get3A_942 = arith.index_cast %add3A_937 : i32 to index
          %get3A_943 = arith.constant 96 : index
          %get3A_944 = tpu.vector_load %get3A_941[%get3A_942, %get3A_943] {strides = array<i32>} : memref<128x128xf32, #tpu.memory_space<vmem>>, vector<1x16xf32>,
          %get3A_945 = vector.shape_cast %get3A_944 : vector<1x16xf32> to vector<16xf32>
          %max3A_946 = arith.maximumf %max3A_858, %get3A_945 : vector<16xf32>
          %add3A_947 = arith.constant 7 : i32
          %add3A_948 = arith.addi %add3A_255, %add3A_947 : i32
          %get3A_949 = arith.constant 0 : i32
          %get3A_950 = arith.constant 0 : i32
          %get3A_951 = tpu.memref_slice %arg7[%scan3A_84, %get3A_949, %get3A_950] : memref<2x128x128xf32, #tpu.memory_space<vmem>> -> memref<1x128x128xf32, #tpu.memory_space<vmem>>
          %get3A_952 = tpu.memref_squeeze %get3A_951 : memref<1x128x128xf32, #tpu.memory_space<vmem>> -> memref<128x128xf32, #tpu.memory_space<vmem>>
          %get3A_953 = arith.index_cast %add3A_948 : i32 to index
          %get3A_954 = arith.constant 112 : index
          %get3A_955 = tpu.vector_load %get3A_952[%get3A_953, %get3A_954] {strides = array<i32>} : memref<128x128xf32, #tpu.memory_space<vmem>>, vector<1x16xf32>,
          %get3A_956 = vector.shape_cast %get3A_955 : vector<1x16xf32> to vector<16xf32>
          %max3A_957 = arith.maximumf %max3A_869, %get3A_956 : vector<16xf32>
          scf.yield %max3A_880, %max3A_891, %max3A_902, %max3A_913, %max3A_924, %max3A_935, %max3A_946, %max3A_957 : vector<16xf32>, vector<16xf32>, vector<16xf32>, vector<16xf32>, vector<16xf32>, vector<16xf32>, vector<16xf32>, vector<16xf32>
        }
        %scan3A_172 = arith.constant 4 : i32
        %swap3A = arith.constant 0 : i32
        %swap3A_173 = arith.constant 0 : i32
        %swap3A_174 = tpu.memref_slice %arg8[%scan3A_85, %swap3A, %swap3A_173] : memref<2x4x128xf32, #tpu.memory_space<vmem>> -> memref<1x4x128xf32, #tpu.memory_space<vmem>>
        %swap3A_175 = tpu.memref_squeeze %swap3A_174 : memref<1x4x128xf32, #tpu.memory_space<vmem>> -> memref<4x128xf32, #tpu.memory_space<vmem>>
        %swap3A_176 = arith.index_cast %scan3A_164 : i32 to index
        %swap3A_177 = arith.constant 0 : index
        %swap3A_178 = tpu.vector_load %swap3A_175[%swap3A_176, %swap3A_177] {strides = array<i32>} : memref<4x128xf32, #tpu.memory_space<vmem>>, vector<1x16xf32>,
        %swap3A_179 = vector.shape_cast %swap3A_178 : vector<1x16xf32> to vector<16xf32>
        %swap3A_180 = vector.shape_cast %scan3A_171#0 : vector<16xf32> to vector<1x16xf32>
        tpu.vector_store %swap3A_175[%swap3A_176, %swap3A_177], %swap3A_180 {strides = array<i32>} : memref<4x128xf32, #tpu.memory_space<vmem>>, vector<1x16xf32>,
        %swap3A_181 = arith.constant 0 : i32
        %swap3A_182 = arith.constant 0 : i32
        %swap3A_183 = tpu.memref_slice %arg8[%scan3A_85, %swap3A_181, %swap3A_182] : memref<2x4x128xf32, #tpu.memory_space<vmem>> -> memref<1x4x128xf32, #tpu.memory_space<vmem>>
        %swap3A_184 = tpu.memref_squeeze %swap3A_183 : memref<1x4x128xf32, #tpu.memory_space<vmem>> -> memref<4x128xf32, #tpu.memory_space<vmem>>
        %swap3A_185 = arith.index_cast %scan3A_164 : i32 to index
        %swap3A_186 = arith.constant 16 : index
        %swap3A_187 = tpu.vector_load %swap3A_184[%swap3A_185, %swap3A_186] {strides = array<i32>} : memref<4x128xf32, #tpu.memory_space<vmem>>, vector<1x16xf32>,
        %swap3A_188 = vector.shape_cast %swap3A_187 : vector<1x16xf32> to vector<16xf32>
        %swap3A_189 = vector.shape_cast %scan3A_171#1 : vector<16xf32> to vector<1x16xf32>
        tpu.vector_store %swap3A_184[%swap3A_185, %swap3A_186], %swap3A_189 {strides = array<i32>} : memref<4x128xf32, #tpu.memory_space<vmem>>, vector<1x16xf32>,
        %swap3A_190 = arith.constant 0 : i32
        %swap3A_191 = arith.constant 0 : i32
        %swap3A_192 = tpu.memref_slice %arg8[%scan3A_85, %swap3A_190, %swap3A_191] : memref<2x4x128xf32, #tpu.memory_space<vmem>> -> memref<1x4x128xf32, #tpu.memory_space<vmem>>
        %swap3A_193 = tpu.memref_squeeze %swap3A_192 : memref<1x4x128xf32, #tpu.memory_space<vmem>> -> memref<4x128xf32, #tpu.memory_space<vmem>>
        %swap3A_194 = arith.index_cast %scan3A_164 : i32 to index
        %swap3A_195 = arith.constant 32 : index
        %swap3A_196 = tpu.vector_load %swap3A_193[%swap3A_194, %swap3A_195] {strides = array<i32>} : memref<4x128xf32, #tpu.memory_space<vmem>>, vector<1x16xf32>,
        %swap3A_197 = vector.shape_cast %swap3A_196 : vector<1x16xf32> to vector<16xf32>
        %swap3A_198 = vector.shape_cast %scan3A_171#2 : vector<16xf32> to vector<1x16xf32>
        tpu.vector_store %swap3A_193[%swap3A_194, %swap3A_195], %swap3A_198 {strides = array<i32>} : memref<4x128xf32, #tpu.memory_space<vmem>>, vector<1x16xf32>,
        %swap3A_199 = arith.constant 0 : i32
        %swap3A_200 = arith.constant 0 : i32
        %swap3A_201 = tpu.memref_slice %arg8[%scan3A_85, %swap3A_199, %swap3A_200] : memref<2x4x128xf32, #tpu.memory_space<vmem>> -> memref<1x4x128xf32, #tpu.memory_space<vmem>>
        %swap3A_202 = tpu.memref_squeeze %swap3A_201 : memref<1x4x128xf32, #tpu.memory_space<vmem>> -> memref<4x128xf32, #tpu.memory_space<vmem>>
        %swap3A_203 = arith.index_cast %scan3A_164 : i32 to index
        %swap3A_204 = arith.constant 48 : index
        %swap3A_205 = tpu.vector_load %swap3A_202[%swap3A_203, %swap3A_204] {strides = array<i32>} : memref<4x128xf32, #tpu.memory_space<vmem>>, vector<1x16xf32>,
        %swap3A_206 = vector.shape_cast %swap3A_205 : vector<1x16xf32> to vector<16xf32>
        %swap3A_207 = vector.shape_cast %scan3A_171#3 : vector<16xf32> to vector<1x16xf32>
        tpu.vector_store %swap3A_202[%swap3A_203, %swap3A_204], %swap3A_207 {strides = array<i32>} : memref<4x128xf32, #tpu.memory_space<vmem>>, vector<1x16xf32>,
        %swap3A_208 = arith.constant 0 : i32
        %swap3A_209 = arith.constant 0 : i32
        %swap3A_210 = tpu.memref_slice %arg8[%scan3A_85, %swap3A_208, %swap3A_209] : memref<2x4x128xf32, #tpu.memory_space<vmem>> -> memref<1x4x128xf32, #tpu.memory_space<vmem>>
        %swap3A_211 = tpu.memref_squeeze %swap3A_210 : memref<1x4x128xf32, #tpu.memory_space<vmem>> -> memref<4x128xf32, #tpu.memory_space<vmem>>
        %swap3A_212 = arith.index_cast %scan3A_164 : i32 to index
        %swap3A_213 = arith.constant 64 : index
        %swap3A_214 = tpu.vector_load %swap3A_211[%swap3A_212, %swap3A_213] {strides = array<i32>} : memref<4x128xf32, #tpu.memory_space<vmem>>, vector<1x16xf32>,
        %swap3A_215 = vector.shape_cast %swap3A_214 : vector<1x16xf32> to vector<16xf32>
        %swap3A_216 = vector.shape_cast %scan3A_171#4 : vector<16xf32> to vector<1x16xf32>
        tpu.vector_store %swap3A_211[%swap3A_212, %swap3A_213], %swap3A_216 {strides = array<i32>} : memref<4x128xf32, #tpu.memory_space<vmem>>, vector<1x16xf32>,
        %swap3A_217 = arith.constant 0 : i32
        %swap3A_218 = arith.constant 0 : i32
        %swap3A_219 = tpu.memref_slice %arg8[%scan3A_85, %swap3A_217, %swap3A_218] : memref<2x4x128xf32, #tpu.memory_space<vmem>> -> memref<1x4x128xf32, #tpu.memory_space<vmem>>
        %swap3A_220 = tpu.memref_squeeze %swap3A_219 : memref<1x4x128xf32, #tpu.memory_space<vmem>> -> memref<4x128xf32, #tpu.memory_space<vmem>>
        %swap3A_221 = arith.index_cast %scan3A_164 : i32 to index
        %swap3A_222 = arith.constant 80 : index
        %swap3A_223 = tpu.vector_load %swap3A_220[%swap3A_221, %swap3A_222] {strides = array<i32>} : memref<4x128xf32, #tpu.memory_space<vmem>>, vector<1x16xf32>,
        %swap3A_224 = vector.shape_cast %swap3A_223 : vector<1x16xf32> to vector<16xf32>
        %swap3A_225 = vector.shape_cast %scan3A_171#5 : vector<16xf32> to vector<1x16xf32>
        tpu.vector_store %swap3A_220[%swap3A_221, %swap3A_222], %swap3A_225 {strides = array<i32>} : memref<4x128xf32, #tpu.memory_space<vmem>>, vector<1x16xf32>,
        %swap3A_226 = arith.constant 0 : i32
        %swap3A_227 = arith.constant 0 : i32
        %swap3A_228 = tpu.memref_slice %arg8[%scan3A_85, %swap3A_226, %swap3A_227] : memref<2x4x128xf32, #tpu.memory_space<vmem>> -> memref<1x4x128xf32, #tpu.memory_space<vmem>>
        %swap3A_229 = tpu.memref_squeeze %swap3A_228 : memref<1x4x128xf32, #tpu.memory_space<vmem>> -> memref<4x128xf32, #tpu.memory_space<vmem>>
        %swap3A_230 = arith.index_cast %scan3A_164 : i32 to index
        %swap3A_231 = arith.constant 96 : index
        %swap3A_232 = tpu.vector_load %swap3A_229[%swap3A_230, %swap3A_231] {strides = array<i32>} : memref<4x128xf32, #tpu.memory_space<vmem>>, vector<1x16xf32>,
        %swap3A_233 = vector.shape_cast %swap3A_232 : vector<1x16xf32> to vector<16xf32>
        %swap3A_234 = vector.shape_cast %scan3A_171#6 : vector<16xf32> to vector<1x16xf32>
        tpu.vector_store %swap3A_229[%swap3A_230, %swap3A_231], %swap3A_234 {strides = array<i32>} : memref<4x128xf32, #tpu.memory_space<vmem>>, vector<1x16xf32>,
        %swap3A_235 = arith.constant 0 : i32
        %swap3A_236 = arith.constant 0 : i32
        %swap3A_237 = tpu.memref_slice %arg8[%scan3A_85, %swap3A_235, %swap3A_236] : memref<2x4x128xf32, #tpu.memory_space<vmem>> -> memref<1x4x128xf32, #tpu.memory_space<vmem>>
        %swap3A_238 = tpu.memref_squeeze %swap3A_237 : memref<1x4x128xf32, #tpu.memory_space<vmem>> -> memref<4x128xf32, #tpu.memory_space<vmem>>
        %swap3A_239 = arith.index_cast %scan3A_164 : i32 to index
        %swap3A_240 = arith.constant 112 : index
        %swap3A_241 = tpu.vector_load %swap3A_238[%swap3A_239, %swap3A_240] {strides = array<i32>} : memref<4x128xf32, #tpu.memory_space<vmem>>, vector<1x16xf32>,
        %swap3A_242 = vector.shape_cast %swap3A_241 : vector<1x16xf32> to vector<16xf32>
        %swap3A_243 = vector.shape_cast %scan3A_171#7 : vector<16xf32> to vector<1x16xf32>
        tpu.vector_store %swap3A_238[%swap3A_239, %swap3A_240], %swap3A_243 {strides = array<i32>} : memref<4x128xf32, #tpu.memory_space<vmem>>, vector<1x16xf32>,
      }
      %scan3A_90 = arith.constant 4 : i32
      %mul3A_91 = arith.constant 4 : i32
      %mul3A_92 = arith.muli %add3A_56, %mul3A_91 : i32
      %add3A_93 = arith.addi %mul3A_2, %mul3A_92 : i32
      %dma_start3A_94 = arith.constant 0 : i32
      %dma_start3A_95 = arith.constant 0 : i32
      %dma_start3A_96 = arith.constant 0 : i32
      %dma_start3A_97 = tpu.memref_slice %arg8[%dma_start3A_94, %dma_start3A_95, %dma_start3A_96] : memref<2x4x128xf32, #tpu.memory_space<vmem>> -> memref<1x4x128xf32, #tpu.memory_space<vmem>>
      %dma_start3A_98 = tpu.memref_squeeze %dma_start3A_97 : memref<1x4x128xf32, #tpu.memory_space<vmem>> -> memref<4x128xf32, #tpu.memory_space<vmem>>
      %dma_start3A_99 = arith.constant 0 : i32
      %dma_start3A_100 = tpu.memref_slice %arg4[%add3A_93, %dma_start3A_99] : memref<10240x128xf32, #tpu.memory_space<hbm>> -> memref<4x128xf32, #tpu.memory_space<hbm>>
      %dma_start3A_101 = arith.constant 0 : i32
      %dma_start3A_102 = tpu.memref_slice %arg4[%add3A_93, %dma_start3A_101] : memref<10240x128xf32, #tpu.memory_space<hbm>> -> memref<4x128xf32, #tpu.memory_space<hbm>>
      %dma_start3A_103 = arith.constant 0 : i32
      %dma_start3A_104 = arith.constant 0 : i32
      %dma_start3A_105 = tpu.memref_slice %arg8[%dma_start3A_94, %dma_start3A_103, %dma_start3A_104] : memref<2x4x128xf32, #tpu.memory_space<vmem>> -> memref<1x4x128xf32, #tpu.memory_space<vmem>>
      %dma_start3A_106 = tpu.memref_squeeze %dma_start3A_105 : memref<1x4x128xf32, #tpu.memory_space<vmem>> -> memref<4x128xf32, #tpu.memory_space<vmem>>
      tpu.enqueue_dma source(%dma_start3A_106 : memref<4x128xf32, #tpu.memory_space<vmem>>) target(%dma_start3A_102 : memref<4x128xf32, #tpu.memory_space<hbm>>) target_semaphore(%arg11 : memref<!tpu.dma_semaphore, #tpu.memory_space<semaphore_mem>>)
      %mul3A_107 = arith.constant 2 : i32
      %mul3A_108 = arith.muli %mul3A_107, %scan3A_52 : i32
      %add3A_109 = arith.constant 1 : i32
      %add3A_110 = arith.addi %mul3A_108, %add3A_109 : i32
      %add3A_111 = arith.constant 1 : i32
      %add3A_112 = arith.addi %add3A_110, %add3A_111 : i32
      %lt3A_113 = arith.constant 80 : i32
      %lt3A_114 = arith.cmpi slt, %add3A_112, %lt3A_113 : i32
      %convert_element_type3A_115 = arith.extui %lt3A_114 : i1 to i32
      %cond3A_116 = arith.constant 0 : i32
      %cond3A_117 = arith.cmpi ne, %convert_element_type3A_115, %cond3A_116 : i32
      scf.if %cond3A_117 {
        %add3A_164 = arith.constant 1 : i32
        %add3A_165 = arith.addi %add3A_110, %add3A_164 : i32
        %mul3A_166 = arith.constant 1 : i32
        %mul3A_167 = arith.muli %add3A_165, %mul3A_166 : i32
        %add3A_168 = arith.constant 0 : i32
        %add3A_169 = arith.addi %mul3A_167, %add3A_168 : i32
        %dma_start3A_170 = arith.constant 0 : i32
        %dma_start3A_171 = arith.constant 0 : i32
        %dma_start3A_172 = arith.constant 0 : i32
        %dma_start3A_173 = tpu.memref_slice %arg7[%dma_start3A_170, %dma_start3A_171, %dma_start3A_172] : memref<2x128x128xf32, #tpu.memory_space<vmem>> -> memref<1x128x128xf32, #tpu.memory_space<vmem>>
        %dma_start3A_174 = tpu.memref_squeeze %dma_start3A_173 : memref<1x128x128xf32, #tpu.memory_space<vmem>> -> memref<128x128xf32, #tpu.memory_space<vmem>>
        %dma_start3A_175 = arith.constant 0 : i32
        %dma_start3A_176 = tpu.memref_slice %arg6[%add3A_169, %dma_start3A_175] : memref<80x128xi32, #tpu.memory_space<vmem>> -> memref<1x128xi32, #tpu.memory_space<vmem>>
        %dma_start3A_177 = tpu.memref_squeeze %dma_start3A_176 : memref<1x128xi32, #tpu.memory_space<vmem>> -> memref<128xi32, #tpu.memory_space<vmem>>
        %dma_start3A_178 = arith.constant 0 : i32
        %dma_start3A_179 = arith.constant 0 : i32
        %dma_start3A_180 = tpu.memref_slice %arg5[%dma_start3A_178, %dma_start3A_179] : memref<10000x128xf32, #tpu.memory_space<vmem_shared>> -> memref<10000x128xf32, #tpu.memory_space<vmem_shared>>
        tpu.enqueue_indirect_dma source(%dma_start3A_180 : memref<10000x128xf32, #tpu.memory_space<vmem_shared>>) target(%dma_start3A_174 : memref<128x128xf32, #tpu.memory_space<vmem>>) offsets(%dma_start3A_177 : memref<128xi32, #tpu.memory_space<vmem>>) semaphore(%arg9 : memref<!tpu.dma_semaphore, #tpu.memory_space<semaphore_mem>>)
      } else {
      }
      %mul3A_118 = arith.constant 1 : i32
      %mul3A_119 = arith.muli %add3A_110, %mul3A_118 : i32
      %add3A_120 = arith.constant 0 : i32
      %add3A_121 = arith.addi %mul3A_119, %add3A_120 : i32
      %dma_wait3A_122 = arith.constant 1 : i32
      %dma_wait3A_123 = arith.constant 0 : i32
      %dma_wait3A_124 = arith.constant 0 : i32
      %dma_wait3A_125 = tpu.memref_slice %arg7[%dma_wait3A_122, %dma_wait3A_123, %dma_wait3A_124] : memref<2x128x128xf32, #tpu.memory_space<vmem>> -> memref<1x128x128xf32, #tpu.memory_space<vmem>>
      %dma_wait3A_126 = tpu.memref_squeeze %dma_wait3A_125 : memref<1x128x128xf32, #tpu.memory_space<vmem>> -> memref<128x128xf32, #tpu.memory_space<vmem>>
      %dma_wait3A_127 = arith.constant 0 : i32
      %dma_wait3A_128 = tpu.memref_slice %arg6[%add3A_121, %dma_wait3A_127] : memref<80x128xi32, #tpu.memory_space<vmem>> -> memref<1x128xi32, #tpu.memory_space<vmem>>
      %dma_wait3A_129 = tpu.memref_squeeze %dma_wait3A_128 : memref<1x128xi32, #tpu.memory_space<vmem>> -> memref<128xi32, #tpu.memory_space<vmem>>
      %dma_wait3A_130 = arith.constant 0 : i32
      %dma_wait3A_131 = arith.constant 0 : i32
      %dma_wait3A_132 = tpu.memref_slice %arg5[%dma_wait3A_130, %dma_wait3A_131] : memref<10000x128xf32, #tpu.memory_space<vmem_shared>> -> memref<10000x128xf32, #tpu.memory_space<vmem_shared>>
      tpu.wait_indirect_dma semaphore(%arg10 : memref<!tpu.dma_semaphore, #tpu.memory_space<semaphore_mem>>) src(%dma_wait3A_132 : memref<10000x128xf32, #tpu.memory_space<vmem_shared>>) dst(%dma_wait3A_126 : memref<128x128xf32, #tpu.memory_space<vmem>>)
      %ge3A_133 = arith.constant 2 : i32
      %ge3A_134 = arith.cmpi sge, %add3A_110, %ge3A_133 : i32
      %convert_element_type3A_135 = arith.extui %ge3A_134 : i1 to i32
      %cond3A_136 = arith.constant 0 : i32
      %cond3A_137 = arith.cmpi ne, %convert_element_type3A_135, %cond3A_136 : i32
      scf.if %cond3A_137 {
        %sub3A = arith.constant 2 : i32
        %sub3A_164 = arith.subi %add3A_110, %sub3A : i32
        %mul3A_165 = arith.constant 4 : i32
        %mul3A_166 = arith.muli %sub3A_164, %mul3A_165 : i32
        %add3A_167 = arith.addi %mul3A_2, %mul3A_166 : i32
        %dma_wait3A_168 = arith.constant 1 : i32
        %dma_wait3A_169 = arith.constant 0 : i32
        %dma_wait3A_170 = arith.constant 0 : i32
        %dma_wait3A_171 = tpu.memref_slice %arg8[%dma_wait3A_168, %dma_wait3A_169, %dma_wait3A_170] : memref<2x4x128xf32, #tpu.memory_space<vmem>> -> memref<1x4x128xf32, #tpu.memory_space<vmem>>
        %dma_wait3A_172 = tpu.memref_squeeze %dma_wait3A_171 : memref<1x4x128xf32, #tpu.memory_space<vmem>> -> memref<4x128xf32, #tpu.memory_space<vmem>>
        %dma_wait3A_173 = arith.constant 0 : i32
        %dma_wait3A_174 = tpu.memref_slice %arg4[%add3A_167, %dma_wait3A_173] : memref<10240x128xf32, #tpu.memory_space<hbm>> -> memref<4x128xf32, #tpu.memory_space<hbm>>
        %dma_wait3A_175 = arith.constant 0 : i32
        %dma_wait3A_176 = tpu.memref_slice %arg4[%add3A_167, %dma_wait3A_175] : memref<10240x128xf32, #tpu.memory_space<hbm>> -> memref<4x128xf32, #tpu.memory_space<hbm>>
        %dma_wait3A_177 = arith.constant 0 : i32
        %dma_wait3A_178 = arith.constant 0 : i32
        %dma_wait3A_179 = tpu.memref_slice %arg8[%dma_wait3A_168, %dma_wait3A_177, %dma_wait3A_178] : memref<2x4x128xf32, #tpu.memory_space<vmem>> -> memref<1x4x128xf32, #tpu.memory_space<vmem>>
        %dma_wait3A_180 = tpu.memref_squeeze %dma_wait3A_179 : memref<1x4x128xf32, #tpu.memory_space<vmem>> -> memref<4x128xf32, #tpu.memory_space<vmem>>
        tpu.wait_dma2 semaphore(%arg12 : memref<!tpu.dma_semaphore, #tpu.memory_space<semaphore_mem>>) src(%dma_wait3A_180 : memref<4x128xf32, #tpu.memory_space<vmem>>) dst(%dma_wait3A_176 : memref<4x128xf32, #tpu.memory_space<hbm>>)
      } else {
      }
      %broadcast_in_dim3A_138 = arith.constant 0xFF800000 : f32
      %broadcast_in_dim3A_139 = vector.broadcast %broadcast_in_dim3A_138 : f32 to vector<16xf32>
      %scan3A_140 = arith.constant 0 : i32
      %scan3A_141 = arith.constant 1 : i32
      %scan3A_142 = arith.constant 1 : i32
      %scan3A_143 = arith.constant 0 : i32
      %scan3A_144 = arith.constant 4 : i32
      %scan3A_145 = arith.addi %scan3A_143, %scan3A_144 : i32
      %scan3A_146 = arith.constant 1 : i32
      scf.for %scan3A_164 = %scan3A_143 to %scan3A_145 step %scan3A_146  : i32 {
        %mul3A_165 = arith.constant 32 : i32
        %mul3A_166 = arith.muli %scan3A_164, %mul3A_165 : i32
        %scan3A_167 = arith.constant 0 : i32
        %scan3A_168 = arith.constant 4 : i32
        %scan3A_169 = arith.addi %scan3A_167, %scan3A_168 : i32
        %scan3A_170 = arith.constant 1 : i32
        %scan3A_171:8 = scf.for %scan3A_244 = %scan3A_167 to %scan3A_169 step %scan3A_170 iter_args(%scan3A_245 = %broadcast_in_dim3A_139, %scan3A_246 = %broadcast_in_dim3A_139, %scan3A_247 = %broadcast_in_dim3A_139, %scan3A_248 = %broadcast_in_dim3A_139, %scan3A_249 = %broadcast_in_dim3A_139, %scan3A_250 = %broadcast_in_dim3A_139, %scan3A_251 = %broadcast_in_dim3A_139, %scan3A_252 = %broadcast_in_dim3A_139) -> (vector<16xf32>, vector<16xf32>, vector<16xf32>, vector<16xf32>, vector<16xf32>, vector<16xf32>, vector<16xf32>, vector<16xf32>)  : i32 {
          %mul3A_253 = arith.constant 8 : i32
          %mul3A_254 = arith.muli %scan3A_244, %mul3A_253 : i32
          %add3A_255 = arith.addi %mul3A_166, %mul3A_254 : i32
          %add3A_256 = arith.constant 0 : i32
          %add3A_257 = arith.addi %add3A_255, %add3A_256 : i32
          %get3A = arith.constant 0 : i32
          %get3A_258 = arith.constant 0 : i32
          %get3A_259 = tpu.memref_slice %arg7[%scan3A_141, %get3A, %get3A_258] : memref<2x128x128xf32, #tpu.memory_space<vmem>> -> memref<1x128x128xf32, #tpu.memory_space<vmem>>
          %get3A_260 = tpu.memref_squeeze %get3A_259 : memref<1x128x128xf32, #tpu.memory_space<vmem>> -> memref<128x128xf32, #tpu.memory_space<vmem>>
          %get3A_261 = arith.index_cast %add3A_257 : i32 to index
          %get3A_262 = arith.constant 0 : index
          %get3A_263 = tpu.vector_load %get3A_260[%get3A_261, %get3A_262] {strides = array<i32>} : memref<128x128xf32, #tpu.memory_space<vmem>>, vector<1x16xf32>,
          %get3A_264 = vector.shape_cast %get3A_263 : vector<1x16xf32> to vector<16xf32>
          %max3A = arith.maximumf %scan3A_245, %get3A_264 : vector<16xf32>
          %add3A_265 = arith.constant 0 : i32
          %add3A_266 = arith.addi %add3A_255, %add3A_265 : i32
          %get3A_267 = arith.constant 0 : i32
          %get3A_268 = arith.constant 0 : i32
          %get3A_269 = tpu.memref_slice %arg7[%scan3A_141, %get3A_267, %get3A_268] : memref<2x128x128xf32, #tpu.memory_space<vmem>> -> memref<1x128x128xf32, #tpu.memory_space<vmem>>
          %get3A_270 = tpu.memref_squeeze %get3A_269 : memref<1x128x128xf32, #tpu.memory_space<vmem>> -> memref<128x128xf32, #tpu.memory_space<vmem>>
          %get3A_271 = arith.index_cast %add3A_266 : i32 to index
          %get3A_272 = arith.constant 16 : index
          %get3A_273 = tpu.vector_load %get3A_270[%get3A_271, %get3A_272] {strides = array<i32>} : memref<128x128xf32, #tpu.memory_space<vmem>>, vector<1x16xf32>,
          %get3A_274 = vector.shape_cast %get3A_273 : vector<1x16xf32> to vector<16xf32>
          %max3A_275 = arith.maximumf %scan3A_246, %get3A_274 : vector<16xf32>
          %add3A_276 = arith.constant 0 : i32
          %add3A_277 = arith.addi %add3A_255, %add3A_276 : i32
          %get3A_278 = arith.constant 0 : i32
          %get3A_279 = arith.constant 0 : i32
          %get3A_280 = tpu.memref_slice %arg7[%scan3A_141, %get3A_278, %get3A_279] : memref<2x128x128xf32, #tpu.memory_space<vmem>> -> memref<1x128x128xf32, #tpu.memory_space<vmem>>
          %get3A_281 = tpu.memref_squeeze %get3A_280 : memref<1x128x128xf32, #tpu.memory_space<vmem>> -> memref<128x128xf32, #tpu.memory_space<vmem>>
          %get3A_282 = arith.index_cast %add3A_277 : i32 to index
          %get3A_283 = arith.constant 32 : index
          %get3A_284 = tpu.vector_load %get3A_281[%get3A_282, %get3A_283] {strides = array<i32>} : memref<128x128xf32, #tpu.memory_space<vmem>>, vector<1x16xf32>,
          %get3A_285 = vector.shape_cast %get3A_284 : vector<1x16xf32> to vector<16xf32>
          %max3A_286 = arith.maximumf %scan3A_247, %get3A_285 : vector<16xf32>
          %add3A_287 = arith.constant 0 : i32
          %add3A_288 = arith.addi %add3A_255, %add3A_287 : i32
          %get3A_289 = arith.constant 0 : i32
          %get3A_290 = arith.constant 0 : i32
          %get3A_291 = tpu.memref_slice %arg7[%scan3A_141, %get3A_289, %get3A_290] : memref<2x128x128xf32, #tpu.memory_space<vmem>> -> memref<1x128x128xf32, #tpu.memory_space<vmem>>
          %get3A_292 = tpu.memref_squeeze %get3A_291 : memref<1x128x128xf32, #tpu.memory_space<vmem>> -> memref<128x128xf32, #tpu.memory_space<vmem>>
          %get3A_293 = arith.index_cast %add3A_288 : i32 to index
          %get3A_294 = arith.constant 48 : index
          %get3A_295 = tpu.vector_load %get3A_292[%get3A_293, %get3A_294] {strides = array<i32>} : memref<128x128xf32, #tpu.memory_space<vmem>>, vector<1x16xf32>,
          %get3A_296 = vector.shape_cast %get3A_295 : vector<1x16xf32> to vector<16xf32>
          %max3A_297 = arith.maximumf %scan3A_248, %get3A_296 : vector<16xf32>
          %add3A_298 = arith.constant 0 : i32
          %add3A_299 = arith.addi %add3A_255, %add3A_298 : i32
          %get3A_300 = arith.constant 0 : i32
          %get3A_301 = arith.constant 0 : i32
          %get3A_302 = tpu.memref_slice %arg7[%scan3A_141, %get3A_300, %get3A_301] : memref<2x128x128xf32, #tpu.memory_space<vmem>> -> memref<1x128x128xf32, #tpu.memory_space<vmem>>
          %get3A_303 = tpu.memref_squeeze %get3A_302 : memref<1x128x128xf32, #tpu.memory_space<vmem>> -> memref<128x128xf32, #tpu.memory_space<vmem>>
          %get3A_304 = arith.index_cast %add3A_299 : i32 to index
          %get3A_305 = arith.constant 64 : index
          %get3A_306 = tpu.vector_load %get3A_303[%get3A_304, %get3A_305] {strides = array<i32>} : memref<128x128xf32, #tpu.memory_space<vmem>>, vector<1x16xf32>,
          %get3A_307 = vector.shape_cast %get3A_306 : vector<1x16xf32> to vector<16xf32>
          %max3A_308 = arith.maximumf %scan3A_249, %get3A_307 : vector<16xf32>
          %add3A_309 = arith.constant 0 : i32
          %add3A_310 = arith.addi %add3A_255, %add3A_309 : i32
          %get3A_311 = arith.constant 0 : i32
          %get3A_312 = arith.constant 0 : i32
          %get3A_313 = tpu.memref_slice %arg7[%scan3A_141, %get3A_311, %get3A_312] : memref<2x128x128xf32, #tpu.memory_space<vmem>> -> memref<1x128x128xf32, #tpu.memory_space<vmem>>
          %get3A_314 = tpu.memref_squeeze %get3A_313 : memref<1x128x128xf32, #tpu.memory_space<vmem>> -> memref<128x128xf32, #tpu.memory_space<vmem>>
          %get3A_315 = arith.index_cast %add3A_310 : i32 to index
          %get3A_316 = arith.constant 80 : index
          %get3A_317 = tpu.vector_load %get3A_314[%get3A_315, %get3A_316] {strides = array<i32>} : memref<128x128xf32, #tpu.memory_space<vmem>>, vector<1x16xf32>,
          %get3A_318 = vector.shape_cast %get3A_317 : vector<1x16xf32> to vector<16xf32>
          %max3A_319 = arith.maximumf %scan3A_250, %get3A_318 : vector<16xf32>
          %add3A_320 = arith.constant 0 : i32
          %add3A_321 = arith.addi %add3A_255, %add3A_320 : i32
          %get3A_322 = arith.constant 0 : i32
          %get3A_323 = arith.constant 0 : i32
          %get3A_324 = tpu.memref_slice %arg7[%scan3A_141, %get3A_322, %get3A_323] : memref<2x128x128xf32, #tpu.memory_space<vmem>> -> memref<1x128x128xf32, #tpu.memory_space<vmem>>
          %get3A_325 = tpu.memref_squeeze %get3A_324 : memref<1x128x128xf32, #tpu.memory_space<vmem>> -> memref<128x128xf32, #tpu.memory_space<vmem>>
          %get3A_326 = arith.index_cast %add3A_321 : i32 to index
          %get3A_327 = arith.constant 96 : index
          %get3A_328 = tpu.vector_load %get3A_325[%get3A_326, %get3A_327] {strides = array<i32>} : memref<128x128xf32, #tpu.memory_space<vmem>>, vector<1x16xf32>,
          %get3A_329 = vector.shape_cast %get3A_328 : vector<1x16xf32> to vector<16xf32>
          %max3A_330 = arith.maximumf %scan3A_251, %get3A_329 : vector<16xf32>
          %add3A_331 = arith.constant 0 : i32
          %add3A_332 = arith.addi %add3A_255, %add3A_331 : i32
          %get3A_333 = arith.constant 0 : i32
          %get3A_334 = arith.constant 0 : i32
          %get3A_335 = tpu.memref_slice %arg7[%scan3A_141, %get3A_333, %get3A_334] : memref<2x128x128xf32, #tpu.memory_space<vmem>> -> memref<1x128x128xf32, #tpu.memory_space<vmem>>
          %get3A_336 = tpu.memref_squeeze %get3A_335 : memref<1x128x128xf32, #tpu.memory_space<vmem>> -> memref<128x128xf32, #tpu.memory_space<vmem>>
          %get3A_337 = arith.index_cast %add3A_332 : i32 to index
          %get3A_338 = arith.constant 112 : index
          %get3A_339 = tpu.vector_load %get3A_336[%get3A_337, %get3A_338] {strides = array<i32>} : memref<128x128xf32, #tpu.memory_space<vmem>>, vector<1x16xf32>,
          %get3A_340 = vector.shape_cast %get3A_339 : vector<1x16xf32> to vector<16xf32>
          %max3A_341 = arith.maximumf %scan3A_252, %get3A_340 : vector<16xf32>
          %add3A_342 = arith.constant 1 : i32
          %add3A_343 = arith.addi %add3A_255, %add3A_342 : i32
          %get3A_344 = arith.constant 0 : i32
          %get3A_345 = arith.constant 0 : i32
          %get3A_346 = tpu.memref_slice %arg7[%scan3A_141, %get3A_344, %get3A_345] : memref<2x128x128xf32, #tpu.memory_space<vmem>> -> memref<1x128x128xf32, #tpu.memory_space<vmem>>
          %get3A_347 = tpu.memref_squeeze %get3A_346 : memref<1x128x128xf32, #tpu.memory_space<vmem>> -> memref<128x128xf32, #tpu.memory_space<vmem>>
          %get3A_348 = arith.index_cast %add3A_343 : i32 to index
          %get3A_349 = arith.constant 0 : index
          %get3A_350 = tpu.vector_load %get3A_347[%get3A_348, %get3A_349] {strides = array<i32>} : memref<128x128xf32, #tpu.memory_space<vmem>>, vector<1x16xf32>,
          %get3A_351 = vector.shape_cast %get3A_350 : vector<1x16xf32> to vector<16xf32>
          %max3A_352 = arith.maximumf %max3A, %get3A_351 : vector<16xf32>
          %add3A_353 = arith.constant 1 : i32
          %add3A_354 = arith.addi %add3A_255, %add3A_353 : i32
          %get3A_355 = arith.constant 0 : i32
          %get3A_356 = arith.constant 0 : i32
          %get3A_357 = tpu.memref_slice %arg7[%scan3A_141, %get3A_355, %get3A_356] : memref<2x128x128xf32, #tpu.memory_space<vmem>> -> memref<1x128x128xf32, #tpu.memory_space<vmem>>
          %get3A_358 = tpu.memref_squeeze %get3A_357 : memref<1x128x128xf32, #tpu.memory_space<vmem>> -> memref<128x128xf32, #tpu.memory_space<vmem>>
          %get3A_359 = arith.index_cast %add3A_354 : i32 to index
          %get3A_360 = arith.constant 16 : index
          %get3A_361 = tpu.vector_load %get3A_358[%get3A_359, %get3A_360] {strides = array<i32>} : memref<128x128xf32, #tpu.memory_space<vmem>>, vector<1x16xf32>,
          %get3A_362 = vector.shape_cast %get3A_361 : vector<1x16xf32> to vector<16xf32>
          %max3A_363 = arith.maximumf %max3A_275, %get3A_362 : vector<16xf32>
          %add3A_364 = arith.constant 1 : i32
          %add3A_365 = arith.addi %add3A_255, %add3A_364 : i32
          %get3A_366 = arith.constant 0 : i32
          %get3A_367 = arith.constant 0 : i32
          %get3A_368 = tpu.memref_slice %arg7[%scan3A_141, %get3A_366, %get3A_367] : memref<2x128x128xf32, #tpu.memory_space<vmem>> -> memref<1x128x128xf32, #tpu.memory_space<vmem>>
          %get3A_369 = tpu.memref_squeeze %get3A_368 : memref<1x128x128xf32, #tpu.memory_space<vmem>> -> memref<128x128xf32, #tpu.memory_space<vmem>>
          %get3A_370 = arith.index_cast %add3A_365 : i32 to index
          %get3A_371 = arith.constant 32 : index
          %get3A_372 = tpu.vector_load %get3A_369[%get3A_370, %get3A_371] {strides = array<i32>} : memref<128x128xf32, #tpu.memory_space<vmem>>, vector<1x16xf32>,
          %get3A_373 = vector.shape_cast %get3A_372 : vector<1x16xf32> to vector<16xf32>
          %max3A_374 = arith.maximumf %max3A_286, %get3A_373 : vector<16xf32>
          %add3A_375 = arith.constant 1 : i32
          %add3A_376 = arith.addi %add3A_255, %add3A_375 : i32
          %get3A_377 = arith.constant 0 : i32
          %get3A_378 = arith.constant 0 : i32
          %get3A_379 = tpu.memref_slice %arg7[%scan3A_141, %get3A_377, %get3A_378] : memref<2x128x128xf32, #tpu.memory_space<vmem>> -> memref<1x128x128xf32, #tpu.memory_space<vmem>>
          %get3A_380 = tpu.memref_squeeze %get3A_379 : memref<1x128x128xf32, #tpu.memory_space<vmem>> -> memref<128x128xf32, #tpu.memory_space<vmem>>
          %get3A_381 = arith.index_cast %add3A_376 : i32 to index
          %get3A_382 = arith.constant 48 : index
          %get3A_383 = tpu.vector_load %get3A_380[%get3A_381, %get3A_382] {strides = array<i32>} : memref<128x128xf32, #tpu.memory_space<vmem>>, vector<1x16xf32>,
          %get3A_384 = vector.shape_cast %get3A_383 : vector<1x16xf32> to vector<16xf32>
          %max3A_385 = arith.maximumf %max3A_297, %get3A_384 : vector<16xf32>
          %add3A_386 = arith.constant 1 : i32
          %add3A_387 = arith.addi %add3A_255, %add3A_386 : i32
          %get3A_388 = arith.constant 0 : i32
          %get3A_389 = arith.constant 0 : i32
          %get3A_390 = tpu.memref_slice %arg7[%scan3A_141, %get3A_388, %get3A_389] : memref<2x128x128xf32, #tpu.memory_space<vmem>> -> memref<1x128x128xf32, #tpu.memory_space<vmem>>
          %get3A_391 = tpu.memref_squeeze %get3A_390 : memref<1x128x128xf32, #tpu.memory_space<vmem>> -> memref<128x128xf32, #tpu.memory_space<vmem>>
          %get3A_392 = arith.index_cast %add3A_387 : i32 to index
          %get3A_393 = arith.constant 64 : index
          %get3A_394 = tpu.vector_load %get3A_391[%get3A_392, %get3A_393] {strides = array<i32>} : memref<128x128xf32, #tpu.memory_space<vmem>>, vector<1x16xf32>,
          %get3A_395 = vector.shape_cast %get3A_394 : vector<1x16xf32> to vector<16xf32>
          %max3A_396 = arith.maximumf %max3A_308, %get3A_395 : vector<16xf32>
          %add3A_397 = arith.constant 1 : i32
          %add3A_398 = arith.addi %add3A_255, %add3A_397 : i32
          %get3A_399 = arith.constant 0 : i32
          %get3A_400 = arith.constant 0 : i32
          %get3A_401 = tpu.memref_slice %arg7[%scan3A_141, %get3A_399, %get3A_400] : memref<2x128x128xf32, #tpu.memory_space<vmem>> -> memref<1x128x128xf32, #tpu.memory_space<vmem>>
          %get3A_402 = tpu.memref_squeeze %get3A_401 : memref<1x128x128xf32, #tpu.memory_space<vmem>> -> memref<128x128xf32, #tpu.memory_space<vmem>>
          %get3A_403 = arith.index_cast %add3A_398 : i32 to index
          %get3A_404 = arith.constant 80 : index
          %get3A_405 = tpu.vector_load %get3A_402[%get3A_403, %get3A_404] {strides = array<i32>} : memref<128x128xf32, #tpu.memory_space<vmem>>, vector<1x16xf32>,
          %get3A_406 = vector.shape_cast %get3A_405 : vector<1x16xf32> to vector<16xf32>
          %max3A_407 = arith.maximumf %max3A_319, %get3A_406 : vector<16xf32>
          %add3A_408 = arith.constant 1 : i32
          %add3A_409 = arith.addi %add3A_255, %add3A_408 : i32
          %get3A_410 = arith.constant 0 : i32
          %get3A_411 = arith.constant 0 : i32
          %get3A_412 = tpu.memref_slice %arg7[%scan3A_141, %get3A_410, %get3A_411] : memref<2x128x128xf32, #tpu.memory_space<vmem>> -> memref<1x128x128xf32, #tpu.memory_space<vmem>>
          %get3A_413 = tpu.memref_squeeze %get3A_412 : memref<1x128x128xf32, #tpu.memory_space<vmem>> -> memref<128x128xf32, #tpu.memory_space<vmem>>
          %get3A_414 = arith.index_cast %add3A_409 : i32 to index
          %get3A_415 = arith.constant 96 : index
          %get3A_416 = tpu.vector_load %get3A_413[%get3A_414, %get3A_415] {strides = array<i32>} : memref<128x128xf32, #tpu.memory_space<vmem>>, vector<1x16xf32>,
          %get3A_417 = vector.shape_cast %get3A_416 : vector<1x16xf32> to vector<16xf32>
          %max3A_418 = arith.maximumf %max3A_330, %get3A_417 : vector<16xf32>
          %add3A_419 = arith.constant 1 : i32
          %add3A_420 = arith.addi %add3A_255, %add3A_419 : i32
          %get3A_421 = arith.constant 0 : i32
          %get3A_422 = arith.constant 0 : i32
          %get3A_423 = tpu.memref_slice %arg7[%scan3A_141, %get3A_421, %get3A_422] : memref<2x128x128xf32, #tpu.memory_space<vmem>> -> memref<1x128x128xf32, #tpu.memory_space<vmem>>
          %get3A_424 = tpu.memref_squeeze %get3A_423 : memref<1x128x128xf32, #tpu.memory_space<vmem>> -> memref<128x128xf32, #tpu.memory_space<vmem>>
          %get3A_425 = arith.index_cast %add3A_420 : i32 to index
          %get3A_426 = arith.constant 112 : index
          %get3A_427 = tpu.vector_load %get3A_424[%get3A_425, %get3A_426] {strides = array<i32>} : memref<128x128xf32, #tpu.memory_space<vmem>>, vector<1x16xf32>,
          %get3A_428 = vector.shape_cast %get3A_427 : vector<1x16xf32> to vector<16xf32>
          %max3A_429 = arith.maximumf %max3A_341, %get3A_428 : vector<16xf32>
          %add3A_430 = arith.constant 2 : i32
          %add3A_431 = arith.addi %add3A_255, %add3A_430 : i32
          %get3A_432 = arith.constant 0 : i32
          %get3A_433 = arith.constant 0 : i32
          %get3A_434 = tpu.memref_slice %arg7[%scan3A_141, %get3A_432, %get3A_433] : memref<2x128x128xf32, #tpu.memory_space<vmem>> -> memref<1x128x128xf32, #tpu.memory_space<vmem>>
          %get3A_435 = tpu.memref_squeeze %get3A_434 : memref<1x128x128xf32, #tpu.memory_space<vmem>> -> memref<128x128xf32, #tpu.memory_space<vmem>>
          %get3A_436 = arith.index_cast %add3A_431 : i32 to index
          %get3A_437 = arith.constant 0 : index
          %get3A_438 = tpu.vector_load %get3A_435[%get3A_436, %get3A_437] {strides = array<i32>} : memref<128x128xf32, #tpu.memory_space<vmem>>, vector<1x16xf32>,
          %get3A_439 = vector.shape_cast %get3A_438 : vector<1x16xf32> to vector<16xf32>
          %max3A_440 = arith.maximumf %max3A_352, %get3A_439 : vector<16xf32>
          %add3A_441 = arith.constant 2 : i32
          %add3A_442 = arith.addi %add3A_255, %add3A_441 : i32
          %get3A_443 = arith.constant 0 : i32
          %get3A_444 = arith.constant 0 : i32
          %get3A_445 = tpu.memref_slice %arg7[%scan3A_141, %get3A_443, %get3A_444] : memref<2x128x128xf32, #tpu.memory_space<vmem>> -> memref<1x128x128xf32, #tpu.memory_space<vmem>>
          %get3A_446 = tpu.memref_squeeze %get3A_445 : memref<1x128x128xf32, #tpu.memory_space<vmem>> -> memref<128x128xf32, #tpu.memory_space<vmem>>
          %get3A_447 = arith.index_cast %add3A_442 : i32 to index
          %get3A_448 = arith.constant 16 : index
          %get3A_449 = tpu.vector_load %get3A_446[%get3A_447, %get3A_448] {strides = array<i32>} : memref<128x128xf32, #tpu.memory_space<vmem>>, vector<1x16xf32>,
          %get3A_450 = vector.shape_cast %get3A_449 : vector<1x16xf32> to vector<16xf32>
          %max3A_451 = arith.maximumf %max3A_363, %get3A_450 : vector<16xf32>
          %add3A_452 = arith.constant 2 : i32
          %add3A_453 = arith.addi %add3A_255, %add3A_452 : i32
          %get3A_454 = arith.constant 0 : i32
          %get3A_455 = arith.constant 0 : i32
          %get3A_456 = tpu.memref_slice %arg7[%scan3A_141, %get3A_454, %get3A_455] : memref<2x128x128xf32, #tpu.memory_space<vmem>> -> memref<1x128x128xf32, #tpu.memory_space<vmem>>
          %get3A_457 = tpu.memref_squeeze %get3A_456 : memref<1x128x128xf32, #tpu.memory_space<vmem>> -> memref<128x128xf32, #tpu.memory_space<vmem>>
          %get3A_458 = arith.index_cast %add3A_453 : i32 to index
          %get3A_459 = arith.constant 32 : index
          %get3A_460 = tpu.vector_load %get3A_457[%get3A_458, %get3A_459] {strides = array<i32>} : memref<128x128xf32, #tpu.memory_space<vmem>>, vector<1x16xf32>,
          %get3A_461 = vector.shape_cast %get3A_460 : vector<1x16xf32> to vector<16xf32>
          %max3A_462 = arith.maximumf %max3A_374, %get3A_461 : vector<16xf32>
          %add3A_463 = arith.constant 2 : i32
          %add3A_464 = arith.addi %add3A_255, %add3A_463 : i32
          %get3A_465 = arith.constant 0 : i32
          %get3A_466 = arith.constant 0 : i32
          %get3A_467 = tpu.memref_slice %arg7[%scan3A_141, %get3A_465, %get3A_466] : memref<2x128x128xf32, #tpu.memory_space<vmem>> -> memref<1x128x128xf32, #tpu.memory_space<vmem>>
          %get3A_468 = tpu.memref_squeeze %get3A_467 : memref<1x128x128xf32, #tpu.memory_space<vmem>> -> memref<128x128xf32, #tpu.memory_space<vmem>>
          %get3A_469 = arith.index_cast %add3A_464 : i32 to index
          %get3A_470 = arith.constant 48 : index
          %get3A_471 = tpu.vector_load %get3A_468[%get3A_469, %get3A_470] {strides = array<i32>} : memref<128x128xf32, #tpu.memory_space<vmem>>, vector<1x16xf32>,
          %get3A_472 = vector.shape_cast %get3A_471 : vector<1x16xf32> to vector<16xf32>
          %max3A_473 = arith.maximumf %max3A_385, %get3A_472 : vector<16xf32>
          %add3A_474 = arith.constant 2 : i32
          %add3A_475 = arith.addi %add3A_255, %add3A_474 : i32
          %get3A_476 = arith.constant 0 : i32
          %get3A_477 = arith.constant 0 : i32
          %get3A_478 = tpu.memref_slice %arg7[%scan3A_141, %get3A_476, %get3A_477] : memref<2x128x128xf32, #tpu.memory_space<vmem>> -> memref<1x128x128xf32, #tpu.memory_space<vmem>>
          %get3A_479 = tpu.memref_squeeze %get3A_478 : memref<1x128x128xf32, #tpu.memory_space<vmem>> -> memref<128x128xf32, #tpu.memory_space<vmem>>
          %get3A_480 = arith.index_cast %add3A_475 : i32 to index
          %get3A_481 = arith.constant 64 : index
          %get3A_482 = tpu.vector_load %get3A_479[%get3A_480, %get3A_481] {strides = array<i32>} : memref<128x128xf32, #tpu.memory_space<vmem>>, vector<1x16xf32>,
          %get3A_483 = vector.shape_cast %get3A_482 : vector<1x16xf32> to vector<16xf32>
          %max3A_484 = arith.maximumf %max3A_396, %get3A_483 : vector<16xf32>
          %add3A_485 = arith.constant 2 : i32
          %add3A_486 = arith.addi %add3A_255, %add3A_485 : i32
          %get3A_487 = arith.constant 0 : i32
          %get3A_488 = arith.constant 0 : i32
          %get3A_489 = tpu.memref_slice %arg7[%scan3A_141, %get3A_487, %get3A_488] : memref<2x128x128xf32, #tpu.memory_space<vmem>> -> memref<1x128x128xf32, #tpu.memory_space<vmem>>
          %get3A_490 = tpu.memref_squeeze %get3A_489 : memref<1x128x128xf32, #tpu.memory_space<vmem>> -> memref<128x128xf32, #tpu.memory_space<vmem>>
          %get3A_491 = arith.index_cast %add3A_486 : i32 to index
          %get3A_492 = arith.constant 80 : index
          %get3A_493 = tpu.vector_load %get3A_490[%get3A_491, %get3A_492] {strides = array<i32>} : memref<128x128xf32, #tpu.memory_space<vmem>>, vector<1x16xf32>,
          %get3A_494 = vector.shape_cast %get3A_493 : vector<1x16xf32> to vector<16xf32>
          %max3A_495 = arith.maximumf %max3A_407, %get3A_494 : vector<16xf32>
          %add3A_496 = arith.constant 2 : i32
          %add3A_497 = arith.addi %add3A_255, %add3A_496 : i32
          %get3A_498 = arith.constant 0 : i32
          %get3A_499 = arith.constant 0 : i32
          %get3A_500 = tpu.memref_slice %arg7[%scan3A_141, %get3A_498, %get3A_499] : memref<2x128x128xf32, #tpu.memory_space<vmem>> -> memref<1x128x128xf32, #tpu.memory_space<vmem>>
          %get3A_501 = tpu.memref_squeeze %get3A_500 : memref<1x128x128xf32, #tpu.memory_space<vmem>> -> memref<128x128xf32, #tpu.memory_space<vmem>>
          %get3A_502 = arith.index_cast %add3A_497 : i32 to index
          %get3A_503 = arith.constant 96 : index
          %get3A_504 = tpu.vector_load %get3A_501[%get3A_502, %get3A_503] {strides = array<i32>} : memref<128x128xf32, #tpu.memory_space<vmem>>, vector<1x16xf32>,
          %get3A_505 = vector.shape_cast %get3A_504 : vector<1x16xf32> to vector<16xf32>
          %max3A_506 = arith.maximumf %max3A_418, %get3A_505 : vector<16xf32>
          %add3A_507 = arith.constant 2 : i32
          %add3A_508 = arith.addi %add3A_255, %add3A_507 : i32
          %get3A_509 = arith.constant 0 : i32
          %get3A_510 = arith.constant 0 : i32
          %get3A_511 = tpu.memref_slice %arg7[%scan3A_141, %get3A_509, %get3A_510] : memref<2x128x128xf32, #tpu.memory_space<vmem>> -> memref<1x128x128xf32, #tpu.memory_space<vmem>>
          %get3A_512 = tpu.memref_squeeze %get3A_511 : memref<1x128x128xf32, #tpu.memory_space<vmem>> -> memref<128x128xf32, #tpu.memory_space<vmem>>
          %get3A_513 = arith.index_cast %add3A_508 : i32 to index
          %get3A_514 = arith.constant 112 : index
          %get3A_515 = tpu.vector_load %get3A_512[%get3A_513, %get3A_514] {strides = array<i32>} : memref<128x128xf32, #tpu.memory_space<vmem>>, vector<1x16xf32>,
          %get3A_516 = vector.shape_cast %get3A_515 : vector<1x16xf32> to vector<16xf32>
          %max3A_517 = arith.maximumf %max3A_429, %get3A_516 : vector<16xf32>
          %add3A_518 = arith.constant 3 : i32
          %add3A_519 = arith.addi %add3A_255, %add3A_518 : i32
          %get3A_520 = arith.constant 0 : i32
          %get3A_521 = arith.constant 0 : i32
          %get3A_522 = tpu.memref_slice %arg7[%scan3A_141, %get3A_520, %get3A_521] : memref<2x128x128xf32, #tpu.memory_space<vmem>> -> memref<1x128x128xf32, #tpu.memory_space<vmem>>
          %get3A_523 = tpu.memref_squeeze %get3A_522 : memref<1x128x128xf32, #tpu.memory_space<vmem>> -> memref<128x128xf32, #tpu.memory_space<vmem>>
          %get3A_524 = arith.index_cast %add3A_519 : i32 to index
          %get3A_525 = arith.constant 0 : index
          %get3A_526 = tpu.vector_load %get3A_523[%get3A_524, %get3A_525] {strides = array<i32>} : memref<128x128xf32, #tpu.memory_space<vmem>>, vector<1x16xf32>,
          %get3A_527 = vector.shape_cast %get3A_526 : vector<1x16xf32> to vector<16xf32>
          %max3A_528 = arith.maximumf %max3A_440, %get3A_527 : vector<16xf32>
          %add3A_529 = arith.constant 3 : i32
          %add3A_530 = arith.addi %add3A_255, %add3A_529 : i32
          %get3A_531 = arith.constant 0 : i32
          %get3A_532 = arith.constant 0 : i32
          %get3A_533 = tpu.memref_slice %arg7[%scan3A_141, %get3A_531, %get3A_532] : memref<2x128x128xf32, #tpu.memory_space<vmem>> -> memref<1x128x128xf32, #tpu.memory_space<vmem>>
          %get3A_534 = tpu.memref_squeeze %get3A_533 : memref<1x128x128xf32, #tpu.memory_space<vmem>> -> memref<128x128xf32, #tpu.memory_space<vmem>>
          %get3A_535 = arith.index_cast %add3A_530 : i32 to index
          %get3A_536 = arith.constant 16 : index
          %get3A_537 = tpu.vector_load %get3A_534[%get3A_535, %get3A_536] {strides = array<i32>} : memref<128x128xf32, #tpu.memory_space<vmem>>, vector<1x16xf32>,
          %get3A_538 = vector.shape_cast %get3A_537 : vector<1x16xf32> to vector<16xf32>
          %max3A_539 = arith.maximumf %max3A_451, %get3A_538 : vector<16xf32>
          %add3A_540 = arith.constant 3 : i32
          %add3A_541 = arith.addi %add3A_255, %add3A_540 : i32
          %get3A_542 = arith.constant 0 : i32
          %get3A_543 = arith.constant 0 : i32
          %get3A_544 = tpu.memref_slice %arg7[%scan3A_141, %get3A_542, %get3A_543] : memref<2x128x128xf32, #tpu.memory_space<vmem>> -> memref<1x128x128xf32, #tpu.memory_space<vmem>>
          %get3A_545 = tpu.memref_squeeze %get3A_544 : memref<1x128x128xf32, #tpu.memory_space<vmem>> -> memref<128x128xf32, #tpu.memory_space<vmem>>
          %get3A_546 = arith.index_cast %add3A_541 : i32 to index
          %get3A_547 = arith.constant 32 : index
          %get3A_548 = tpu.vector_load %get3A_545[%get3A_546, %get3A_547] {strides = array<i32>} : memref<128x128xf32, #tpu.memory_space<vmem>>, vector<1x16xf32>,
          %get3A_549 = vector.shape_cast %get3A_548 : vector<1x16xf32> to vector<16xf32>
          %max3A_550 = arith.maximumf %max3A_462, %get3A_549 : vector<16xf32>
          %add3A_551 = arith.constant 3 : i32
          %add3A_552 = arith.addi %add3A_255, %add3A_551 : i32
          %get3A_553 = arith.constant 0 : i32
          %get3A_554 = arith.constant 0 : i32
          %get3A_555 = tpu.memref_slice %arg7[%scan3A_141, %get3A_553, %get3A_554] : memref<2x128x128xf32, #tpu.memory_space<vmem>> -> memref<1x128x128xf32, #tpu.memory_space<vmem>>
          %get3A_556 = tpu.memref_squeeze %get3A_555 : memref<1x128x128xf32, #tpu.memory_space<vmem>> -> memref<128x128xf32, #tpu.memory_space<vmem>>
          %get3A_557 = arith.index_cast %add3A_552 : i32 to index
          %get3A_558 = arith.constant 48 : index
          %get3A_559 = tpu.vector_load %get3A_556[%get3A_557, %get3A_558] {strides = array<i32>} : memref<128x128xf32, #tpu.memory_space<vmem>>, vector<1x16xf32>,
          %get3A_560 = vector.shape_cast %get3A_559 : vector<1x16xf32> to vector<16xf32>
          %max3A_561 = arith.maximumf %max3A_473, %get3A_560 : vector<16xf32>
          %add3A_562 = arith.constant 3 : i32
          %add3A_563 = arith.addi %add3A_255, %add3A_562 : i32
          %get3A_564 = arith.constant 0 : i32
          %get3A_565 = arith.constant 0 : i32
          %get3A_566 = tpu.memref_slice %arg7[%scan3A_141, %get3A_564, %get3A_565] : memref<2x128x128xf32, #tpu.memory_space<vmem>> -> memref<1x128x128xf32, #tpu.memory_space<vmem>>
          %get3A_567 = tpu.memref_squeeze %get3A_566 : memref<1x128x128xf32, #tpu.memory_space<vmem>> -> memref<128x128xf32, #tpu.memory_space<vmem>>
          %get3A_568 = arith.index_cast %add3A_563 : i32 to index
          %get3A_569 = arith.constant 64 : index
          %get3A_570 = tpu.vector_load %get3A_567[%get3A_568, %get3A_569] {strides = array<i32>} : memref<128x128xf32, #tpu.memory_space<vmem>>, vector<1x16xf32>,
          %get3A_571 = vector.shape_cast %get3A_570 : vector<1x16xf32> to vector<16xf32>
          %max3A_572 = arith.maximumf %max3A_484, %get3A_571 : vector<16xf32>
          %add3A_573 = arith.constant 3 : i32
          %add3A_574 = arith.addi %add3A_255, %add3A_573 : i32
          %get3A_575 = arith.constant 0 : i32
          %get3A_576 = arith.constant 0 : i32
          %get3A_577 = tpu.memref_slice %arg7[%scan3A_141, %get3A_575, %get3A_576] : memref<2x128x128xf32, #tpu.memory_space<vmem>> -> memref<1x128x128xf32, #tpu.memory_space<vmem>>
          %get3A_578 = tpu.memref_squeeze %get3A_577 : memref<1x128x128xf32, #tpu.memory_space<vmem>> -> memref<128x128xf32, #tpu.memory_space<vmem>>
          %get3A_579 = arith.index_cast %add3A_574 : i32 to index
          %get3A_580 = arith.constant 80 : index
          %get3A_581 = tpu.vector_load %get3A_578[%get3A_579, %get3A_580] {strides = array<i32>} : memref<128x128xf32, #tpu.memory_space<vmem>>, vector<1x16xf32>,
          %get3A_582 = vector.shape_cast %get3A_581 : vector<1x16xf32> to vector<16xf32>
          %max3A_583 = arith.maximumf %max3A_495, %get3A_582 : vector<16xf32>
          %add3A_584 = arith.constant 3 : i32
          %add3A_585 = arith.addi %add3A_255, %add3A_584 : i32
          %get3A_586 = arith.constant 0 : i32
          %get3A_587 = arith.constant 0 : i32
          %get3A_588 = tpu.memref_slice %arg7[%scan3A_141, %get3A_586, %get3A_587] : memref<2x128x128xf32, #tpu.memory_space<vmem>> -> memref<1x128x128xf32, #tpu.memory_space<vmem>>
          %get3A_589 = tpu.memref_squeeze %get3A_588 : memref<1x128x128xf32, #tpu.memory_space<vmem>> -> memref<128x128xf32, #tpu.memory_space<vmem>>
          %get3A_590 = arith.index_cast %add3A_585 : i32 to index
          %get3A_591 = arith.constant 96 : index
          %get3A_592 = tpu.vector_load %get3A_589[%get3A_590, %get3A_591] {strides = array<i32>} : memref<128x128xf32, #tpu.memory_space<vmem>>, vector<1x16xf32>,
          %get3A_593 = vector.shape_cast %get3A_592 : vector<1x16xf32> to vector<16xf32>
          %max3A_594 = arith.maximumf %max3A_506, %get3A_593 : vector<16xf32>
          %add3A_595 = arith.constant 3 : i32
          %add3A_596 = arith.addi %add3A_255, %add3A_595 : i32
          %get3A_597 = arith.constant 0 : i32
          %get3A_598 = arith.constant 0 : i32
          %get3A_599 = tpu.memref_slice %arg7[%scan3A_141, %get3A_597, %get3A_598] : memref<2x128x128xf32, #tpu.memory_space<vmem>> -> memref<1x128x128xf32, #tpu.memory_space<vmem>>
          %get3A_600 = tpu.memref_squeeze %get3A_599 : memref<1x128x128xf32, #tpu.memory_space<vmem>> -> memref<128x128xf32, #tpu.memory_space<vmem>>
          %get3A_601 = arith.index_cast %add3A_596 : i32 to index
          %get3A_602 = arith.constant 112 : index
          %get3A_603 = tpu.vector_load %get3A_600[%get3A_601, %get3A_602] {strides = array<i32>} : memref<128x128xf32, #tpu.memory_space<vmem>>, vector<1x16xf32>,
          %get3A_604 = vector.shape_cast %get3A_603 : vector<1x16xf32> to vector<16xf32>
          %max3A_605 = arith.maximumf %max3A_517, %get3A_604 : vector<16xf32>
          %add3A_606 = arith.constant 4 : i32
          %add3A_607 = arith.addi %add3A_255, %add3A_606 : i32
          %get3A_608 = arith.constant 0 : i32
          %get3A_609 = arith.constant 0 : i32
          %get3A_610 = tpu.memref_slice %arg7[%scan3A_141, %get3A_608, %get3A_609] : memref<2x128x128xf32, #tpu.memory_space<vmem>> -> memref<1x128x128xf32, #tpu.memory_space<vmem>>
          %get3A_611 = tpu.memref_squeeze %get3A_610 : memref<1x128x128xf32, #tpu.memory_space<vmem>> -> memref<128x128xf32, #tpu.memory_space<vmem>>
          %get3A_612 = arith.index_cast %add3A_607 : i32 to index
          %get3A_613 = arith.constant 0 : index
          %get3A_614 = tpu.vector_load %get3A_611[%get3A_612, %get3A_613] {strides = array<i32>} : memref<128x128xf32, #tpu.memory_space<vmem>>, vector<1x16xf32>,
          %get3A_615 = vector.shape_cast %get3A_614 : vector<1x16xf32> to vector<16xf32>
          %max3A_616 = arith.maximumf %max3A_528, %get3A_615 : vector<16xf32>
          %add3A_617 = arith.constant 4 : i32
          %add3A_618 = arith.addi %add3A_255, %add3A_617 : i32
          %get3A_619 = arith.constant 0 : i32
          %get3A_620 = arith.constant 0 : i32
          %get3A_621 = tpu.memref_slice %arg7[%scan3A_141, %get3A_619, %get3A_620] : memref<2x128x128xf32, #tpu.memory_space<vmem>> -> memref<1x128x128xf32, #tpu.memory_space<vmem>>
          %get3A_622 = tpu.memref_squeeze %get3A_621 : memref<1x128x128xf32, #tpu.memory_space<vmem>> -> memref<128x128xf32, #tpu.memory_space<vmem>>
          %get3A_623 = arith.index_cast %add3A_618 : i32 to index
          %get3A_624 = arith.constant 16 : index
          %get3A_625 = tpu.vector_load %get3A_622[%get3A_623, %get3A_624] {strides = array<i32>} : memref<128x128xf32, #tpu.memory_space<vmem>>, vector<1x16xf32>,
          %get3A_626 = vector.shape_cast %get3A_625 : vector<1x16xf32> to vector<16xf32>
          %max3A_627 = arith.maximumf %max3A_539, %get3A_626 : vector<16xf32>
          %add3A_628 = arith.constant 4 : i32
          %add3A_629 = arith.addi %add3A_255, %add3A_628 : i32
          %get3A_630 = arith.constant 0 : i32
          %get3A_631 = arith.constant 0 : i32
          %get3A_632 = tpu.memref_slice %arg7[%scan3A_141, %get3A_630, %get3A_631] : memref<2x128x128xf32, #tpu.memory_space<vmem>> -> memref<1x128x128xf32, #tpu.memory_space<vmem>>
          %get3A_633 = tpu.memref_squeeze %get3A_632 : memref<1x128x128xf32, #tpu.memory_space<vmem>> -> memref<128x128xf32, #tpu.memory_space<vmem>>
          %get3A_634 = arith.index_cast %add3A_629 : i32 to index
          %get3A_635 = arith.constant 32 : index
          %get3A_636 = tpu.vector_load %get3A_633[%get3A_634, %get3A_635] {strides = array<i32>} : memref<128x128xf32, #tpu.memory_space<vmem>>, vector<1x16xf32>,
          %get3A_637 = vector.shape_cast %get3A_636 : vector<1x16xf32> to vector<16xf32>
          %max3A_638 = arith.maximumf %max3A_550, %get3A_637 : vector<16xf32>
          %add3A_639 = arith.constant 4 : i32
          %add3A_640 = arith.addi %add3A_255, %add3A_639 : i32
          %get3A_641 = arith.constant 0 : i32
          %get3A_642 = arith.constant 0 : i32
          %get3A_643 = tpu.memref_slice %arg7[%scan3A_141, %get3A_641, %get3A_642] : memref<2x128x128xf32, #tpu.memory_space<vmem>> -> memref<1x128x128xf32, #tpu.memory_space<vmem>>
          %get3A_644 = tpu.memref_squeeze %get3A_643 : memref<1x128x128xf32, #tpu.memory_space<vmem>> -> memref<128x128xf32, #tpu.memory_space<vmem>>
          %get3A_645 = arith.index_cast %add3A_640 : i32 to index
          %get3A_646 = arith.constant 48 : index
          %get3A_647 = tpu.vector_load %get3A_644[%get3A_645, %get3A_646] {strides = array<i32>} : memref<128x128xf32, #tpu.memory_space<vmem>>, vector<1x16xf32>,
          %get3A_648 = vector.shape_cast %get3A_647 : vector<1x16xf32> to vector<16xf32>
          %max3A_649 = arith.maximumf %max3A_561, %get3A_648 : vector<16xf32>
          %add3A_650 = arith.constant 4 : i32
          %add3A_651 = arith.addi %add3A_255, %add3A_650 : i32
          %get3A_652 = arith.constant 0 : i32
          %get3A_653 = arith.constant 0 : i32
          %get3A_654 = tpu.memref_slice %arg7[%scan3A_141, %get3A_652, %get3A_653] : memref<2x128x128xf32, #tpu.memory_space<vmem>> -> memref<1x128x128xf32, #tpu.memory_space<vmem>>
          %get3A_655 = tpu.memref_squeeze %get3A_654 : memref<1x128x128xf32, #tpu.memory_space<vmem>> -> memref<128x128xf32, #tpu.memory_space<vmem>>
          %get3A_656 = arith.index_cast %add3A_651 : i32 to index
          %get3A_657 = arith.constant 64 : index
          %get3A_658 = tpu.vector_load %get3A_655[%get3A_656, %get3A_657] {strides = array<i32>} : memref<128x128xf32, #tpu.memory_space<vmem>>, vector<1x16xf32>,
          %get3A_659 = vector.shape_cast %get3A_658 : vector<1x16xf32> to vector<16xf32>
          %max3A_660 = arith.maximumf %max3A_572, %get3A_659 : vector<16xf32>
          %add3A_661 = arith.constant 4 : i32
          %add3A_662 = arith.addi %add3A_255, %add3A_661 : i32
          %get3A_663 = arith.constant 0 : i32
          %get3A_664 = arith.constant 0 : i32
          %get3A_665 = tpu.memref_slice %arg7[%scan3A_141, %get3A_663, %get3A_664] : memref<2x128x128xf32, #tpu.memory_space<vmem>> -> memref<1x128x128xf32, #tpu.memory_space<vmem>>
          %get3A_666 = tpu.memref_squeeze %get3A_665 : memref<1x128x128xf32, #tpu.memory_space<vmem>> -> memref<128x128xf32, #tpu.memory_space<vmem>>
          %get3A_667 = arith.index_cast %add3A_662 : i32 to index
          %get3A_668 = arith.constant 80 : index
          %get3A_669 = tpu.vector_load %get3A_666[%get3A_667, %get3A_668] {strides = array<i32>} : memref<128x128xf32, #tpu.memory_space<vmem>>, vector<1x16xf32>,
          %get3A_670 = vector.shape_cast %get3A_669 : vector<1x16xf32> to vector<16xf32>
          %max3A_671 = arith.maximumf %max3A_583, %get3A_670 : vector<16xf32>
          %add3A_672 = arith.constant 4 : i32
          %add3A_673 = arith.addi %add3A_255, %add3A_672 : i32
          %get3A_674 = arith.constant 0 : i32
          %get3A_675 = arith.constant 0 : i32
          %get3A_676 = tpu.memref_slice %arg7[%scan3A_141, %get3A_674, %get3A_675] : memref<2x128x128xf32, #tpu.memory_space<vmem>> -> memref<1x128x128xf32, #tpu.memory_space<vmem>>
          %get3A_677 = tpu.memref_squeeze %get3A_676 : memref<1x128x128xf32, #tpu.memory_space<vmem>> -> memref<128x128xf32, #tpu.memory_space<vmem>>
          %get3A_678 = arith.index_cast %add3A_673 : i32 to index
          %get3A_679 = arith.constant 96 : index
          %get3A_680 = tpu.vector_load %get3A_677[%get3A_678, %get3A_679] {strides = array<i32>} : memref<128x128xf32, #tpu.memory_space<vmem>>, vector<1x16xf32>,
          %get3A_681 = vector.shape_cast %get3A_680 : vector<1x16xf32> to vector<16xf32>
          %max3A_682 = arith.maximumf %max3A_594, %get3A_681 : vector<16xf32>
          %add3A_683 = arith.constant 4 : i32
          %add3A_684 = arith.addi %add3A_255, %add3A_683 : i32
          %get3A_685 = arith.constant 0 : i32
          %get3A_686 = arith.constant 0 : i32
          %get3A_687 = tpu.memref_slice %arg7[%scan3A_141, %get3A_685, %get3A_686] : memref<2x128x128xf32, #tpu.memory_space<vmem>> -> memref<1x128x128xf32, #tpu.memory_space<vmem>>
          %get3A_688 = tpu.memref_squeeze %get3A_687 : memref<1x128x128xf32, #tpu.memory_space<vmem>> -> memref<128x128xf32, #tpu.memory_space<vmem>>
          %get3A_689 = arith.index_cast %add3A_684 : i32 to index
          %get3A_690 = arith.constant 112 : index
          %get3A_691 = tpu.vector_load %get3A_688[%get3A_689, %get3A_690] {strides = array<i32>} : memref<128x128xf32, #tpu.memory_space<vmem>>, vector<1x16xf32>,
          %get3A_692 = vector.shape_cast %get3A_691 : vector<1x16xf32> to vector<16xf32>
          %max3A_693 = arith.maximumf %max3A_605, %get3A_692 : vector<16xf32>
          %add3A_694 = arith.constant 5 : i32
          %add3A_695 = arith.addi %add3A_255, %add3A_694 : i32
          %get3A_696 = arith.constant 0 : i32
          %get3A_697 = arith.constant 0 : i32
          %get3A_698 = tpu.memref_slice %arg7[%scan3A_141, %get3A_696, %get3A_697] : memref<2x128x128xf32, #tpu.memory_space<vmem>> -> memref<1x128x128xf32, #tpu.memory_space<vmem>>
          %get3A_699 = tpu.memref_squeeze %get3A_698 : memref<1x128x128xf32, #tpu.memory_space<vmem>> -> memref<128x128xf32, #tpu.memory_space<vmem>>
          %get3A_700 = arith.index_cast %add3A_695 : i32 to index
          %get3A_701 = arith.constant 0 : index
          %get3A_702 = tpu.vector_load %get3A_699[%get3A_700, %get3A_701] {strides = array<i32>} : memref<128x128xf32, #tpu.memory_space<vmem>>, vector<1x16xf32>,
          %get3A_703 = vector.shape_cast %get3A_702 : vector<1x16xf32> to vector<16xf32>
          %max3A_704 = arith.maximumf %max3A_616, %get3A_703 : vector<16xf32>
          %add3A_705 = arith.constant 5 : i32
          %add3A_706 = arith.addi %add3A_255, %add3A_705 : i32
          %get3A_707 = arith.constant 0 : i32
          %get3A_708 = arith.constant 0 : i32
          %get3A_709 = tpu.memref_slice %arg7[%scan3A_141, %get3A_707, %get3A_708] : memref<2x128x128xf32, #tpu.memory_space<vmem>> -> memref<1x128x128xf32, #tpu.memory_space<vmem>>
          %get3A_710 = tpu.memref_squeeze %get3A_709 : memref<1x128x128xf32, #tpu.memory_space<vmem>> -> memref<128x128xf32, #tpu.memory_space<vmem>>
          %get3A_711 = arith.index_cast %add3A_706 : i32 to index
          %get3A_712 = arith.constant 16 : index
          %get3A_713 = tpu.vector_load %get3A_710[%get3A_711, %get3A_712] {strides = array<i32>} : memref<128x128xf32, #tpu.memory_space<vmem>>, vector<1x16xf32>,
          %get3A_714 = vector.shape_cast %get3A_713 : vector<1x16xf32> to vector<16xf32>
          %max3A_715 = arith.maximumf %max3A_627, %get3A_714 : vector<16xf32>
          %add3A_716 = arith.constant 5 : i32
          %add3A_717 = arith.addi %add3A_255, %add3A_716 : i32
          %get3A_718 = arith.constant 0 : i32
          %get3A_719 = arith.constant 0 : i32
          %get3A_720 = tpu.memref_slice %arg7[%scan3A_141, %get3A_718, %get3A_719] : memref<2x128x128xf32, #tpu.memory_space<vmem>> -> memref<1x128x128xf32, #tpu.memory_space<vmem>>
          %get3A_721 = tpu.memref_squeeze %get3A_720 : memref<1x128x128xf32, #tpu.memory_space<vmem>> -> memref<128x128xf32, #tpu.memory_space<vmem>>
          %get3A_722 = arith.index_cast %add3A_717 : i32 to index
          %get3A_723 = arith.constant 32 : index
          %get3A_724 = tpu.vector_load %get3A_721[%get3A_722, %get3A_723] {strides = array<i32>} : memref<128x128xf32, #tpu.memory_space<vmem>>, vector<1x16xf32>,
          %get3A_725 = vector.shape_cast %get3A_724 : vector<1x16xf32> to vector<16xf32>
          %max3A_726 = arith.maximumf %max3A_638, %get3A_725 : vector<16xf32>
          %add3A_727 = arith.constant 5 : i32
          %add3A_728 = arith.addi %add3A_255, %add3A_727 : i32
          %get3A_729 = arith.constant 0 : i32
          %get3A_730 = arith.constant 0 : i32
          %get3A_731 = tpu.memref_slice %arg7[%scan3A_141, %get3A_729, %get3A_730] : memref<2x128x128xf32, #tpu.memory_space<vmem>> -> memref<1x128x128xf32, #tpu.memory_space<vmem>>
          %get3A_732 = tpu.memref_squeeze %get3A_731 : memref<1x128x128xf32, #tpu.memory_space<vmem>> -> memref<128x128xf32, #tpu.memory_space<vmem>>
          %get3A_733 = arith.index_cast %add3A_728 : i32 to index
          %get3A_734 = arith.constant 48 : index
          %get3A_735 = tpu.vector_load %get3A_732[%get3A_733, %get3A_734] {strides = array<i32>} : memref<128x128xf32, #tpu.memory_space<vmem>>, vector<1x16xf32>,
          %get3A_736 = vector.shape_cast %get3A_735 : vector<1x16xf32> to vector<16xf32>
          %max3A_737 = arith.maximumf %max3A_649, %get3A_736 : vector<16xf32>
          %add3A_738 = arith.constant 5 : i32
          %add3A_739 = arith.addi %add3A_255, %add3A_738 : i32
          %get3A_740 = arith.constant 0 : i32
          %get3A_741 = arith.constant 0 : i32
          %get3A_742 = tpu.memref_slice %arg7[%scan3A_141, %get3A_740, %get3A_741] : memref<2x128x128xf32, #tpu.memory_space<vmem>> -> memref<1x128x128xf32, #tpu.memory_space<vmem>>
          %get3A_743 = tpu.memref_squeeze %get3A_742 : memref<1x128x128xf32, #tpu.memory_space<vmem>> -> memref<128x128xf32, #tpu.memory_space<vmem>>
          %get3A_744 = arith.index_cast %add3A_739 : i32 to index
          %get3A_745 = arith.constant 64 : index
          %get3A_746 = tpu.vector_load %get3A_743[%get3A_744, %get3A_745] {strides = array<i32>} : memref<128x128xf32, #tpu.memory_space<vmem>>, vector<1x16xf32>,
          %get3A_747 = vector.shape_cast %get3A_746 : vector<1x16xf32> to vector<16xf32>
          %max3A_748 = arith.maximumf %max3A_660, %get3A_747 : vector<16xf32>
          %add3A_749 = arith.constant 5 : i32
          %add3A_750 = arith.addi %add3A_255, %add3A_749 : i32
          %get3A_751 = arith.constant 0 : i32
          %get3A_752 = arith.constant 0 : i32
          %get3A_753 = tpu.memref_slice %arg7[%scan3A_141, %get3A_751, %get3A_752] : memref<2x128x128xf32, #tpu.memory_space<vmem>> -> memref<1x128x128xf32, #tpu.memory_space<vmem>>
          %get3A_754 = tpu.memref_squeeze %get3A_753 : memref<1x128x128xf32, #tpu.memory_space<vmem>> -> memref<128x128xf32, #tpu.memory_space<vmem>>
          %get3A_755 = arith.index_cast %add3A_750 : i32 to index
          %get3A_756 = arith.constant 80 : index
          %get3A_757 = tpu.vector_load %get3A_754[%get3A_755, %get3A_756] {strides = array<i32>} : memref<128x128xf32, #tpu.memory_space<vmem>>, vector<1x16xf32>,
          %get3A_758 = vector.shape_cast %get3A_757 : vector<1x16xf32> to vector<16xf32>
          %max3A_759 = arith.maximumf %max3A_671, %get3A_758 : vector<16xf32>
          %add3A_760 = arith.constant 5 : i32
          %add3A_761 = arith.addi %add3A_255, %add3A_760 : i32
          %get3A_762 = arith.constant 0 : i32
          %get3A_763 = arith.constant 0 : i32
          %get3A_764 = tpu.memref_slice %arg7[%scan3A_141, %get3A_762, %get3A_763] : memref<2x128x128xf32, #tpu.memory_space<vmem>> -> memref<1x128x128xf32, #tpu.memory_space<vmem>>
          %get3A_765 = tpu.memref_squeeze %get3A_764 : memref<1x128x128xf32, #tpu.memory_space<vmem>> -> memref<128x128xf32, #tpu.memory_space<vmem>>
          %get3A_766 = arith.index_cast %add3A_761 : i32 to index
          %get3A_767 = arith.constant 96 : index
          %get3A_768 = tpu.vector_load %get3A_765[%get3A_766, %get3A_767] {strides = array<i32>} : memref<128x128xf32, #tpu.memory_space<vmem>>, vector<1x16xf32>,
          %get3A_769 = vector.shape_cast %get3A_768 : vector<1x16xf32> to vector<16xf32>
          %max3A_770 = arith.maximumf %max3A_682, %get3A_769 : vector<16xf32>
          %add3A_771 = arith.constant 5 : i32
          %add3A_772 = arith.addi %add3A_255, %add3A_771 : i32
          %get3A_773 = arith.constant 0 : i32
          %get3A_774 = arith.constant 0 : i32
          %get3A_775 = tpu.memref_slice %arg7[%scan3A_141, %get3A_773, %get3A_774] : memref<2x128x128xf32, #tpu.memory_space<vmem>> -> memref<1x128x128xf32, #tpu.memory_space<vmem>>
          %get3A_776 = tpu.memref_squeeze %get3A_775 : memref<1x128x128xf32, #tpu.memory_space<vmem>> -> memref<128x128xf32, #tpu.memory_space<vmem>>
          %get3A_777 = arith.index_cast %add3A_772 : i32 to index
          %get3A_778 = arith.constant 112 : index
          %get3A_779 = tpu.vector_load %get3A_776[%get3A_777, %get3A_778] {strides = array<i32>} : memref<128x128xf32, #tpu.memory_space<vmem>>, vector<1x16xf32>,
          %get3A_780 = vector.shape_cast %get3A_779 : vector<1x16xf32> to vector<16xf32>
          %max3A_781 = arith.maximumf %max3A_693, %get3A_780 : vector<16xf32>
          %add3A_782 = arith.constant 6 : i32
          %add3A_783 = arith.addi %add3A_255, %add3A_782 : i32
          %get3A_784 = arith.constant 0 : i32
          %get3A_785 = arith.constant 0 : i32
          %get3A_786 = tpu.memref_slice %arg7[%scan3A_141, %get3A_784, %get3A_785] : memref<2x128x128xf32, #tpu.memory_space<vmem>> -> memref<1x128x128xf32, #tpu.memory_space<vmem>>
          %get3A_787 = tpu.memref_squeeze %get3A_786 : memref<1x128x128xf32, #tpu.memory_space<vmem>> -> memref<128x128xf32, #tpu.memory_space<vmem>>
          %get3A_788 = arith.index_cast %add3A_783 : i32 to index
          %get3A_789 = arith.constant 0 : index
          %get3A_790 = tpu.vector_load %get3A_787[%get3A_788, %get3A_789] {strides = array<i32>} : memref<128x128xf32, #tpu.memory_space<vmem>>, vector<1x16xf32>,
          %get3A_791 = vector.shape_cast %get3A_790 : vector<1x16xf32> to vector<16xf32>
          %max3A_792 = arith.maximumf %max3A_704, %get3A_791 : vector<16xf32>
          %add3A_793 = arith.constant 6 : i32
          %add3A_794 = arith.addi %add3A_255, %add3A_793 : i32
          %get3A_795 = arith.constant 0 : i32
          %get3A_796 = arith.constant 0 : i32
          %get3A_797 = tpu.memref_slice %arg7[%scan3A_141, %get3A_795, %get3A_796] : memref<2x128x128xf32, #tpu.memory_space<vmem>> -> memref<1x128x128xf32, #tpu.memory_space<vmem>>
          %get3A_798 = tpu.memref_squeeze %get3A_797 : memref<1x128x128xf32, #tpu.memory_space<vmem>> -> memref<128x128xf32, #tpu.memory_space<vmem>>
          %get3A_799 = arith.index_cast %add3A_794 : i32 to index
          %get3A_800 = arith.constant 16 : index
          %get3A_801 = tpu.vector_load %get3A_798[%get3A_799, %get3A_800] {strides = array<i32>} : memref<128x128xf32, #tpu.memory_space<vmem>>, vector<1x16xf32>,
          %get3A_802 = vector.shape_cast %get3A_801 : vector<1x16xf32> to vector<16xf32>
          %max3A_803 = arith.maximumf %max3A_715, %get3A_802 : vector<16xf32>
          %add3A_804 = arith.constant 6 : i32
          %add3A_805 = arith.addi %add3A_255, %add3A_804 : i32
          %get3A_806 = arith.constant 0 : i32
          %get3A_807 = arith.constant 0 : i32
          %get3A_808 = tpu.memref_slice %arg7[%scan3A_141, %get3A_806, %get3A_807] : memref<2x128x128xf32, #tpu.memory_space<vmem>> -> memref<1x128x128xf32, #tpu.memory_space<vmem>>
          %get3A_809 = tpu.memref_squeeze %get3A_808 : memref<1x128x128xf32, #tpu.memory_space<vmem>> -> memref<128x128xf32, #tpu.memory_space<vmem>>
          %get3A_810 = arith.index_cast %add3A_805 : i32 to index
          %get3A_811 = arith.constant 32 : index
          %get3A_812 = tpu.vector_load %get3A_809[%get3A_810, %get3A_811] {strides = array<i32>} : memref<128x128xf32, #tpu.memory_space<vmem>>, vector<1x16xf32>,
          %get3A_813 = vector.shape_cast %get3A_812 : vector<1x16xf32> to vector<16xf32>
          %max3A_814 = arith.maximumf %max3A_726, %get3A_813 : vector<16xf32>
          %add3A_815 = arith.constant 6 : i32
          %add3A_816 = arith.addi %add3A_255, %add3A_815 : i32
          %get3A_817 = arith.constant 0 : i32
          %get3A_818 = arith.constant 0 : i32
          %get3A_819 = tpu.memref_slice %arg7[%scan3A_141, %get3A_817, %get3A_818] : memref<2x128x128xf32, #tpu.memory_space<vmem>> -> memref<1x128x128xf32, #tpu.memory_space<vmem>>
          %get3A_820 = tpu.memref_squeeze %get3A_819 : memref<1x128x128xf32, #tpu.memory_space<vmem>> -> memref<128x128xf32, #tpu.memory_space<vmem>>
          %get3A_821 = arith.index_cast %add3A_816 : i32 to index
          %get3A_822 = arith.constant 48 : index
          %get3A_823 = tpu.vector_load %get3A_820[%get3A_821, %get3A_822] {strides = array<i32>} : memref<128x128xf32, #tpu.memory_space<vmem>>, vector<1x16xf32>,
          %get3A_824 = vector.shape_cast %get3A_823 : vector<1x16xf32> to vector<16xf32>
          %max3A_825 = arith.maximumf %max3A_737, %get3A_824 : vector<16xf32>
          %add3A_826 = arith.constant 6 : i32
          %add3A_827 = arith.addi %add3A_255, %add3A_826 : i32
          %get3A_828 = arith.constant 0 : i32
          %get3A_829 = arith.constant 0 : i32
          %get3A_830 = tpu.memref_slice %arg7[%scan3A_141, %get3A_828, %get3A_829] : memref<2x128x128xf32, #tpu.memory_space<vmem>> -> memref<1x128x128xf32, #tpu.memory_space<vmem>>
          %get3A_831 = tpu.memref_squeeze %get3A_830 : memref<1x128x128xf32, #tpu.memory_space<vmem>> -> memref<128x128xf32, #tpu.memory_space<vmem>>
          %get3A_832 = arith.index_cast %add3A_827 : i32 to index
          %get3A_833 = arith.constant 64 : index
          %get3A_834 = tpu.vector_load %get3A_831[%get3A_832, %get3A_833] {strides = array<i32>} : memref<128x128xf32, #tpu.memory_space<vmem>>, vector<1x16xf32>,
          %get3A_835 = vector.shape_cast %get3A_834 : vector<1x16xf32> to vector<16xf32>
          %max3A_836 = arith.maximumf %max3A_748, %get3A_835 : vector<16xf32>
          %add3A_837 = arith.constant 6 : i32
          %add3A_838 = arith.addi %add3A_255, %add3A_837 : i32
          %get3A_839 = arith.constant 0 : i32
          %get3A_840 = arith.constant 0 : i32
          %get3A_841 = tpu.memref_slice %arg7[%scan3A_141, %get3A_839, %get3A_840] : memref<2x128x128xf32, #tpu.memory_space<vmem>> -> memref<1x128x128xf32, #tpu.memory_space<vmem>>
          %get3A_842 = tpu.memref_squeeze %get3A_841 : memref<1x128x128xf32, #tpu.memory_space<vmem>> -> memref<128x128xf32, #tpu.memory_space<vmem>>
          %get3A_843 = arith.index_cast %add3A_838 : i32 to index
          %get3A_844 = arith.constant 80 : index
          %get3A_845 = tpu.vector_load %get3A_842[%get3A_843, %get3A_844] {strides = array<i32>} : memref<128x128xf32, #tpu.memory_space<vmem>>, vector<1x16xf32>,
          %get3A_846 = vector.shape_cast %get3A_845 : vector<1x16xf32> to vector<16xf32>
          %max3A_847 = arith.maximumf %max3A_759, %get3A_846 : vector<16xf32>
          %add3A_848 = arith.constant 6 : i32
          %add3A_849 = arith.addi %add3A_255, %add3A_848 : i32
          %get3A_850 = arith.constant 0 : i32
          %get3A_851 = arith.constant 0 : i32
          %get3A_852 = tpu.memref_slice %arg7[%scan3A_141, %get3A_850, %get3A_851] : memref<2x128x128xf32, #tpu.memory_space<vmem>> -> memref<1x128x128xf32, #tpu.memory_space<vmem>>
          %get3A_853 = tpu.memref_squeeze %get3A_852 : memref<1x128x128xf32, #tpu.memory_space<vmem>> -> memref<128x128xf32, #tpu.memory_space<vmem>>
          %get3A_854 = arith.index_cast %add3A_849 : i32 to index
          %get3A_855 = arith.constant 96 : index
          %get3A_856 = tpu.vector_load %get3A_853[%get3A_854, %get3A_855] {strides = array<i32>} : memref<128x128xf32, #tpu.memory_space<vmem>>, vector<1x16xf32>,
          %get3A_857 = vector.shape_cast %get3A_856 : vector<1x16xf32> to vector<16xf32>
          %max3A_858 = arith.maximumf %max3A_770, %get3A_857 : vector<16xf32>
          %add3A_859 = arith.constant 6 : i32
          %add3A_860 = arith.addi %add3A_255, %add3A_859 : i32
          %get3A_861 = arith.constant 0 : i32
          %get3A_862 = arith.constant 0 : i32
          %get3A_863 = tpu.memref_slice %arg7[%scan3A_141, %get3A_861, %get3A_862] : memref<2x128x128xf32, #tpu.memory_space<vmem>> -> memref<1x128x128xf32, #tpu.memory_space<vmem>>
          %get3A_864 = tpu.memref_squeeze %get3A_863 : memref<1x128x128xf32, #tpu.memory_space<vmem>> -> memref<128x128xf32, #tpu.memory_space<vmem>>
          %get3A_865 = arith.index_cast %add3A_860 : i32 to index
          %get3A_866 = arith.constant 112 : index
          %get3A_867 = tpu.vector_load %get3A_864[%get3A_865, %get3A_866] {strides = array<i32>} : memref<128x128xf32, #tpu.memory_space<vmem>>, vector<1x16xf32>,
          %get3A_868 = vector.shape_cast %get3A_867 : vector<1x16xf32> to vector<16xf32>
          %max3A_869 = arith.maximumf %max3A_781, %get3A_868 : vector<16xf32>
          %add3A_870 = arith.constant 7 : i32
          %add3A_871 = arith.addi %add3A_255, %add3A_870 : i32
          %get3A_872 = arith.constant 0 : i32
          %get3A_873 = arith.constant 0 : i32
          %get3A_874 = tpu.memref_slice %arg7[%scan3A_141, %get3A_872, %get3A_873] : memref<2x128x128xf32, #tpu.memory_space<vmem>> -> memref<1x128x128xf32, #tpu.memory_space<vmem>>
          %get3A_875 = tpu.memref_squeeze %get3A_874 : memref<1x128x128xf32, #tpu.memory_space<vmem>> -> memref<128x128xf32, #tpu.memory_space<vmem>>
          %get3A_876 = arith.index_cast %add3A_871 : i32 to index
          %get3A_877 = arith.constant 0 : index
          %get3A_878 = tpu.vector_load %get3A_875[%get3A_876, %get3A_877] {strides = array<i32>} : memref<128x128xf32, #tpu.memory_space<vmem>>, vector<1x16xf32>,
          %get3A_879 = vector.shape_cast %get3A_878 : vector<1x16xf32> to vector<16xf32>
          %max3A_880 = arith.maximumf %max3A_792, %get3A_879 : vector<16xf32>
          %add3A_881 = arith.constant 7 : i32
          %add3A_882 = arith.addi %add3A_255, %add3A_881 : i32
          %get3A_883 = arith.constant 0 : i32
          %get3A_884 = arith.constant 0 : i32
          %get3A_885 = tpu.memref_slice %arg7[%scan3A_141, %get3A_883, %get3A_884] : memref<2x128x128xf32, #tpu.memory_space<vmem>> -> memref<1x128x128xf32, #tpu.memory_space<vmem>>
          %get3A_886 = tpu.memref_squeeze %get3A_885 : memref<1x128x128xf32, #tpu.memory_space<vmem>> -> memref<128x128xf32, #tpu.memory_space<vmem>>
          %get3A_887 = arith.index_cast %add3A_882 : i32 to index
          %get3A_888 = arith.constant 16 : index
          %get3A_889 = tpu.vector_load %get3A_886[%get3A_887, %get3A_888] {strides = array<i32>} : memref<128x128xf32, #tpu.memory_space<vmem>>, vector<1x16xf32>,
          %get3A_890 = vector.shape_cast %get3A_889 : vector<1x16xf32> to vector<16xf32>
          %max3A_891 = arith.maximumf %max3A_803, %get3A_890 : vector<16xf32>
          %add3A_892 = arith.constant 7 : i32
          %add3A_893 = arith.addi %add3A_255, %add3A_892 : i32
          %get3A_894 = arith.constant 0 : i32
          %get3A_895 = arith.constant 0 : i32
          %get3A_896 = tpu.memref_slice %arg7[%scan3A_141, %get3A_894, %get3A_895] : memref<2x128x128xf32, #tpu.memory_space<vmem>> -> memref<1x128x128xf32, #tpu.memory_space<vmem>>
          %get3A_897 = tpu.memref_squeeze %get3A_896 : memref<1x128x128xf32, #tpu.memory_space<vmem>> -> memref<128x128xf32, #tpu.memory_space<vmem>>
          %get3A_898 = arith.index_cast %add3A_893 : i32 to index
          %get3A_899 = arith.constant 32 : index
          %get3A_900 = tpu.vector_load %get3A_897[%get3A_898, %get3A_899] {strides = array<i32>} : memref<128x128xf32, #tpu.memory_space<vmem>>, vector<1x16xf32>,
          %get3A_901 = vector.shape_cast %get3A_900 : vector<1x16xf32> to vector<16xf32>
          %max3A_902 = arith.maximumf %max3A_814, %get3A_901 : vector<16xf32>
          %add3A_903 = arith.constant 7 : i32
          %add3A_904 = arith.addi %add3A_255, %add3A_903 : i32
          %get3A_905 = arith.constant 0 : i32
          %get3A_906 = arith.constant 0 : i32
          %get3A_907 = tpu.memref_slice %arg7[%scan3A_141, %get3A_905, %get3A_906] : memref<2x128x128xf32, #tpu.memory_space<vmem>> -> memref<1x128x128xf32, #tpu.memory_space<vmem>>
          %get3A_908 = tpu.memref_squeeze %get3A_907 : memref<1x128x128xf32, #tpu.memory_space<vmem>> -> memref<128x128xf32, #tpu.memory_space<vmem>>
          %get3A_909 = arith.index_cast %add3A_904 : i32 to index
          %get3A_910 = arith.constant 48 : index
          %get3A_911 = tpu.vector_load %get3A_908[%get3A_909, %get3A_910] {strides = array<i32>} : memref<128x128xf32, #tpu.memory_space<vmem>>, vector<1x16xf32>,
          %get3A_912 = vector.shape_cast %get3A_911 : vector<1x16xf32> to vector<16xf32>
          %max3A_913 = arith.maximumf %max3A_825, %get3A_912 : vector<16xf32>
          %add3A_914 = arith.constant 7 : i32
          %add3A_915 = arith.addi %add3A_255, %add3A_914 : i32
          %get3A_916 = arith.constant 0 : i32
          %get3A_917 = arith.constant 0 : i32
          %get3A_918 = tpu.memref_slice %arg7[%scan3A_141, %get3A_916, %get3A_917] : memref<2x128x128xf32, #tpu.memory_space<vmem>> -> memref<1x128x128xf32, #tpu.memory_space<vmem>>
          %get3A_919 = tpu.memref_squeeze %get3A_918 : memref<1x128x128xf32, #tpu.memory_space<vmem>> -> memref<128x128xf32, #tpu.memory_space<vmem>>
          %get3A_920 = arith.index_cast %add3A_915 : i32 to index
          %get3A_921 = arith.constant 64 : index
          %get3A_922 = tpu.vector_load %get3A_919[%get3A_920, %get3A_921] {strides = array<i32>} : memref<128x128xf32, #tpu.memory_space<vmem>>, vector<1x16xf32>,
          %get3A_923 = vector.shape_cast %get3A_922 : vector<1x16xf32> to vector<16xf32>
          %max3A_924 = arith.maximumf %max3A_836, %get3A_923 : vector<16xf32>
          %add3A_925 = arith.constant 7 : i32
          %add3A_926 = arith.addi %add3A_255, %add3A_925 : i32
          %get3A_927 = arith.constant 0 : i32
          %get3A_928 = arith.constant 0 : i32
          %get3A_929 = tpu.memref_slice %arg7[%scan3A_141, %get3A_927, %get3A_928] : memref<2x128x128xf32, #tpu.memory_space<vmem>> -> memref<1x128x128xf32, #tpu.memory_space<vmem>>
          %get3A_930 = tpu.memref_squeeze %get3A_929 : memref<1x128x128xf32, #tpu.memory_space<vmem>> -> memref<128x128xf32, #tpu.memory_space<vmem>>
          %get3A_931 = arith.index_cast %add3A_926 : i32 to index
          %get3A_932 = arith.constant 80 : index
          %get3A_933 = tpu.vector_load %get3A_930[%get3A_931, %get3A_932] {strides = array<i32>} : memref<128x128xf32, #tpu.memory_space<vmem>>, vector<1x16xf32>,
          %get3A_934 = vector.shape_cast %get3A_933 : vector<1x16xf32> to vector<16xf32>
          %max3A_935 = arith.maximumf %max3A_847, %get3A_934 : vector<16xf32>
          %add3A_936 = arith.constant 7 : i32
          %add3A_937 = arith.addi %add3A_255, %add3A_936 : i32
          %get3A_938 = arith.constant 0 : i32
          %get3A_939 = arith.constant 0 : i32
          %get3A_940 = tpu.memref_slice %arg7[%scan3A_141, %get3A_938, %get3A_939] : memref<2x128x128xf32, #tpu.memory_space<vmem>> -> memref<1x128x128xf32, #tpu.memory_space<vmem>>
          %get3A_941 = tpu.memref_squeeze %get3A_940 : memref<1x128x128xf32, #tpu.memory_space<vmem>> -> memref<128x128xf32, #tpu.memory_space<vmem>>
          %get3A_942 = arith.index_cast %add3A_937 : i32 to index
          %get3A_943 = arith.constant 96 : index
          %get3A_944 = tpu.vector_load %get3A_941[%get3A_942, %get3A_943] {strides = array<i32>} : memref<128x128xf32, #tpu.memory_space<vmem>>, vector<1x16xf32>,
          %get3A_945 = vector.shape_cast %get3A_944 : vector<1x16xf32> to vector<16xf32>
          %max3A_946 = arith.maximumf %max3A_858, %get3A_945 : vector<16xf32>
          %add3A_947 = arith.constant 7 : i32
          %add3A_948 = arith.addi %add3A_255, %add3A_947 : i32
          %get3A_949 = arith.constant 0 : i32
          %get3A_950 = arith.constant 0 : i32
          %get3A_951 = tpu.memref_slice %arg7[%scan3A_141, %get3A_949, %get3A_950] : memref<2x128x128xf32, #tpu.memory_space<vmem>> -> memref<1x128x128xf32, #tpu.memory_space<vmem>>
          %get3A_952 = tpu.memref_squeeze %get3A_951 : memref<1x128x128xf32, #tpu.memory_space<vmem>> -> memref<128x128xf32, #tpu.memory_space<vmem>>
          %get3A_953 = arith.index_cast %add3A_948 : i32 to index
          %get3A_954 = arith.constant 112 : index
          %get3A_955 = tpu.vector_load %get3A_952[%get3A_953, %get3A_954] {strides = array<i32>} : memref<128x128xf32, #tpu.memory_space<vmem>>, vector<1x16xf32>,
          %get3A_956 = vector.shape_cast %get3A_955 : vector<1x16xf32> to vector<16xf32>
          %max3A_957 = arith.maximumf %max3A_869, %get3A_956 : vector<16xf32>
          scf.yield %max3A_880, %max3A_891, %max3A_902, %max3A_913, %max3A_924, %max3A_935, %max3A_946, %max3A_957 : vector<16xf32>, vector<16xf32>, vector<16xf32>, vector<16xf32>, vector<16xf32>, vector<16xf32>, vector<16xf32>, vector<16xf32>
        }
        %scan3A_172 = arith.constant 4 : i32
        %swap3A = arith.constant 0 : i32
        %swap3A_173 = arith.constant 0 : i32
        %swap3A_174 = tpu.memref_slice %arg8[%scan3A_142, %swap3A, %swap3A_173] : memref<2x4x128xf32, #tpu.memory_space<vmem>> -> memref<1x4x128xf32, #tpu.memory_space<vmem>>
        %swap3A_175 = tpu.memref_squeeze %swap3A_174 : memref<1x4x128xf32, #tpu.memory_space<vmem>> -> memref<4x128xf32, #tpu.memory_space<vmem>>
        %swap3A_176 = arith.index_cast %scan3A_164 : i32 to index
        %swap3A_177 = arith.constant 0 : index
        %swap3A_178 = tpu.vector_load %swap3A_175[%swap3A_176, %swap3A_177] {strides = array<i32>} : memref<4x128xf32, #tpu.memory_space<vmem>>, vector<1x16xf32>,
        %swap3A_179 = vector.shape_cast %swap3A_178 : vector<1x16xf32> to vector<16xf32>
        %swap3A_180 = vector.shape_cast %scan3A_171#0 : vector<16xf32> to vector<1x16xf32>
        tpu.vector_store %swap3A_175[%swap3A_176, %swap3A_177], %swap3A_180 {strides = array<i32>} : memref<4x128xf32, #tpu.memory_space<vmem>>, vector<1x16xf32>,
        %swap3A_181 = arith.constant 0 : i32
        %swap3A_182 = arith.constant 0 : i32
        %swap3A_183 = tpu.memref_slice %arg8[%scan3A_142, %swap3A_181, %swap3A_182] : memref<2x4x128xf32, #tpu.memory_space<vmem>> -> memref<1x4x128xf32, #tpu.memory_space<vmem>>
        %swap3A_184 = tpu.memref_squeeze %swap3A_183 : memref<1x4x128xf32, #tpu.memory_space<vmem>> -> memref<4x128xf32, #tpu.memory_space<vmem>>
        %swap3A_185 = arith.index_cast %scan3A_164 : i32 to index
        %swap3A_186 = arith.constant 16 : index
        %swap3A_187 = tpu.vector_load %swap3A_184[%swap3A_185, %swap3A_186] {strides = array<i32>} : memref<4x128xf32, #tpu.memory_space<vmem>>, vector<1x16xf32>,
        %swap3A_188 = vector.shape_cast %swap3A_187 : vector<1x16xf32> to vector<16xf32>
        %swap3A_189 = vector.shape_cast %scan3A_171#1 : vector<16xf32> to vector<1x16xf32>
        tpu.vector_store %swap3A_184[%swap3A_185, %swap3A_186], %swap3A_189 {strides = array<i32>} : memref<4x128xf32, #tpu.memory_space<vmem>>, vector<1x16xf32>,
        %swap3A_190 = arith.constant 0 : i32
        %swap3A_191 = arith.constant 0 : i32
        %swap3A_192 = tpu.memref_slice %arg8[%scan3A_142, %swap3A_190, %swap3A_191] : memref<2x4x128xf32, #tpu.memory_space<vmem>> -> memref<1x4x128xf32, #tpu.memory_space<vmem>>
        %swap3A_193 = tpu.memref_squeeze %swap3A_192 : memref<1x4x128xf32, #tpu.memory_space<vmem>> -> memref<4x128xf32, #tpu.memory_space<vmem>>
        %swap3A_194 = arith.index_cast %scan3A_164 : i32 to index
        %swap3A_195 = arith.constant 32 : index
        %swap3A_196 = tpu.vector_load %swap3A_193[%swap3A_194, %swap3A_195] {strides = array<i32>} : memref<4x128xf32, #tpu.memory_space<vmem>>, vector<1x16xf32>,
        %swap3A_197 = vector.shape_cast %swap3A_196 : vector<1x16xf32> to vector<16xf32>
        %swap3A_198 = vector.shape_cast %scan3A_171#2 : vector<16xf32> to vector<1x16xf32>
        tpu.vector_store %swap3A_193[%swap3A_194, %swap3A_195], %swap3A_198 {strides = array<i32>} : memref<4x128xf32, #tpu.memory_space<vmem>>, vector<1x16xf32>,
        %swap3A_199 = arith.constant 0 : i32
        %swap3A_200 = arith.constant 0 : i32
        %swap3A_201 = tpu.memref_slice %arg8[%scan3A_142, %swap3A_199, %swap3A_200] : memref<2x4x128xf32, #tpu.memory_space<vmem>> -> memref<1x4x128xf32, #tpu.memory_space<vmem>>
        %swap3A_202 = tpu.memref_squeeze %swap3A_201 : memref<1x4x128xf32, #tpu.memory_space<vmem>> -> memref<4x128xf32, #tpu.memory_space<vmem>>
        %swap3A_203 = arith.index_cast %scan3A_164 : i32 to index
        %swap3A_204 = arith.constant 48 : index
        %swap3A_205 = tpu.vector_load %swap3A_202[%swap3A_203, %swap3A_204] {strides = array<i32>} : memref<4x128xf32, #tpu.memory_space<vmem>>, vector<1x16xf32>,
        %swap3A_206 = vector.shape_cast %swap3A_205 : vector<1x16xf32> to vector<16xf32>
        %swap3A_207 = vector.shape_cast %scan3A_171#3 : vector<16xf32> to vector<1x16xf32>
        tpu.vector_store %swap3A_202[%swap3A_203, %swap3A_204], %swap3A_207 {strides = array<i32>} : memref<4x128xf32, #tpu.memory_space<vmem>>, vector<1x16xf32>,
        %swap3A_208 = arith.constant 0 : i32
        %swap3A_209 = arith.constant 0 : i32
        %swap3A_210 = tpu.memref_slice %arg8[%scan3A_142, %swap3A_208, %swap3A_209] : memref<2x4x128xf32, #tpu.memory_space<vmem>> -> memref<1x4x128xf32, #tpu.memory_space<vmem>>
        %swap3A_211 = tpu.memref_squeeze %swap3A_210 : memref<1x4x128xf32, #tpu.memory_space<vmem>> -> memref<4x128xf32, #tpu.memory_space<vmem>>
        %swap3A_212 = arith.index_cast %scan3A_164 : i32 to index
        %swap3A_213 = arith.constant 64 : index
        %swap3A_214 = tpu.vector_load %swap3A_211[%swap3A_212, %swap3A_213] {strides = array<i32>} : memref<4x128xf32, #tpu.memory_space<vmem>>, vector<1x16xf32>,
        %swap3A_215 = vector.shape_cast %swap3A_214 : vector<1x16xf32> to vector<16xf32>
        %swap3A_216 = vector.shape_cast %scan3A_171#4 : vector<16xf32> to vector<1x16xf32>
        tpu.vector_store %swap3A_211[%swap3A_212, %swap3A_213], %swap3A_216 {strides = array<i32>} : memref<4x128xf32, #tpu.memory_space<vmem>>, vector<1x16xf32>,
        %swap3A_217 = arith.constant 0 : i32
        %swap3A_218 = arith.constant 0 : i32
        %swap3A_219 = tpu.memref_slice %arg8[%scan3A_142, %swap3A_217, %swap3A_218] : memref<2x4x128xf32, #tpu.memory_space<vmem>> -> memref<1x4x128xf32, #tpu.memory_space<vmem>>
        %swap3A_220 = tpu.memref_squeeze %swap3A_219 : memref<1x4x128xf32, #tpu.memory_space<vmem>> -> memref<4x128xf32, #tpu.memory_space<vmem>>
        %swap3A_221 = arith.index_cast %scan3A_164 : i32 to index
        %swap3A_222 = arith.constant 80 : index
        %swap3A_223 = tpu.vector_load %swap3A_220[%swap3A_221, %swap3A_222] {strides = array<i32>} : memref<4x128xf32, #tpu.memory_space<vmem>>, vector<1x16xf32>,
        %swap3A_224 = vector.shape_cast %swap3A_223 : vector<1x16xf32> to vector<16xf32>
        %swap3A_225 = vector.shape_cast %scan3A_171#5 : vector<16xf32> to vector<1x16xf32>
        tpu.vector_store %swap3A_220[%swap3A_221, %swap3A_222], %swap3A_225 {strides = array<i32>} : memref<4x128xf32, #tpu.memory_space<vmem>>, vector<1x16xf32>,
        %swap3A_226 = arith.constant 0 : i32
        %swap3A_227 = arith.constant 0 : i32
        %swap3A_228 = tpu.memref_slice %arg8[%scan3A_142, %swap3A_226, %swap3A_227] : memref<2x4x128xf32, #tpu.memory_space<vmem>> -> memref<1x4x128xf32, #tpu.memory_space<vmem>>
        %swap3A_229 = tpu.memref_squeeze %swap3A_228 : memref<1x4x128xf32, #tpu.memory_space<vmem>> -> memref<4x128xf32, #tpu.memory_space<vmem>>
        %swap3A_230 = arith.index_cast %scan3A_164 : i32 to index
        %swap3A_231 = arith.constant 96 : index
        %swap3A_232 = tpu.vector_load %swap3A_229[%swap3A_230, %swap3A_231] {strides = array<i32>} : memref<4x128xf32, #tpu.memory_space<vmem>>, vector<1x16xf32>,
        %swap3A_233 = vector.shape_cast %swap3A_232 : vector<1x16xf32> to vector<16xf32>
        %swap3A_234 = vector.shape_cast %scan3A_171#6 : vector<16xf32> to vector<1x16xf32>
        tpu.vector_store %swap3A_229[%swap3A_230, %swap3A_231], %swap3A_234 {strides = array<i32>} : memref<4x128xf32, #tpu.memory_space<vmem>>, vector<1x16xf32>,
        %swap3A_235 = arith.constant 0 : i32
        %swap3A_236 = arith.constant 0 : i32
        %swap3A_237 = tpu.memref_slice %arg8[%scan3A_142, %swap3A_235, %swap3A_236] : memref<2x4x128xf32, #tpu.memory_space<vmem>> -> memref<1x4x128xf32, #tpu.memory_space<vmem>>
        %swap3A_238 = tpu.memref_squeeze %swap3A_237 : memref<1x4x128xf32, #tpu.memory_space<vmem>> -> memref<4x128xf32, #tpu.memory_space<vmem>>
        %swap3A_239 = arith.index_cast %scan3A_164 : i32 to index
        %swap3A_240 = arith.constant 112 : index
        %swap3A_241 = tpu.vector_load %swap3A_238[%swap3A_239, %swap3A_240] {strides = array<i32>} : memref<4x128xf32, #tpu.memory_space<vmem>>, vector<1x16xf32>,
        %swap3A_242 = vector.shape_cast %swap3A_241 : vector<1x16xf32> to vector<16xf32>
        %swap3A_243 = vector.shape_cast %scan3A_171#7 : vector<16xf32> to vector<1x16xf32>
        tpu.vector_store %swap3A_238[%swap3A_239, %swap3A_240], %swap3A_243 {strides = array<i32>} : memref<4x128xf32, #tpu.memory_space<vmem>>, vector<1x16xf32>,
      }
      %scan3A_147 = arith.constant 4 : i32
      %mul3A_148 = arith.constant 4 : i32
      %mul3A_149 = arith.muli %add3A_110, %mul3A_148 : i32
      %add3A_150 = arith.addi %mul3A_2, %mul3A_149 : i32
      %dma_start3A_151 = arith.constant 1 : i32
      %dma_start3A_152 = arith.constant 0 : i32
      %dma_start3A_153 = arith.constant 0 : i32
      %dma_start3A_154 = tpu.memref_slice %arg8[%dma_start3A_151, %dma_start3A_152, %dma_start3A_153] : memref<2x4x128xf32, #tpu.memory_space<vmem>> -> memref<1x4x128xf32, #tpu.memory_space<vmem>>
      %dma_start3A_155 = tpu.memref_squeeze %dma_start3A_154 : memref<1x4x128xf32, #tpu.memory_space<vmem>> -> memref<4x128xf32, #tpu.memory_space<vmem>>
      %dma_start3A_156 = arith.constant 0 : i32
      %dma_start3A_157 = tpu.memref_slice %arg4[%add3A_150, %dma_start3A_156] : memref<10240x128xf32, #tpu.memory_space<hbm>> -> memref<4x128xf32, #tpu.memory_space<hbm>>
      %dma_start3A_158 = arith.constant 0 : i32
      %dma_start3A_159 = tpu.memref_slice %arg4[%add3A_150, %dma_start3A_158] : memref<10240x128xf32, #tpu.memory_space<hbm>> -> memref<4x128xf32, #tpu.memory_space<hbm>>
      %dma_start3A_160 = arith.constant 0 : i32
      %dma_start3A_161 = arith.constant 0 : i32
      %dma_start3A_162 = tpu.memref_slice %arg8[%dma_start3A_151, %dma_start3A_160, %dma_start3A_161] : memref<2x4x128xf32, #tpu.memory_space<vmem>> -> memref<1x4x128xf32, #tpu.memory_space<vmem>>
      %dma_start3A_163 = tpu.memref_squeeze %dma_start3A_162 : memref<1x4x128xf32, #tpu.memory_space<vmem>> -> memref<4x128xf32, #tpu.memory_space<vmem>>
      tpu.enqueue_dma source(%dma_start3A_163 : memref<4x128xf32, #tpu.memory_space<vmem>>) target(%dma_start3A_159 : memref<4x128xf32, #tpu.memory_space<hbm>>) target_semaphore(%arg12 : memref<!tpu.dma_semaphore, #tpu.memory_space<semaphore_mem>>)
    }
    %scan3A_22 = arith.constant 40 : i32
    %add3A_23 = arith.constant 312 : i32
    %add3A_24 = arith.addi %mul3A_2, %add3A_23 : i32
    %dma_wait3A = arith.constant 0 : i32
    %dma_wait3A_25 = arith.constant 0 : i32
    %dma_wait3A_26 = arith.constant 0 : i32
    %dma_wait3A_27 = tpu.memref_slice %arg8[%dma_wait3A, %dma_wait3A_25, %dma_wait3A_26] : memref<2x4x128xf32, #tpu.memory_space<vmem>> -> memref<1x4x128xf32, #tpu.memory_space<vmem>>
    %dma_wait3A_28 = tpu.memref_squeeze %dma_wait3A_27 : memref<1x4x128xf32, #tpu.memory_space<vmem>> -> memref<4x128xf32, #tpu.memory_space<vmem>>
    %dma_wait3A_29 = arith.constant 0 : i32
    %dma_wait3A_30 = tpu.memref_slice %arg4[%add3A_24, %dma_wait3A_29] : memref<10240x128xf32, #tpu.memory_space<hbm>> -> memref<4x128xf32, #tpu.memory_space<hbm>>
    %dma_wait3A_31 = arith.constant 0 : i32
    %dma_wait3A_32 = tpu.memref_slice %arg4[%add3A_24, %dma_wait3A_31] : memref<10240x128xf32, #tpu.memory_space<hbm>> -> memref<4x128xf32, #tpu.memory_space<hbm>>
    %dma_wait3A_33 = arith.constant 0 : i32
    %dma_wait3A_34 = arith.constant 0 : i32
    %dma_wait3A_35 = tpu.memref_slice %arg8[%dma_wait3A, %dma_wait3A_33, %dma_wait3A_34] : memref<2x4x128xf32, #tpu.memory_space<vmem>> -> memref<1x4x128xf32, #tpu.memory_space<vmem>>
    %dma_wait3A_36 = tpu.memref_squeeze %dma_wait3A_35 : memref<1x4x128xf32, #tpu.memory_space<vmem>> -> memref<4x128xf32, #tpu.memory_space<vmem>>
    tpu.wait_dma2 semaphore(%arg11 : memref<!tpu.dma_semaphore, #tpu.memory_space<semaphore_mem>>) src(%dma_wait3A_36 : memref<4x128xf32, #tpu.memory_space<vmem>>) dst(%dma_wait3A_32 : memref<4x128xf32, #tpu.memory_space<hbm>>)
    %add3A_37 = arith.constant 316 : i32
    %add3A_38 = arith.addi %mul3A_2, %add3A_37 : i32
    %dma_wait3A_39 = arith.constant 1 : i32
    %dma_wait3A_40 = arith.constant 0 : i32
    %dma_wait3A_41 = arith.constant 0 : i32
    %dma_wait3A_42 = tpu.memref_slice %arg8[%dma_wait3A_39, %dma_wait3A_40, %dma_wait3A_41] : memref<2x4x128xf32, #tpu.memory_space<vmem>> -> memref<1x4x128xf32, #tpu.memory_space<vmem>>
    %dma_wait3A_43 = tpu.memref_squeeze %dma_wait3A_42 : memref<1x4x128xf32, #tpu.memory_space<vmem>> -> memref<4x128xf32, #tpu.memory_space<vmem>>
    %dma_wait3A_44 = arith.constant 0 : i32
    %dma_wait3A_45 = tpu.memref_slice %arg4[%add3A_38, %dma_wait3A_44] : memref<10240x128xf32, #tpu.memory_space<hbm>> -> memref<4x128xf32, #tpu.memory_space<hbm>>
    %dma_wait3A_46 = arith.constant 0 : i32
    %dma_wait3A_47 = tpu.memref_slice %arg4[%add3A_38, %dma_wait3A_46] : memref<10240x128xf32, #tpu.memory_space<hbm>> -> memref<4x128xf32, #tpu.memory_space<hbm>>
    %dma_wait3A_48 = arith.constant 0 : i32
    %dma_wait3A_49 = arith.constant 0 : i32
    %dma_wait3A_50 = tpu.memref_slice %arg8[%dma_wait3A_39, %dma_wait3A_48, %dma_wait3A_49] : memref<2x4x128xf32, #tpu.memory_space<vmem>> -> memref<1x4x128xf32, #tpu.memory_space<vmem>>
    %dma_wait3A_51 = tpu.memref_squeeze %dma_wait3A_50 : memref<1x4x128xf32, #tpu.memory_space<vmem>> -> memref<4x128xf32, #tpu.memory_space<vmem>>
    tpu.wait_dma2 semaphore(%arg12 : memref<!tpu.dma_semaphore, #tpu.memory_space<semaphore_mem>>) src(%dma_wait3A_51 : memref<4x128xf32, #tpu.memory_space<vmem>>) dst(%dma_wait3A_47 : memref<4x128xf32, #tpu.memory_space<hbm>>)
    return
  }
}

</mosaic_0001>

<sc_bundles>
// kernel: kernel.3.cloned.1.call-start
scs
__scs_entry_jumppad:
0x0: {  	(pc) =	sbr.rel $0x88, $3  }
0x1: {  	(tag) =	ssettag $0x0;
	lr =	simm.s32 $0x1  }
0x2: {  	[smem:$0x3F9F] =	sst lr;
	_ =	strace $0xD0000000  }
0x3: {  	_ = 	snop  }
0x4: {  	_ = 	snop  }
0x5: {  	_ = 	snop  }
0x6: {  	_ = 	snop  }
0x7: {  	_ = 	snop  }
__scs_overlays_trampoline_lowered:
0x8: {  	[smem:$0x3FAE] =	sst s0  }
0x9: {  	[smem:$0x3FAF] =	sst s1  }
0xa: {  	[smem:$0x3FB0] =	sst s2  }
0xb: {  	[smem:$0x3FB1] =	sst s3  }
0xc: {  	[smem:$0x3FB2] =	sst s4  }
0xd: {  	[smem:$0x3FB3] =	sst s5  }
0xe: {  	[smem:$0x3FB4] =	sst s6  }
0xf: {  	[smem:$0x3FB5] =	sst s7  }
0x10: {  	[smem:$0x3FB6] =	sst s8  }
0x11: {  	[smem:$0x3FB7] =	sst s9;
	s0 =	simm.s32 @!p0 $0x0  }
0x12: {  	s1 =	sld [smem:$0x3F9D];
	s0 =	simm.s32 @p0 $0x1  }
0x13: {  	[smem:$0x3FB8] =	sst s0;
	s0 =	simm.s32 @!p1 $0x0  }
0x14: {  	s2 =	sld [smem:$0x3F9C];
	s0 =	simm.s32 @p1 $0x1  }
0x15: {  	[smem:$0x3FB9] =	sst s0;
	s0 =	simm.s32 @!p2 $0x0  }
0x16: {  	s3 =	sld [smem:$0x3FDB];
	s0 =	simm.s32 @p2 $0x1  }
0x17: {  	s4 =	simm.s32 $0x1BF5;
	[smem:$0x3FBB] =	sst s0  }
0x18: {  	s0 =	sld [smem:$0x3F9E];
	_ =	swait.ge [sflag:s4], $0x0  }
0x19: {  	s7 =	sld [smem:$0x3F9F]  }
0x1a: {  	s8 =	sadd.s32 $0xFFFFE003, lr  }
0x1b: {  	s9 =	sadd.s32 $0xFFFFFEF7, lr;
	s5 =	simm.s32 $0xFFFFFFFF;
	p2 =	slt.u32 s8, $0xFFFFF086  }
0x1c: {  	p1 =	slt.u32 s9, $0xF7A;
	s5 =	simm.s32 @!p2 $0x0  }
0x1d: {  	s5 =	simm.s32 @p1 $0x1;
	p0 =	seq.s32 s7, s2  }
0x1e: {  	s7 =	smul.u32 @!p0 $0xF7A, s2;
	p2 =	seq.s32 @!p0 s5, $0x0  }
0x1f: {  	s9 =	smul.u32 $0xF7A, s1;
	s8 =	simm.s32 @!p0 $0x1BF5;
	p2 =	por !p2, p0  }
0x20: {  	[sflag:s8] =	ssyncset.s32 @!p0 $0xFFFFF086;
	s6 =	sadd.s32 @!p0 s3, s7;
	s7 =	simm.s32 @!p0 $0x108  }
0x21: {  	s3 =	sadd.s32 s3, s9;
	s6 =	sadd.s32 @!p0 $0x88, s6;
	s7 =	simm.s32 @p2 $0x1082  }
0x22: {  	[simem:s7], [sflag:s8] =	dma.local @!p0 [hbm:s6], $0xF7A  }
0x23: {  	s9 =	sor.u32 $0xD0000000, s2;
	s6 =	simm.s32 $0x108;
	_ =	swait.ge @!p0 [sflag:s8], $0x0  }
0x24: {  	s3 =	sadd.s32 $0x88, s3;
	s6 =	simm.s32 @!p1 $0x1082;
	[sflag:s4] =	ssyncset.s32 $0xFFFFF086  }
0x25: {  	[simem:s6], [sflag:s4] =	dma.local [hbm:s3], $0xF7A  }
0x26: {  	[smem:$0x3F9F] =	sst s1;
	(tag) =	ssettag s2;
	_ =	strace s9  }
0x27: {  	s1 =	sld [smem:$0x3FAF]  }
0x28: {  	s2 =	sld [smem:$0x3FB0]  }
0x29: {  	s4 =	sld [smem:$0x3FB2]  }
0x2a: {  	p0 =	seq.s32 s5, $0x0;
	s5 =	sld [smem:$0x3FB3]  }
0x2b: {  	s6 =	sld [smem:$0x3FB4]  }
0x2c: {  	s7 =	sld [smem:$0x3FB5]  }
0x2d: {  	s3 =	simm.s32 $0x108;
	s8 =	sld [smem:$0x3FB6]  }
0x2e: {  	s3 =	simm.s32 @!p0 $0x1082;
	s9 =	sld [smem:$0x3FB7]  }
0x2f: {  	lr =	sadd.s32 s0, s3;
	s0 =	sld [smem:$0x3FAE]  }
0x30: {  	s3 =	sld [smem:$0x3FB1]  }
0x31: {  	[smem:$0x3FBA] =	sst s10  }
0x32: {  	s10 =	sld [smem:$0x3FB8];
	_ =	sdelay $0x3  }
0x33: {  	p0 =	seq.s32 s10, $0x1;
	s10 =	sld [smem:$0x3FBA];
	_ =	sdelay $0x3  }
0x34: {  	[smem:$0x3FBA] =	sst s10  }
0x35: {  	s10 =	sld [smem:$0x3FB9];
	_ =	sdelay $0x3  }
0x36: {  	p1 =	seq.s32 s10, $0x1;
	s10 =	sld [smem:$0x3FBA];
	_ =	sdelay $0x3  }
0x37: {  	[smem:$0x3FBA] =	sst s10  }
0x38: {  	s10 =	sld [smem:$0x3FBB]  }
0x39: {  	_ = 	snop;
	(pc) =	sbr.ind lr, $3  }
0x3a: {  	_ = 	snop  }
0x3b: {  	_ = 	snop  }
0x3c: {  	p2 =	seq.s32 s10, $0x1;
	s10 =	sld [smem:$0x3FBA]  }
0x3d: {  	_ =	shalt  }
0x3e: {  	_ =	shalt  }
0x3f: {  	_ =	shalt  }
0x40: {  	_ =	shalt  }
0x41: {  	_ =	shalt  }
0x42: {  	_ =	shalt  }
0x43: {  	_ =	shalt  }
0x44: {  	_ =	shalt  }
0x45: {  	_ =	shalt  }
0x46: {  	_ =	shalt  }
0x47: {  	_ =	shalt  }
0x48: {  	_ =	shalt  }
0x49: {  	_ =	shalt  }
0x4a: {  	_ =	shalt  }
0x4b: {  	_ =	shalt  }
0x4c: {  	_ =	shalt  }
0x4d: {  	_ =	shalt  }
0x4e: {  	_ =	shalt  }
0x4f: {  	_ =	shalt  }
0x50: {  	_ =	shalt  }
0x51: {  	_ =	shalt  }
0x52: {  	_ =	shalt  }
0x53: {  	_ =	shalt  }
0x54: {  	_ =	shalt  }
0x55: {  	_ =	shalt  }
0x56: {  	_ =	shalt  }
0x57: {  	_ =	shalt  }
0x58: {  	_ =	shalt  }
0x59: {  	_ =	shalt  }
0x5a: {  	_ =	shalt  }
0x5b: {  	_ =	shalt  }
0x5c: {  	_ =	shalt  }
0x5d: {  	_ =	shalt  }
0x5e: {  	_ =	shalt  }
0x5f: {  	_ =	shalt  }
0x60: {  	_ =	shalt  }
0x61: {  	_ =	shalt  }
0x62: {  	_ =	shalt  }
0x63: {  	_ =	shalt  }
0x64: {  	_ =	shalt  }
0x65: {  	_ =	shalt  }
0x66: {  	_ =	shalt  }
0x67: {  	_ =	shalt  }
0x68: {  	_ =	shalt  }
0x69: {  	_ =	shalt  }
0x6a: {  	_ =	shalt  }
0x6b: {  	_ =	shalt  }
0x6c: {  	_ =	shalt  }
0x6d: {  	_ =	shalt  }
0x6e: {  	_ =	shalt  }
0x6f: {  	_ =	shalt  }
0x70: {  	_ =	shalt  }
0x71: {  	_ =	shalt  }
0x72: {  	_ =	shalt  }
0x73: {  	_ =	shalt  }
0x74: {  	_ =	shalt  }
0x75: {  	_ =	shalt  }
0x76: {  	_ =	shalt  }
0x77: {  	_ =	shalt  }
0x78: {  	_ =	shalt  }
0x79: {  	_ =	shalt  }
0x7a: {  	_ =	shalt  }
0x7b: {  	_ =	shalt  }
0x7c: {  	_ =	shalt  }
0x7d: {  	_ =	shalt  }
0x7e: {  	_ =	shalt  }
0x7f: {  	_ =	shalt  }
0x80: {  	_ =	shalt  }
0x81: {  	_ =	shalt  }
0x82: {  	_ =	shalt  }
0x83: {  	_ =	shalt  }
0x84: {  	_ =	shalt  }
0x85: {  	_ =	shalt  }
0x86: {  	_ =	shalt  }
0x87: {  	_ =	shalt  }
.Lfunc_end0:
.L_simem_size_0:
called_computation_lowered:
.L_overlay_start_0:
0x88: {  	s2 =	sld [smem:$0x3FD9]  }
0x89: {  	s3 =	sld [smem:$0x3FFE];
	_ =	sdelay $0x1  }
0x8a: {  	s1 =	srdreg.scid  }
0x8b: {  	s0 =	sand.u32 $0x1, s1  }
0x8c: {  	s17 =	sshll.u32 s0, $0xA;
	s2 =	sadd.s32 s3, s2  }
0x8d: {  	s2 =	sadd.s32 s2, s17  }
0x8e: {  	[smem:$0x3FC6] =	sst s2  }
0x8f: {  	_ = 	snop  }
0x90: {  	s2 =	sld [smem:$0x3FC9]  }
0x91: {  	s18 =	sld [smem:$0x3FD0];
	(tm) =	ssettm $0x1  }
0x92: {  	s4 =	sld [smem:$0x3FFB];
	_ =	sdelay $0x3  }
0x93: {  	_ =	strace s4  }
0x94: {  	s4 =	sld [smem:$0x3FFC];
	_ =	sdelay $0x3  }
0x95: {  	_ =	strace s4  }
0x96: {  	s4 =	sld [smem:$0x3FFD];
	_ =	sdelay $0x3  }
0x97: {  	_ =	strace s4  }
0x98: {  	_ =	strace $0x8FFFFFFF  }
0x99: {  	s19 =	sld [smem:$0x3FDB];
	_ =	sdelay $0x1  }
0x9a: {  	s5 =	simm.s32 $_scs_section_size  }
0x9b: {  	s6 =	simm.s32 $_size__tile_overlayer_lowered;
	s7 =	simm.s32 $_tile_overlayer_lowered  }
0x9c: {  	s22 =	simm.s32 $0x1BFF;
	s21 =	sshll.u32 s7, $0x1;
	s4 =	sadd.s32 s5, s19  }
0x9d: {  	s8 =	simm.s32 $0x0;
	s20 =	sshll.u32 s6, $0x1;
	s6 =	sadd.s32 s21, s4  }
0x9e: {  	[timem:s8], [sflag:s22] =	dma.local [hbm:s6], s20  }
0x9f: {  	_ =	swait.ge [sflag:s22], s20  }
0xa0: {  	s5 =	ssub.s32 $0x0, s20;
	[sflag:s22] =	ssyncset.done $0x0  }
0xa1: {  	[sflag:s22] =	ssyncadd.s32 s5;
	_ =	sdelay $0x1  }
0xa2: {  	s23 =	simm.s32 $0x1B8B  }
0xa3: {  	_ =	swait.ge [sflag:s23], $0x1  }
0xa4: {  	[sflag:s23] =	ssyncset.done $0x0  }
0xa5: {  	s25 =	simm.s32 $0x1B8E;
	s24 =	sld [smem:$0x3FFE];
	[sflag:s23] =	ssyncadd.s32 $0xFFFFFFFF  }
0xa6: {  	s26 =	simm.s32 $execute0_lowered;
	[smem:$0x3FD2] =	sst s25  }
0xa7: {  	s6 =	sshll.u32 s26, $0x1;
	_ =	strace $0x80000046;
	[dreg:$0x1] =	wrdreg $0xFFFFFFFF  }
0xa8: {  	s28 =	simm.s32 $_size_execute0_lowered;
	s4 =	sadd.s32 s4, s6;
	[dreg:$0x0] =	wrdreg $0x0  }
0xa9: {  	s6 =	sshll.u32 s28, $0x1;
	[dreg:$0x2] =	wrdreg s4  }
0xaa: {  	[dreg:$0x3] =	wrdreg s6  }
0xab: {  	[dreg:$0x4] =	wrdreg $0xC0  }
0xac: {  	_ =	task [dreg:s8], $0x5FFFF  }
0xad: {  	[dreg:$0x1] =	wrdreg $0xFFFFFFFF  }
0xae: {  	[dreg:$0x0] =	wrdreg $0x60  }
0xaf: {  	[dreg:$0x2] =	wrdreg s2  }
0xb0: {  	[dreg:$0x3] =	wrdreg s18  }
0xb1: {  	[dreg:$0x4] =	wrdreg s24  }
0xb2: {  	[dreg:$0x5] =	wrdreg $0x0  }
0xb3: {  	[dreg:$0x6] =	wrdreg $0x9  }
0xb4: {  	_ =	task.clear_ibuf [dreg:s8], $0x7FFFF;
	_ =	strace $0x90000046  }
0xb5: {  	s29 =	simm.s32 $0x9;
	_ =	strace $0x80000048  }
0xb6: {  	_ =	swait.ge [sflag:s29], $0x1  }
0xb7: {  	[sflag:s29] =	ssyncadd.s32 $0xFFFFFFFF  }
0xb8: {  	_ =	strace $0x90000048  }
0xb9: {  	_ =	sfence  }
0xba: {  	s30 =	sld [smem:$0x0];
	_ =	sdelay $0x2  }
0xbb: {  	s31 =	sshll.u32 s1, $0xD;
	s1 =	sshrl.u32 s1, $0x2  }
0xbc: {  	s3 =	sand.u32 $0x4000, s31;
	s1 =	sadd.s32 s1, s30  }
0xbd: {  	s0 =	sor.u32 s3, s0;
	s1 =	sshll.u32 s1, $0x11  }
0xbe: {  	s0 =	sor.u32 s1, s0  }
0xbf: {  	s0 =	sadd.s32 $0x8F2B, s0  }
0xc0: {  	[sflag:s0] =	ssyncadd.remote.s32 $0x1  }
0xc1: {  	_ =	sfence.sel $0xFFFF  }
0xc2: {  	[dreg:$0x0] =	wrdreg $0xFFFFFFFF;
	(pc) =	sbr.abs _section_cstart, $3  }
0xc3: {  	[dreg:$0x1] =	wrdreg $0xFFFFFFFF  }
0xc4: {  	_ =	task.clear_ibuf [dreg:s8], $0x2FFFF;
	_ =	strace $0x9FFFFFFF  }
0xc5: {  	(tm) =	ssettm $0x7FFFFFFF  }
tec
execute0_lowered:
.L_overlay_start_1:
0x0: {  	(tag) =	ssettag $0x1  }
0x1: {  	s1 =	rddreg [dreg:$0x0]  }
0x2: {  	s6 =	rddreg [dreg:$0x1]  }
0x3: {  	s8 =	rddreg [dreg:$0x2]  }
0x4: {  	s2 =	rddreg [dreg:$0x3]  }
0x5: {  	s0 =	rddreg [dreg:$0x4]  }
0x6: {  	s4 =	srdreg.scid;
	s9 =	stileid.u32  }
0x7: {  	s3 =	simm.s32 $0x0;
	s13 =	simm.s32 $0x80;
	s14 =	simm.s32 $0x16080  }
0x8: {  	s15 =	simm.s32 $0x1A080;
	s16 =	simm.s32 $0x1;
	s17 =	simm.s32 $0x1E080  }
0x9: {  	s18 =	simm.s32 $0x2;
	s19 =	simm.s32 $0x4;
	s20 =	simm.s32 $0x1E280  }
0xa: {  	s21 =	simm.s32 $0x3;
	s22 =	simm.s32 $0x0;
	s4 =	sand.u32 $0x1, s4  }
0xb: {  	s5 =	sshll.u32 s9, $0x1;
	[smem:$0x7FF] =	sst s3;
	p0 =	sne.s32 s9, $0x0  }
0xc: {  	s7 =	ssub.s32 $0x2, s4;
	s10 =	sor.u32 s4, s5;
	_ =	strace $0x80000047  }
0xd: {  	s4 =	sadd.s32 $0x400, s8;
	s31 =	sshrl.u32 s7, $0x1;
	s11 =	smul.u32 $0x500, s10  }
0xe: {  	s8 =	sadd.s32 $0x440, s8;
	s5 =	smul.u32 $0x28, s10;
	s12 =	ssub.s32 s7, s31  }
0xf: {  	s7 =	smul.u32 $0xA000, s10;
	s10 =	sshrl.u32 @!p0 s2, $0x3;
	s6 =	sadd.s32 s6, s11  }
0x10: {  	s9 =	smax.u32 s12, $0x1;
	s11 =	simm.s32 $0x13880;
	s12 =	simm.s32 $0x5  }
.LBB2_1:
0x11: {  	s23 =	simm.s32 @!p0 $0x1C05  }
0x12: {  	[spmem:s10], [sflag:s23] =	dma.local @!p0 [hbm:s1], $0x27100  }
0x13: {  	s23 =	simm.s32 @!p0 $0x5  }
0x14: {  	_ =	swait.ge @!p0 [sflag:s23], $0x27100  }
0x15: {  	[sflag:s23] =	ssyncset.done @!p0 $0x0  }
0x16: {  	[sflag:s23] =	ssyncadd.s32 @!p0 $0xFFFD8F00  }
0x17: {  	[tilespmem:s11], [sflag:$0x5] =	stream.linear.gather [hbm4b:s6+s3], $0x2800, $0x38;
	[tilespmem:$0x1E480] =	vst v63  }
0x18: {  	_ =	swait.ge [sflag:s12], $0x2800  }
0x19: {  	[sflag:s12] =	ssyncset.done $0x0  }
0x1a: {  	[sflag:s12] =	ssyncadd.s32 $0xFFFFD800  }
0x1b: {  	s23 =	simm.s32 $0x0;
	[bflag:$0x0] =	sbarrier.arrive $0xFFFF  }
0x1c: {  	[tilespmem:s14], [sflag:$0x1] =	stream.indirect.gather [spmem:s2], $0x80, s11, s13, $0xb8;
	[tilespmem:$0x1E480] =	vst v63  }
.LBB2_2:
0x1d: {  	s24 =	sshll.u32 s23, $0xA  }
0x1e: {  	s25 =	sshrl.u32 s24, $0x2  }
0x1f: {  	s26 =	sadd.s32 $0x13900, s25  }
0x20: {  	[tilespmem:s15], [sflag:$0x2] =	stream.indirect.gather [spmem:s2], $0x80, s26, s13, $0xb8;
	[tilespmem:$0x1E480] =	vst v63  }
0x21: {  	_ =	swait.ge [sflag:s16], $0x4000  }
0x22: {  	p1 =	seq.s32 s23, $0x0;
	[sflag:s16] =	ssyncset.done $0x0  }
0x23: {  	s26 =	simm.s32 @!p1 $0x3;
	[sflag:s16] =	ssyncadd.s32 $0xFFFFC000  }
0x24: {  	_ =	swait.ge @!p1 [sflag:s26], $0x200  }
0x25: {  	[sflag:s26] =	ssyncset.done @!p1 $0x0  }
0x26: {  	s28 =	simm.s32 $0x16280;
	[sflag:s26] =	ssyncadd.s32 @!p1 $0xFFFFFE00;
	s26 =	simm.s32 $0x0  }
.LBB2_3:
0x27: {  	v2 =	vmov s28;
	_ =	sdelay $0x3  }
0x28: {  	s29 =	simm.s32 $0x0  }
0x29: {  	v16 =	vld.idx.msk [tilespmem:v2+s29+$0x180 ss:$0x1], $0xffff  }
0x2a: {  	v23 =	vld.idx.msk [tilespmem:v2+s29+$0x190 ss:$0x1], $0xffff  }
0x2b: {  	v5 =	vld.idx.msk [tilespmem:v2+s29+$0x1A0 ss:$0x1], $0xffff  }
0x2c: {  	v6 =	vld.idx.msk [tilespmem:v2+s29+$0x1B0 ss:$0x1], $0xffff  }
0x2d: {  	v7 =	vld.idx.msk [tilespmem:v2+s29+$0x1C0 ss:$0x1], $0xffff  }
0x2e: {  	v0 =	vld.idx.msk [tilespmem:v2+s29+$0x1D0 ss:$0x1], $0xffff  }
0x2f: {  	v1 =	vld.idx.msk [tilespmem:v2+s29+$0x1E0 ss:$0x1], $0xffff  }
0x30: {  	v17 =	vld.idx.msk [tilespmem:v2+s29+$0x100 ss:$0x1], $0xffff  }
0x31: {  	v24 =	vld.idx.msk [tilespmem:v2+s29+$0x110 ss:$0x1], $0xffff  }
0x32: {  	v12 =	vld.idx.msk [tilespmem:v2+s29+$0x120 ss:$0x1], $0xffff  }
0x33: {  	v13 =	vld.idx.msk [tilespmem:v2+s29+$0x130 ss:$0x1], $0xffff  }
0x34: {  	v14 =	vld.idx.msk [tilespmem:v2+s29+$0x140 ss:$0x1], $0xffff  }
0x35: {  	v4 =	vld.idx.msk [tilespmem:v2+s29+$0x150 ss:$0x1], $0xffff  }
0x36: {  	v3 =	vld.idx.msk [tilespmem:v2+s29+$0x160 ss:$0x1], $0xffff  }
0x37: {  	v28 =	vld.idx.msk [tilespmem:v2+s29+$0x80 ss:$0x1], $0xffff  }
0x38: {  	v29 =	vld.idx.msk [tilespmem:v2+s29+$0x90 ss:$0x1], $0xffff  }
0x39: {  	v20 =	vld.idx.msk [tilespmem:v2+s29+$0xA0 ss:$0x1], $0xffff  }
0x3a: {  	v21 =	vld.idx.msk [tilespmem:v2+s29+$0xB0 ss:$0x1], $0xffff  }
0x3b: {  	v22 =	vld.idx.msk [tilespmem:v2+s29+$0xC0 ss:$0x1], $0xffff  }
0x3c: {  	v9 =	vld.idx.msk [tilespmem:v2+s29+$0xD0 ss:$0x1], $0xffff  }
0x3d: {  	v8 =	vld.idx.msk [tilespmem:v2+s29+$0xE0 ss:$0x1], $0xffff  }
0x3e: {  	v30 =	vld.idx.msk [tilespmem:v2+s29+$0x0 ss:$0x1], $0xffff  }
0x3f: {  	v34 =	vld.idx.msk [tilespmem:v2+s29+$0x10 ss:$0x1], $0xffff  }
0x40: {  	v25 =	vld.idx.msk [tilespmem:v2+s29+$0x20 ss:$0x1], $0xffff  }
0x41: {  	v26 =	vld.idx.msk [tilespmem:v2+s29+$0x30 ss:$0x1], $0xffff  }
0x42: {  	v27 =	vld.idx.msk [tilespmem:v2+s29+$0x40 ss:$0x1], $0xffff  }
0x43: {  	v11 =	vld.idx.msk [tilespmem:v2+s29+$0x50 ss:$0x1], $0xffff  }
0x44: {  	v10 =	vld.idx.msk [tilespmem:v2+s29+$0x60 ss:$0x1], $0xffff  }
0x45: {  	v35 =	vld.idx.msk [tilespmem:v2+s29+$0xFFFFFF80 ss:$0x1], $0xffff  }
0x46: {  	v36 =	vld.idx.msk [tilespmem:v2+s29+$0xFFFFFF90 ss:$0x1], $0xffff  }
0x47: {  	v31 =	vld.idx.msk [tilespmem:v2+s29+$0xFFFFFFA0 ss:$0x1], $0xffff  }
0x48: {  	v32 =	vld.idx.msk [tilespmem:v2+s29+$0xFFFFFFB0 ss:$0x1], $0xffff  }
0x49: {  	v33 =	vld.idx.msk [tilespmem:v2+s29+$0xFFFFFFC0 ss:$0x1], $0xffff  }
0x4a: {  	v19 =	vld.idx.msk [tilespmem:v2+s29+$0xFFFFFFD0 ss:$0x1], $0xffff  }
0x4b: {  	v18 =	vld.idx.msk [tilespmem:v2+s29+$0xFFFFFFE0 ss:$0x1], $0xffff  }
0x4c: {  	v37 =	vld.idx.msk [tilespmem:v2+s29+$0xFFFFFF00 ss:$0x1], $0xffff  }
0x4d: {  	v39 =	vld.idx.msk [tilespmem:v2+s29+$0xFFFFFF10 ss:$0x1], $0xffff  }
0x4e: {  	v38 =	vld.idx.msk [tilespmem:v2+s29+$0xFFFFFF20 ss:$0x1], $0xffff  }
0x4f: {  	v41 =	vld.idx.msk [tilespmem:v2+s29+$0xFFFFFE80 ss:$0x1], $0xffff  }
0x50: {  	v43 =	vld.idx.msk [tilespmem:v2+s29+$0xFFFFFE00 ss:$0x1], $0xffff  }
0x51: {  	v44 =	vld.idx.msk [tilespmem:v2+s29+$0xFFFFFE10 ss:$0x1], $0xffff  }
0x52: {  	v45 =	vld.idx.msk [tilespmem:v2+s29+$0xFFFFFE90 ss:$0x1], $0xffff  }
0x53: {  	v40 =	vld.idx.msk [tilespmem:v2+s29+$0xFFFFFF30 ss:$0x1], $0xffff  }
0x54: {  	v42 =	vld.idx.msk [tilespmem:v2+s29+$0xFFFFFF40 ss:$0x1], $0xffff  }
0x55: {  	v46 =	vld.idx.msk [tilespmem:v2+s29+$0xFFFFFEA0 ss:$0x1], $0xffff  }
0x56: {  	v15 =	vimm.f32 $-Inf;
	v47 =	vld.idx.msk [tilespmem:v2+s29+$0xFFFFFEB0 ss:$0x1], $0xffff  }
0x57: {  	v48 =	vld.idx.msk [tilespmem:v2+s29+$0xFFFFFE20 ss:$0x1], $0xffff;
	v43 =	vmax.f32 v15, v43;
	v44 =	vmax.f32 v15, v44  }
0x58: {  	v61 =	vld.idx.msk [tilespmem:v2+s29+$0xFFFFFE40 ss:$0x1], $0xffff;
	v41 =	vmax.f32 v43, v41;
	v44 =	vmax.f32 v44, v45  }
0x59: {  	v60 =	vld.idx.msk [tilespmem:v2+s29+$0xFFFFFE30 ss:$0x1], $0xffff;
	v37 =	vmax.f32 v41, v37;
	v39 =	vmax.f32 v44, v39  }
0x5a: {  	v62 =	vld.idx.msk [tilespmem:v2+s29+$0xFFFFFEC0 ss:$0x1], $0xffff;
	v35 =	vmax.f32 v37, v35;
	v63 =	vmax.f32 v39, v36  }
0x5b: {  	v41 =	vld.idx.msk [tilespmem:v2+s29+$0xFFFFFEE0 ss:$0x1], $0xffff;
	v30 =	vmax.f32 v35, v30;
	v34 =	vmax.f32 v63, v34  }
0x5c: {  	v36 =	vld.idx.msk [tilespmem:v2+s29+$0xFFFFFF50 ss:$0x1], $0xffff;
	v28 =	vmax.f32 v30, v28;
	v29 =	vmax.f32 v34, v29  }
0x5d: {  	v37 =	vld.idx.msk [tilespmem:v2+s29+$0xFFFFFF60 ss:$0x1], $0xffff;
	v30 =	vmax.f32 v15, v61;
	v17 =	vmax.f32 v28, v17;
	v24 =	vmax.f32 v29, v24  }
0x5e: {  	v39 =	vld.idx.msk [tilespmem:v2+s29+$0xFFFFFED0 ss:$0x1], $0xffff;
	v17 =	vmax.f32 v17, v16;
	v16 =	vmax.f32 v24, v23;
	v23 =	vmax.f32 v15, v48  }
0x5f: {  	v35 =	vld.idx.msk [tilespmem:v2+s29+$0xFFFFFE60 ss:$0x1], $0xffff;
	v30 =	vmax.f32 v30, v62;
	v24 =	vmax.f32 v15, v60;
	v28 =	vmax.f32 v23, v46  }
0x60: {  	s30 =	simm.s32 $0x1000;
	v34 =	vld.idx.msk [tilespmem:v2+s29+$0xFFFFFE50 ss:$0x1], $0xffff;
	v29 =	vmax.f32 v24, v47;
	v24 =	vimm.f32 $-Inf;
	v23 =	vimm.f32 $-Inf  }
.LBB2_4:
0x61: {  	p2 =	sne.s32 s30, $0x3000;
	v43 =	vld.idx.msk [tilespmem:v2+s29+$0xFFFFFE70 ss:$0x1], $0xffff;
	v28 =	vmax.f32 v28, v38;
	v29 =	vmax.f32 v29, v40;
	v30 =	vmax.f32 v30, v42  }
0x62: {  	v38 =	vld.idx.msk [tilespmem:v2+s29+$0xFFFFFEF0 ss:$0x1], $0xffff;
	v28 =	vmax.f32 v28, v31;
	v29 =	vmax.f32 v29, v32;
	v30 =	vmax.f32 v30, v33  }
0x63: {  	v31 =	vld.idx.msk [tilespmem:v2+s29+$0xFFFFFF70 ss:$0x1], $0xffff;
	v25 =	vmax.f32 v28, v25;
	v26 =	vmax.f32 v29, v26;
	v27 =	vmax.f32 v30, v27  }
0x64: {  	v32 =	vld.idx.msk [tilespmem:v2+s29+$0xFFFFFFF0 ss:$0x1], $0xffff;
	v20 =	vmax.f32 v25, v20;
	v21 =	vmax.f32 v26, v21;
	v22 =	vmax.f32 v27, v22  }
0x65: {  	v25 =	vld.idx.msk [tilespmem:v2+s29+$0x70 ss:$0x1], $0xffff;
	v12 =	vmax.f32 v20, v12;
	v13 =	vmax.f32 v21, v13;
	v14 =	vmax.f32 v22, v14  }
0x66: {  	v20 =	vld.idx.msk [tilespmem:v2+s29+$0xF0 ss:$0x1], $0xffff;
	v28 =	vmax.f32 v12, v5;
	v29 =	vmax.f32 v13, v6;
	v30 =	vmax.f32 v14, v7  }
0x67: {  	v5 =	vmax.f32 v15, v34;
	v6 =	vmax.f32 v24, v35;
	v7 =	vmax.f32 v23, v43;
	v12 =	vld.idx.msk [tilespmem:v2+s29+$0x170 ss:$0x1], $0xffff  }
0x68: {  	v5 =	vmax.f32 v5, v39;
	v6 =	vmax.f32 v6, v41;
	v7 =	vmax.f32 v7, v38;
	v13 =	vld.idx.msk [tilespmem:v2+s29+$0x1F0 ss:$0x1], $0xffff;
	s29 =	sshra.s32 s30, $0x2  }
0x69: {  	v5 =	vmax.f32 v5, v36;
	v6 =	vmax.f32 v6, v37;
	v7 =	vmax.f32 v7, v31;
	v34 =	vld.idx.msk [tilespmem:v2+s29+$0x180 ss:$0x1], $0xffff  }
0x6a: {  	v14 =	vmax.f32 v5, v19;
	v6 =	vmax.f32 v6, v18;
	v7 =	vmax.f32 v7, v32;
	v35 =	vld.idx.msk [tilespmem:v2+s29+$0x190 ss:$0x1], $0xffff  }
0x6b: {  	v11 =	vmax.f32 v14, v11;
	v10 =	vmax.f32 v6, v10;
	v7 =	vmax.f32 v7, v25;
	v5 =	vld.idx.msk [tilespmem:v2+s29+$0x1A0 ss:$0x1], $0xffff  }
0x6c: {  	v9 =	vmax.f32 v11, v9;
	v8 =	vmax.f32 v10, v8;
	v10 =	vmax.f32 v7, v20;
	v6 =	vld.idx.msk [tilespmem:v2+s29+$0x1B0 ss:$0x1], $0xffff  }
0x6d: {  	v4 =	vmax.f32 v9, v4;
	v3 =	vmax.f32 v8, v3;
	v8 =	vmax.f32 v10, v12;
	v7 =	vld.idx.msk [tilespmem:v2+s29+$0x1C0 ss:$0x1], $0xffff  }
0x6e: {  	v15 =	vmax.f32 v4, v0;
	v24 =	vmax.f32 v3, v1;
	v23 =	vmax.f32 v8, v13;
	v0 =	vld.idx.msk [tilespmem:v2+s29+$0x1D0 ss:$0x1], $0xffff  }
0x6f: {  	v1 =	vld.idx.msk [tilespmem:v2+s29+$0x1E0 ss:$0x1], $0xffff  }
0x70: {  	v41 =	vld.idx.msk [tilespmem:v2+s29+$0x100 ss:$0x1], $0xffff  }
0x71: {  	v43 =	vld.idx.msk [tilespmem:v2+s29+$0x110 ss:$0x1], $0xffff  }
0x72: {  	v12 =	vld.idx.msk [tilespmem:v2+s29+$0x120 ss:$0x1], $0xffff  }
0x73: {  	v13 =	vld.idx.msk [tilespmem:v2+s29+$0x130 ss:$0x1], $0xffff  }
0x74: {  	v14 =	vld.idx.msk [tilespmem:v2+s29+$0x140 ss:$0x1], $0xffff  }
0x75: {  	v4 =	vld.idx.msk [tilespmem:v2+s29+$0x150 ss:$0x1], $0xffff  }
0x76: {  	v3 =	vld.idx.msk [tilespmem:v2+s29+$0x160 ss:$0x1], $0xffff  }
0x77: {  	v39 =	vld.idx.msk [tilespmem:v2+s29+$0x80 ss:$0x1], $0xffff  }
0x78: {  	v44 =	vld.idx.msk [tilespmem:v2+s29+$0x90 ss:$0x1], $0xffff  }
0x79: {  	v20 =	vld.idx.msk [tilespmem:v2+s29+$0xA0 ss:$0x1], $0xffff  }
0x7a: {  	v21 =	vld.idx.msk [tilespmem:v2+s29+$0xB0 ss:$0x1], $0xffff  }
0x7b: {  	v22 =	vld.idx.msk [tilespmem:v2+s29+$0xC0 ss:$0x1], $0xffff  }
0x7c: {  	v9 =	vld.idx.msk [tilespmem:v2+s29+$0xD0 ss:$0x1], $0xffff  }
0x7d: {  	v8 =	vld.idx.msk [tilespmem:v2+s29+$0xE0 ss:$0x1], $0xffff  }
0x7e: {  	v37 =	vld.idx.msk [tilespmem:v2+s29+$0x0 ss:$0x1], $0xffff  }
0x7f: {  	v45 =	vld.idx.msk [tilespmem:v2+s29+$0x10 ss:$0x1], $0xffff  }
0x80: {  	v25 =	vld.idx.msk [tilespmem:v2+s29+$0x20 ss:$0x1], $0xffff  }
0x81: {  	v26 =	vld.idx.msk [tilespmem:v2+s29+$0x30 ss:$0x1], $0xffff  }
0x82: {  	v27 =	vld.idx.msk [tilespmem:v2+s29+$0x40 ss:$0x1], $0xffff  }
0x83: {  	v11 =	vld.idx.msk [tilespmem:v2+s29+$0x50 ss:$0x1], $0xffff  }
0x84: {  	v10 =	vld.idx.msk [tilespmem:v2+s29+$0x60 ss:$0x1], $0xffff  }
0x85: {  	v36 =	vld.idx.msk [tilespmem:v2+s29+$0xFFFFFF80 ss:$0x1], $0xffff  }
0x86: {  	v46 =	vld.idx.msk [tilespmem:v2+s29+$0xFFFFFF90 ss:$0x1], $0xffff  }
0x87: {  	v31 =	vld.idx.msk [tilespmem:v2+s29+$0xFFFFFFA0 ss:$0x1], $0xffff  }
0x88: {  	v32 =	vld.idx.msk [tilespmem:v2+s29+$0xFFFFFFB0 ss:$0x1], $0xffff  }
0x89: {  	v33 =	vld.idx.msk [tilespmem:v2+s29+$0xFFFFFFC0 ss:$0x1], $0xffff  }
0x8a: {  	v19 =	vld.idx.msk [tilespmem:v2+s29+$0xFFFFFFD0 ss:$0x1], $0xffff  }
0x8b: {  	v18 =	vld.idx.msk [tilespmem:v2+s29+$0xFFFFFFE0 ss:$0x1], $0xffff  }
0x8c: {  	v47 =	vld.idx.msk [tilespmem:v2+s29+$0xFFFFFF00 ss:$0x1], $0xffff  }
0x8d: {  	v48 =	vld.idx.msk [tilespmem:v2+s29+$0xFFFFFF10 ss:$0x1], $0xffff  }
0x8e: {  	v38 =	vld.idx.msk [tilespmem:v2+s29+$0xFFFFFF20 ss:$0x1], $0xffff  }
0x8f: {  	v49 =	vld.idx.msk [tilespmem:v2+s29+$0xFFFFFE80 ss:$0x1], $0xffff  }
0x90: {  	v50 =	vld.idx.msk [tilespmem:v2+s29+$0xFFFFFE00 ss:$0x1], $0xffff  }
0x91: {  	v51 =	vld.idx.msk [tilespmem:v2+s29+$0xFFFFFE10 ss:$0x1], $0xffff  }
0x92: {  	v52 =	vld.idx.msk [tilespmem:v2+s29+$0xFFFFFE90 ss:$0x1], $0xffff  }
0x93: {  	v40 =	vld.idx.msk [tilespmem:v2+s29+$0xFFFFFF30 ss:$0x1], $0xffff  }
0x94: {  	v42 =	vld.idx.msk [tilespmem:v2+s29+$0xFFFFFF40 ss:$0x1], $0xffff  }
0x95: {  	v53 =	vld.idx.msk [tilespmem:v2+s29+$0xFFFFFEA0 ss:$0x1], $0xffff  }
0x96: {  	v54 =	vld.idx.msk [tilespmem:v2+s29+$0xFFFFFEB0 ss:$0x1], $0xffff  }
0x97: {  	v17 =	vmax.f32 v17, v50;
	v16 =	vmax.f32 v16, v51;
	v50 =	vld.idx.msk [tilespmem:v2+s29+$0xFFFFFE20 ss:$0x1], $0xffff  }
0x98: {  	v17 =	vmax.f32 v17, v49;
	v16 =	vmax.f32 v16, v52;
	v51 =	vld.idx.msk [tilespmem:v2+s29+$0xFFFFFE30 ss:$0x1], $0xffff  }
0x99: {  	v17 =	vmax.f32 v17, v47;
	v16 =	vmax.f32 v16, v48;
	v49 =	vld.idx.msk [tilespmem:v2+s29+$0xFFFFFE40 ss:$0x1], $0xffff  }
0x9a: {  	v17 =	vmax.f32 v17, v36;
	v16 =	vmax.f32 v16, v46;
	v47 =	vld.idx.msk [tilespmem:v2+s29+$0xFFFFFEC0 ss:$0x1], $0xffff  }
0x9b: {  	v17 =	vmax.f32 v17, v37;
	v16 =	vmax.f32 v16, v45;
	v36 =	vld.idx.msk [tilespmem:v2+s29+$0xFFFFFF50 ss:$0x1], $0xffff  }
.Ltmp0:
0x9c: {  	v17 =	vmax.f32 v17, v39;
	v16 =	vmax.f32 v16, v44;
	v37 =	vld.idx.msk [tilespmem:v2+s29+$0xFFFFFF60 ss:$0x1], $0xffff;
	(pc) =	sbr.rel @p2 .LBB2_4-.Ltmp0, $4  }
0x9d: {  	v17 =	vmax.f32 v17, v41;
	v16 =	vmax.f32 v16, v43;
	v39 =	vld.idx.msk [tilespmem:v2+s29+$0xFFFFFED0 ss:$0x1], $0xffff  }
0x9e: {  	v17 =	vmax.f32 v17, v34;
	v16 =	vmax.f32 v16, v35;
	v41 =	vld.idx.msk [tilespmem:v2+s29+$0xFFFFFEE0 ss:$0x1], $0xffff  }
0x9f: {  	v28 =	vmax.f32 v28, v50;
	v29 =	vmax.f32 v29, v51;
	v30 =	vmax.f32 v30, v49;
	v34 =	vld.idx.msk [tilespmem:v2+s29+$0xFFFFFE50 ss:$0x1], $0xffff  }
0xa0: {  	s30 =	sadd.s32 $0x1000, s30;
	v28 =	vmax.f32 v28, v53;
	v29 =	vmax.f32 v29, v54;
	v30 =	vmax.f32 v30, v47;
	v35 =	vld.idx.msk [tilespmem:v2+s29+$0xFFFFFE60 ss:$0x1], $0xffff  }
0xa1: {  	_ =	sdelay $0x3  }
0xa2: {  	v43 =	vld.idx.msk [tilespmem:v2+s29+$0xFFFFFE70 ss:$0x1], $0xffff;
	v28 =	vmax.f32 v28, v38;
	v29 =	vmax.f32 v29, v40;
	v30 =	vmax.f32 v30, v42  }
0xa3: {  	v50 =	vld.idx.msk [tilespmem:v2+s29+$0xFFFFFEF0 ss:$0x1], $0xffff;
	v28 =	vmax.f32 v28, v31;
	v29 =	vmax.f32 v29, v32;
	v30 =	vmax.f32 v30, v33  }
0xa4: {  	v51 =	vld.idx.msk [tilespmem:v2+s29+$0xFFFFFF70 ss:$0x1], $0xffff;
	v25 =	vmax.f32 v28, v25;
	v26 =	vmax.f32 v29, v26;
	v27 =	vmax.f32 v30, v27  }
0xa5: {  	v52 =	vld.idx.msk [tilespmem:v2+s29+$0xFFFFFFF0 ss:$0x1], $0xffff;
	v20 =	vmax.f32 v25, v20;
	v21 =	vmax.f32 v26, v21;
	v22 =	vmax.f32 v27, v22  }
0xa6: {  	v53 =	vld.idx.msk [tilespmem:v2+s29+$0x70 ss:$0x1], $0xffff;
	v55 =	vmax.f32 v15, v34;
	v12 =	vmax.f32 v20, v12;
	v13 =	vmax.f32 v21, v13  }
0xa7: {  	v54 =	vld.idx.msk [tilespmem:v2+s29+$0xF0 ss:$0x1], $0xffff;
	v14 =	vmax.f32 v22, v14;
	v56 =	vmax.f32 v24, v35;
	v5 =	vmax.f32 v12, v5  }
0xa8: {  	v57 =	vld.idx.msk [tilespmem:v2+s29+$0x170 ss:$0x1], $0xffff;
	s30 =	sshll.u32 s26, $0x7;
	v6 =	vmax.f32 v13, v6;
	v7 =	vmax.f32 v14, v7;
	v12 =	vmax.f32 v55, v39  }
0xa9: {  	v58 =	vld.idx.msk [tilespmem:v2+s29+$0x1F0 ss:$0x1], $0xffff;
	s31 =	sand.u32 $0x3FFFFF80, s30;
	v59 =	vmax.f32 v23, v43;
	v13 =	vmax.f32 v56, v41;
	v12 =	vmax.f32 v12, v36  }
0xaa: {  	[tilespmem:s31+$0x1E080] =	vst v17;
	v15 =	vmax.f32 v59, v50;
	v13 =	vmax.f32 v13, v37;
	v12 =	vmax.f32 v12, v19  }
0xab: {  	s26 =	sadd.s32 $0x1, s26;
	[tilespmem:s31+$0x1E090] =	vst v16;
	v15 =	vmax.f32 v15, v51;
	v13 =	vmax.f32 v13, v18;
	v11 =	vmax.f32 v12, v11  }
0xac: {  	p2 =	sne.s32 s26, $0x4;
	[tilespmem:s31+$0x1E0A0] =	vst v5;
	v60 =	vmax.f32 v15, v52;
	v10 =	vmax.f32 v13, v10;
	v9 =	vmax.f32 v11, v9  }
.Ltmp1:
0xad: {  	[tilespmem:s31+$0x1E0B0] =	vst v6;
	v61 =	vmax.f32 v60, v53;
	v8 =	vmax.f32 v10, v8;
	v4 =	vmax.f32 v9, v4;
	(pc) =	sbr.rel @p2 .LBB2_3-.Ltmp1, $4  }
0xae: {  	[tilespmem:s31+$0x1E0C0] =	vst v7;
	v5 =	vmax.f32 v61, v54;
	v3 =	vmax.f32 v8, v3;
	v0 =	vmax.f32 v4, v0  }
0xaf: {  	v62 =	vmax.f32 v5, v57;
	v1 =	vmax.f32 v3, v1;
	[tilespmem:s31+$0x1E0D0] =	vst v0  }
0xb0: {  	v63 =	vmax.f32 v62, v58;
	[tilespmem:s31+$0x1E0E0] =	vst v1  }
0xb1: {  	s28 =	sadd.s32 $0x1000, s28;
	[tilespmem:s31+$0x1E0F0] =	vst v63  }
0xb2: {  	p2 =	sne.s32 s23, $0x27  }
.Ltmp2:
0xb3: {  	_ = 	snop;
	(pc) =	sbr.rel @p2 .LBB2_8-.Ltmp2, $4  }
0xb4: {  	s26 =	sadd.s32 s5, s23  }
0xb5: {  	s26 =	sshll.u32 s26, $0x7  }
0xb6: {  	s26 =	sadd.s32 s4, s26  }
0xb7: {  	[hbm4b:s26+s3] =	stream.linear.scatter [tilespmem:s17], [sflag:$0x3], $0x200, $0x38;
	[tilespmem:$0x1E480] =	vst v63  }
.Ltmp3:
0xb8: {  	(pc) =	sbr.rel .LBB2_9-.Ltmp3, $4  }
0xb9: {  	_ = 	snop  }
0xba: {  	_ =	swait.ge [sflag:s18], $0x4000  }
0xbb: {  	[sflag:s18] =	ssyncset.done $0x0  }
0xbc: {  	[sflag:s18] =	ssyncadd.s32 $0xFFFFC000  }
.LBB2_8:
.Ltmp4:
0xbd: {  	s25 =	sadd.s32 $0x13980, s25;
	(pc) =	sbr.rel @p1 .LBB2_10-.Ltmp4, $4  }
0xbe: {  	[tilespmem:s14], [sflag:$0x1] =	stream.indirect.gather [spmem:s2], $0x80, s25, s13, $0xb8;
	[tilespmem:$0x1E480] =	vst v63  }
0xbf: {  	_ =	swait.ge [sflag:s18], $0x4000  }
0xc0: {  	[sflag:s18] =	ssyncset.done $0x0  }
0xc1: {  	[sflag:s18] =	ssyncadd.s32 $0xFFFFC000  }
.LBB2_9:
0xc2: {  	_ =	swait.ge [sflag:s19], $0x200  }
0xc3: {  	[sflag:s19] =	ssyncset.done $0x0  }
0xc4: {  	[sflag:s19] =	ssyncadd.s32 $0xFFFFFE00  }
.LBB2_10:
0xc5: {  	s25 =	simm.s32 $0x0;
	s26 =	simm.s32 $0x16080  }
.LBB2_11:
0xc6: {  	v2 =	vmov s26;
	_ =	sdelay $0x3  }
0xc7: {  	s28 =	simm.s32 $0x0  }
0xc8: {  	v16 =	vld.idx.msk [tilespmem:v2+s28+$0x4380 ss:$0x1], $0xffff  }
0xc9: {  	v23 =	vld.idx.msk [tilespmem:v2+s28+$0x4390 ss:$0x1], $0xffff  }
0xca: {  	v5 =	vld.idx.msk [tilespmem:v2+s28+$0x43A0 ss:$0x1], $0xffff  }
0xcb: {  	v6 =	vld.idx.msk [tilespmem:v2+s28+$0x43B0 ss:$0x1], $0xffff  }
0xcc: {  	v7 =	vld.idx.msk [tilespmem:v2+s28+$0x43C0 ss:$0x1], $0xffff  }
0xcd: {  	v0 =	vld.idx.msk [tilespmem:v2+s28+$0x43D0 ss:$0x1], $0xffff  }
0xce: {  	v1 =	vld.idx.msk [tilespmem:v2+s28+$0x43E0 ss:$0x1], $0xffff  }
0xcf: {  	v17 =	vld.idx.msk [tilespmem:v2+s28+$0x4300 ss:$0x1], $0xffff  }
0xd0: {  	v24 =	vld.idx.msk [tilespmem:v2+s28+$0x4310 ss:$0x1], $0xffff  }
0xd1: {  	v12 =	vld.idx.msk [tilespmem:v2+s28+$0x4320 ss:$0x1], $0xffff  }
0xd2: {  	v13 =	vld.idx.msk [tilespmem:v2+s28+$0x4330 ss:$0x1], $0xffff  }
0xd3: {  	v14 =	vld.idx.msk [tilespmem:v2+s28+$0x4340 ss:$0x1], $0xffff  }
0xd4: {  	v4 =	vld.idx.msk [tilespmem:v2+s28+$0x4350 ss:$0x1], $0xffff  }
0xd5: {  	v3 =	vld.idx.msk [tilespmem:v2+s28+$0x4360 ss:$0x1], $0xffff  }
0xd6: {  	v28 =	vld.idx.msk [tilespmem:v2+s28+$0x4280 ss:$0x1], $0xffff  }
0xd7: {  	v29 =	vld.idx.msk [tilespmem:v2+s28+$0x4290 ss:$0x1], $0xffff  }
0xd8: {  	v20 =	vld.idx.msk [tilespmem:v2+s28+$0x42A0 ss:$0x1], $0xffff  }
0xd9: {  	v21 =	vld.idx.msk [tilespmem:v2+s28+$0x42B0 ss:$0x1], $0xffff  }
0xda: {  	v22 =	vld.idx.msk [tilespmem:v2+s28+$0x42C0 ss:$0x1], $0xffff  }
0xdb: {  	v9 =	vld.idx.msk [tilespmem:v2+s28+$0x42D0 ss:$0x1], $0xffff  }
0xdc: {  	v8 =	vld.idx.msk [tilespmem:v2+s28+$0x42E0 ss:$0x1], $0xffff  }
0xdd: {  	v30 =	vld.idx.msk [tilespmem:v2+s28+$0x4200 ss:$0x1], $0xffff  }
0xde: {  	v34 =	vld.idx.msk [tilespmem:v2+s28+$0x4210 ss:$0x1], $0xffff  }
0xdf: {  	v25 =	vld.idx.msk [tilespmem:v2+s28+$0x4220 ss:$0x1], $0xffff  }
0xe0: {  	v26 =	vld.idx.msk [tilespmem:v2+s28+$0x4230 ss:$0x1], $0xffff  }
0xe1: {  	v27 =	vld.idx.msk [tilespmem:v2+s28+$0x4240 ss:$0x1], $0xffff  }
0xe2: {  	v11 =	vld.idx.msk [tilespmem:v2+s28+$0x4250 ss:$0x1], $0xffff  }
0xe3: {  	v10 =	vld.idx.msk [tilespmem:v2+s28+$0x4260 ss:$0x1], $0xffff  }
0xe4: {  	v35 =	vld.idx.msk [tilespmem:v2+s28+$0x4180 ss:$0x1], $0xffff  }
0xe5: {  	v36 =	vld.idx.msk [tilespmem:v2+s28+$0x4190 ss:$0x1], $0xffff  }
0xe6: {  	v31 =	vld.idx.msk [tilespmem:v2+s28+$0x41A0 ss:$0x1], $0xffff  }
0xe7: {  	v32 =	vld.idx.msk [tilespmem:v2+s28+$0x41B0 ss:$0x1], $0xffff  }
0xe8: {  	v33 =	vld.idx.msk [tilespmem:v2+s28+$0x41C0 ss:$0x1], $0xffff  }
0xe9: {  	v19 =	vld.idx.msk [tilespmem:v2+s28+$0x41D0 ss:$0x1], $0xffff  }
0xea: {  	v18 =	vld.idx.msk [tilespmem:v2+s28+$0x41E0 ss:$0x1], $0xffff  }
0xeb: {  	v37 =	vld.idx.msk [tilespmem:v2+s28+$0x4100 ss:$0x1], $0xffff  }
0xec: {  	v39 =	vld.idx.msk [tilespmem:v2+s28+$0x4110 ss:$0x1], $0xffff  }
0xed: {  	v38 =	vld.idx.msk [tilespmem:v2+s28+$0x4120 ss:$0x1], $0xffff  }
0xee: {  	v41 =	vld.idx.msk [tilespmem:v2+s28+$0x4080 ss:$0x1], $0xffff  }
0xef: {  	v43 =	vld.idx.msk [tilespmem:v2+s28+$0x4000 ss:$0x1], $0xffff  }
0xf0: {  	v44 =	vld.idx.msk [tilespmem:v2+s28+$0x4010 ss:$0x1], $0xffff  }
0xf1: {  	v45 =	vld.idx.msk [tilespmem:v2+s28+$0x4090 ss:$0x1], $0xffff  }
0xf2: {  	v40 =	vld.idx.msk [tilespmem:v2+s28+$0x4130 ss:$0x1], $0xffff  }
0xf3: {  	v42 =	vld.idx.msk [tilespmem:v2+s28+$0x4140 ss:$0x1], $0xffff  }
0xf4: {  	v46 =	vld.idx.msk [tilespmem:v2+s28+$0x40A0 ss:$0x1], $0xffff  }
0xf5: {  	v15 =	vimm.f32 $-Inf;
	v47 =	vld.idx.msk [tilespmem:v2+s28+$0x40B0 ss:$0x1], $0xffff  }
0xf6: {  	v48 =	vld.idx.msk [tilespmem:v2+s28+$0x4020 ss:$0x1], $0xffff;
	v43 =	vmax.f32 v15, v43;
	v44 =	vmax.f32 v15, v44  }
0xf7: {  	v61 =	vld.idx.msk [tilespmem:v2+s28+$0x4040 ss:$0x1], $0xffff;
	v41 =	vmax.f32 v43, v41;
	v44 =	vmax.f32 v44, v45  }
0xf8: {  	v60 =	vld.idx.msk [tilespmem:v2+s28+$0x4030 ss:$0x1], $0xffff;
	v37 =	vmax.f32 v41, v37;
	v39 =	vmax.f32 v44, v39  }
0xf9: {  	v62 =	vld.idx.msk [tilespmem:v2+s28+$0x40C0 ss:$0x1], $0xffff;
	v35 =	vmax.f32 v37, v35;
	v63 =	vmax.f32 v39, v36  }
0xfa: {  	v41 =	vld.idx.msk [tilespmem:v2+s28+$0x40E0 ss:$0x1], $0xffff;
	v30 =	vmax.f32 v35, v30;
	v34 =	vmax.f32 v63, v34  }
0xfb: {  	v36 =	vld.idx.msk [tilespmem:v2+s28+$0x4150 ss:$0x1], $0xffff;
	v28 =	vmax.f32 v30, v28;
	v29 =	vmax.f32 v34, v29  }
0xfc: {  	v37 =	vld.idx.msk [tilespmem:v2+s28+$0x4160 ss:$0x1], $0xffff;
	v30 =	vmax.f32 v15, v61;
	v17 =	vmax.f32 v28, v17;
	v24 =	vmax.f32 v29, v24  }
0xfd: {  	v39 =	vld.idx.msk [tilespmem:v2+s28+$0x40D0 ss:$0x1], $0xffff;
	v17 =	vmax.f32 v17, v16;
	v16 =	vmax.f32 v24, v23;
	v23 =	vmax.f32 v15, v48  }
0xfe: {  	v35 =	vld.idx.msk [tilespmem:v2+s28+$0x4060 ss:$0x1], $0xffff;
	v30 =	vmax.f32 v30, v62;
	v24 =	vmax.f32 v15, v60;
	v28 =	vmax.f32 v23, v46  }
0xff: {  	s29 =	simm.s32 $0x1000;
	v34 =	vld.idx.msk [tilespmem:v2+s28+$0x4050 ss:$0x1], $0xffff;
	v29 =	vmax.f32 v24, v47;
	v24 =	vimm.f32 $-Inf;
	v23 =	vimm.f32 $-Inf  }
.LBB2_12:
0x100: {  	p1 =	sne.s32 s29, $0x3000;
	v43 =	vld.idx.msk [tilespmem:v2+s28+$0x4070 ss:$0x1], $0xffff;
	v28 =	vmax.f32 v28, v38;
	v29 =	vmax.f32 v29, v40;
	v30 =	vmax.f32 v30, v42  }
0x101: {  	v38 =	vld.idx.msk [tilespmem:v2+s28+$0x40F0 ss:$0x1], $0xffff;
	v28 =	vmax.f32 v28, v31;
	v29 =	vmax.f32 v29, v32;
	v30 =	vmax.f32 v30, v33  }
0x102: {  	v31 =	vld.idx.msk [tilespmem:v2+s28+$0x4170 ss:$0x1], $0xffff;
	v25 =	vmax.f32 v28, v25;
	v26 =	vmax.f32 v29, v26;
	v27 =	vmax.f32 v30, v27  }
0x103: {  	v32 =	vld.idx.msk [tilespmem:v2+s28+$0x41F0 ss:$0x1], $0xffff;
	v20 =	vmax.f32 v25, v20;
	v21 =	vmax.f32 v26, v21;
	v22 =	vmax.f32 v27, v22  }
0x104: {  	v25 =	vld.idx.msk [tilespmem:v2+s28+$0x4270 ss:$0x1], $0xffff;
	v12 =	vmax.f32 v20, v12;
	v13 =	vmax.f32 v21, v13;
	v14 =	vmax.f32 v22, v14  }
0x105: {  	v20 =	vld.idx.msk [tilespmem:v2+s28+$0x42F0 ss:$0x1], $0xffff;
	v28 =	vmax.f32 v12, v5;
	v29 =	vmax.f32 v13, v6;
	v30 =	vmax.f32 v14, v7  }
0x106: {  	v5 =	vmax.f32 v15, v34;
	v6 =	vmax.f32 v24, v35;
	v7 =	vmax.f32 v23, v43;
	v12 =	vld.idx.msk [tilespmem:v2+s28+$0x4370 ss:$0x1], $0xffff  }
0x107: {  	v5 =	vmax.f32 v5, v39;
	v6 =	vmax.f32 v6, v41;
	v7 =	vmax.f32 v7, v38;
	v13 =	vld.idx.msk [tilespmem:v2+s28+$0x43F0 ss:$0x1], $0xffff;
	s28 =	sshra.s32 s29, $0x2  }
0x108: {  	v5 =	vmax.f32 v5, v36;
	v6 =	vmax.f32 v6, v37;
	v7 =	vmax.f32 v7, v31;
	v34 =	vld.idx.msk [tilespmem:v2+s28+$0x4380 ss:$0x1], $0xffff  }
0x109: {  	v14 =	vmax.f32 v5, v19;
	v6 =	vmax.f32 v6, v18;
	v7 =	vmax.f32 v7, v32;
	v35 =	vld.idx.msk [tilespmem:v2+s28+$0x4390 ss:$0x1], $0xffff  }
0x10a: {  	v11 =	vmax.f32 v14, v11;
	v10 =	vmax.f32 v6, v10;
	v7 =	vmax.f32 v7, v25;
	v5 =	vld.idx.msk [tilespmem:v2+s28+$0x43A0 ss:$0x1], $0xffff  }
0x10b: {  	v9 =	vmax.f32 v11, v9;
	v8 =	vmax.f32 v10, v8;
	v10 =	vmax.f32 v7, v20;
	v6 =	vld.idx.msk [tilespmem:v2+s28+$0x43B0 ss:$0x1], $0xffff  }
0x10c: {  	v4 =	vmax.f32 v9, v4;
	v3 =	vmax.f32 v8, v3;
	v8 =	vmax.f32 v10, v12;
	v7 =	vld.idx.msk [tilespmem:v2+s28+$0x43C0 ss:$0x1], $0xffff  }
0x10d: {  	v15 =	vmax.f32 v4, v0;
	v24 =	vmax.f32 v3, v1;
	v23 =	vmax.f32 v8, v13;
	v0 =	vld.idx.msk [tilespmem:v2+s28+$0x43D0 ss:$0x1], $0xffff  }
0x10e: {  	v1 =	vld.idx.msk [tilespmem:v2+s28+$0x43E0 ss:$0x1], $0xffff  }
0x10f: {  	v41 =	vld.idx.msk [tilespmem:v2+s28+$0x4300 ss:$0x1], $0xffff  }
0x110: {  	v43 =	vld.idx.msk [tilespmem:v2+s28+$0x4310 ss:$0x1], $0xffff  }
0x111: {  	v12 =	vld.idx.msk [tilespmem:v2+s28+$0x4320 ss:$0x1], $0xffff  }
0x112: {  	v13 =	vld.idx.msk [tilespmem:v2+s28+$0x4330 ss:$0x1], $0xffff  }
0x113: {  	v14 =	vld.idx.msk [tilespmem:v2+s28+$0x4340 ss:$0x1], $0xffff  }
0x114: {  	v4 =	vld.idx.msk [tilespmem:v2+s28+$0x4350 ss:$0x1], $0xffff  }
0x115: {  	v3 =	vld.idx.msk [tilespmem:v2+s28+$0x4360 ss:$0x1], $0xffff  }
0x116: {  	v39 =	vld.idx.msk [tilespmem:v2+s28+$0x4280 ss:$0x1], $0xffff  }
0x117: {  	v44 =	vld.idx.msk [tilespmem:v2+s28+$0x4290 ss:$0x1], $0xffff  }
0x118: {  	v20 =	vld.idx.msk [tilespmem:v2+s28+$0x42A0 ss:$0x1], $0xffff  }
0x119: {  	v21 =	vld.idx.msk [tilespmem:v2+s28+$0x42B0 ss:$0x1], $0xffff  }
0x11a: {  	v22 =	vld.idx.msk [tilespmem:v2+s28+$0x42C0 ss:$0x1], $0xffff  }
0x11b: {  	v9 =	vld.idx.msk [tilespmem:v2+s28+$0x42D0 ss:$0x1], $0xffff  }
0x11c: {  	v8 =	vld.idx.msk [tilespmem:v2+s28+$0x42E0 ss:$0x1], $0xffff  }
0x11d: {  	v37 =	vld.idx.msk [tilespmem:v2+s28+$0x4200 ss:$0x1], $0xffff  }
0x11e: {  	v45 =	vld.idx.msk [tilespmem:v2+s28+$0x4210 ss:$0x1], $0xffff  }
0x11f: {  	v25 =	vld.idx.msk [tilespmem:v2+s28+$0x4220 ss:$0x1], $0xffff  }
0x120: {  	v26 =	vld.idx.msk [tilespmem:v2+s28+$0x4230 ss:$0x1], $0xffff  }
0x121: {  	v27 =	vld.idx.msk [tilespmem:v2+s28+$0x4240 ss:$0x1], $0xffff  }
0x122: {  	v11 =	vld.idx.msk [tilespmem:v2+s28+$0x4250 ss:$0x1], $0xffff  }
0x123: {  	v10 =	vld.idx.msk [tilespmem:v2+s28+$0x4260 ss:$0x1], $0xffff  }
0x124: {  	v36 =	vld.idx.msk [tilespmem:v2+s28+$0x4180 ss:$0x1], $0xffff  }
0x125: {  	v46 =	vld.idx.msk [tilespmem:v2+s28+$0x4190 ss:$0x1], $0xffff  }
0x126: {  	v31 =	vld.idx.msk [tilespmem:v2+s28+$0x41A0 ss:$0x1], $0xffff  }
0x127: {  	v32 =	vld.idx.msk [tilespmem:v2+s28+$0x41B0 ss:$0x1], $0xffff  }
0x128: {  	v33 =	vld.idx.msk [tilespmem:v2+s28+$0x41C0 ss:$0x1], $0xffff  }
0x129: {  	v19 =	vld.idx.msk [tilespmem:v2+s28+$0x41D0 ss:$0x1], $0xffff  }
0x12a: {  	v18 =	vld.idx.msk [tilespmem:v2+s28+$0x41E0 ss:$0x1], $0xffff  }
0x12b: {  	v47 =	vld.idx.msk [tilespmem:v2+s28+$0x4100 ss:$0x1], $0xffff  }
0x12c: {  	v48 =	vld.idx.msk [tilespmem:v2+s28+$0x4110 ss:$0x1], $0xffff  }
0x12d: {  	v38 =	vld.idx.msk [tilespmem:v2+s28+$0x4120 ss:$0x1], $0xffff  }
0x12e: {  	v49 =	vld.idx.msk [tilespmem:v2+s28+$0x4080 ss:$0x1], $0xffff  }
0x12f: {  	v50 =	vld.idx.msk [tilespmem:v2+s28+$0x4000 ss:$0x1], $0xffff  }
0x130: {  	v51 =	vld.idx.msk [tilespmem:v2+s28+$0x4010 ss:$0x1], $0xffff  }
0x131: {  	v52 =	vld.idx.msk [tilespmem:v2+s28+$0x4090 ss:$0x1], $0xffff  }
0x132: {  	v40 =	vld.idx.msk [tilespmem:v2+s28+$0x4130 ss:$0x1], $0xffff  }
0x133: {  	v42 =	vld.idx.msk [tilespmem:v2+s28+$0x4140 ss:$0x1], $0xffff  }
0x134: {  	v53 =	vld.idx.msk [tilespmem:v2+s28+$0x40A0 ss:$0x1], $0xffff  }
0x135: {  	v54 =	vld.idx.msk [tilespmem:v2+s28+$0x40B0 ss:$0x1], $0xffff  }
0x136: {  	v17 =	vmax.f32 v17, v50;
	v16 =	vmax.f32 v16, v51;
	v50 =	vld.idx.msk [tilespmem:v2+s28+$0x4020 ss:$0x1], $0xffff  }
0x137: {  	v17 =	vmax.f32 v17, v49;
	v16 =	vmax.f32 v16, v52;
	v51 =	vld.idx.msk [tilespmem:v2+s28+$0x4030 ss:$0x1], $0xffff  }
0x138: {  	v17 =	vmax.f32 v17, v47;
	v16 =	vmax.f32 v16, v48;
	v49 =	vld.idx.msk [tilespmem:v2+s28+$0x4040 ss:$0x1], $0xffff  }
0x139: {  	v17 =	vmax.f32 v17, v36;
	v16 =	vmax.f32 v16, v46;
	v47 =	vld.idx.msk [tilespmem:v2+s28+$0x40C0 ss:$0x1], $0xffff  }
0x13a: {  	v17 =	vmax.f32 v17, v37;
	v16 =	vmax.f32 v16, v45;
	v36 =	vld.idx.msk [tilespmem:v2+s28+$0x4150 ss:$0x1], $0xffff  }
.Ltmp5:
0x13b: {  	v17 =	vmax.f32 v17, v39;
	v16 =	vmax.f32 v16, v44;
	v37 =	vld.idx.msk [tilespmem:v2+s28+$0x4160 ss:$0x1], $0xffff;
	(pc) =	sbr.rel @p1 .LBB2_12-.Ltmp5, $4  }
0x13c: {  	v17 =	vmax.f32 v17, v41;
	v16 =	vmax.f32 v16, v43;
	v39 =	vld.idx.msk [tilespmem:v2+s28+$0x40D0 ss:$0x1], $0xffff  }
0x13d: {  	v17 =	vmax.f32 v17, v34;
	v16 =	vmax.f32 v16, v35;
	v41 =	vld.idx.msk [tilespmem:v2+s28+$0x40E0 ss:$0x1], $0xffff  }
0x13e: {  	v28 =	vmax.f32 v28, v50;
	v29 =	vmax.f32 v29, v51;
	v30 =	vmax.f32 v30, v49;
	v34 =	vld.idx.msk [tilespmem:v2+s28+$0x4050 ss:$0x1], $0xffff  }
0x13f: {  	s29 =	sadd.s32 $0x1000, s29;
	v28 =	vmax.f32 v28, v53;
	v29 =	vmax.f32 v29, v54;
	v30 =	vmax.f32 v30, v47;
	v35 =	vld.idx.msk [tilespmem:v2+s28+$0x4060 ss:$0x1], $0xffff  }
0x140: {  	_ =	sdelay $0x3  }
0x141: {  	v43 =	vld.idx.msk [tilespmem:v2+s28+$0x4070 ss:$0x1], $0xffff;
	v28 =	vmax.f32 v28, v38;
	v29 =	vmax.f32 v29, v40;
	v30 =	vmax.f32 v30, v42  }
0x142: {  	v50 =	vld.idx.msk [tilespmem:v2+s28+$0x40F0 ss:$0x1], $0xffff;
	v28 =	vmax.f32 v28, v31;
	v29 =	vmax.f32 v29, v32;
	v30 =	vmax.f32 v30, v33  }
0x143: {  	v51 =	vld.idx.msk [tilespmem:v2+s28+$0x4170 ss:$0x1], $0xffff;
	v25 =	vmax.f32 v28, v25;
	v26 =	vmax.f32 v29, v26;
	v27 =	vmax.f32 v30, v27  }
0x144: {  	v52 =	vld.idx.msk [tilespmem:v2+s28+$0x41F0 ss:$0x1], $0xffff;
	v20 =	vmax.f32 v25, v20;
	v21 =	vmax.f32 v26, v21;
	v22 =	vmax.f32 v27, v22  }
0x145: {  	v53 =	vld.idx.msk [tilespmem:v2+s28+$0x4270 ss:$0x1], $0xffff;
	v55 =	vmax.f32 v15, v34;
	v12 =	vmax.f32 v20, v12;
	v13 =	vmax.f32 v21, v13  }
0x146: {  	v54 =	vld.idx.msk [tilespmem:v2+s28+$0x42F0 ss:$0x1], $0xffff;
	v14 =	vmax.f32 v22, v14;
	v56 =	vmax.f32 v24, v35;
	v5 =	vmax.f32 v12, v5  }
0x147: {  	v57 =	vld.idx.msk [tilespmem:v2+s28+$0x4370 ss:$0x1], $0xffff;
	s29 =	sshll.u32 s25, $0x7;
	v6 =	vmax.f32 v13, v6;
	v7 =	vmax.f32 v14, v7;
	v12 =	vmax.f32 v55, v39  }
0x148: {  	v58 =	vld.idx.msk [tilespmem:v2+s28+$0x43F0 ss:$0x1], $0xffff;
	s31 =	sand.u32 $0x3FFFFF80, s29;
	v59 =	vmax.f32 v23, v43;
	v13 =	vmax.f32 v56, v41;
	v12 =	vmax.f32 v12, v36  }
0x149: {  	[tilespmem:s31+$0x1E280] =	vst v17;
	v15 =	vmax.f32 v59, v50;
	v13 =	vmax.f32 v13, v37;
	v12 =	vmax.f32 v12, v19  }
0x14a: {  	s25 =	sadd.s32 $0x1, s25;
	[tilespmem:s31+$0x1E290] =	vst v16;
	v15 =	vmax.f32 v15, v51;
	v13 =	vmax.f32 v13, v18;
	v11 =	vmax.f32 v12, v11  }
0x14b: {  	p1 =	sne.s32 s25, $0x4;
	[tilespmem:s31+$0x1E2A0] =	vst v5;
	v60 =	vmax.f32 v15, v52;
	v10 =	vmax.f32 v13, v10;
	v9 =	vmax.f32 v11, v9  }
.Ltmp6:
0x14c: {  	[tilespmem:s31+$0x1E2B0] =	vst v6;
	v61 =	vmax.f32 v60, v53;
	v8 =	vmax.f32 v10, v8;
	v4 =	vmax.f32 v9, v4;
	(pc) =	sbr.rel @p1 .LBB2_11-.Ltmp6, $4  }
0x14d: {  	[tilespmem:s31+$0x1E2C0] =	vst v7;
	v5 =	vmax.f32 v61, v54;
	v3 =	vmax.f32 v8, v3;
	v0 =	vmax.f32 v4, v0  }
0x14e: {  	v62 =	vmax.f32 v5, v57;
	v1 =	vmax.f32 v3, v1;
	[tilespmem:s31+$0x1E2D0] =	vst v0  }
0x14f: {  	v63 =	vmax.f32 v62, v58;
	[tilespmem:s31+$0x1E2E0] =	vst v1  }
0x150: {  	s26 =	sadd.s32 $0x1000, s26;
	[tilespmem:s31+$0x1E2F0] =	vst v63  }
0x151: {  	s23 =	sadd.s32 $0x1, s23  }
0x152: {  	p1 =	sne.s32 s23, $0x28  }
.Ltmp7:
0x153: {  	_ = 	snop;
	(pc) =	sbr.rel @p1 .LBB2_2-.Ltmp7, $4  }
0x154: {  	s24 =	sadd.s32 s7, s24  }
0x155: {  	s24 =	sshrl.u32 s24, $0x3  }
0x156: {  	s24 =	sadd.s32 s24, s8  }
0x157: {  	[hbm4b:s24+s3] =	stream.linear.scatter [tilespmem:s20], [sflag:$0x4], $0x200, $0x38;
	[tilespmem:$0x1E480] =	vst v63  }
0x158: {  	s22 =	sadd.s32 $0x1, s22  }
0x159: {  	_ =	swait.ge [sflag:s21], $0x200;
	p1 =	sne.s32 s22, s9  }
.Ltmp8:
0x15a: {  	[sflag:s21] =	ssyncset.done $0x0;
	(pc) =	sbr.rel @p1 .LBB2_1-.Ltmp8, $4  }
0x15b: {  	[sflag:s21] =	ssyncadd.s32 $0xFFFFFE00  }
0x15c: {  	_ =	swait.ge [sflag:s19], $0x200  }
0x15d: {  	[sflag:s19] =	ssyncset.done $0x0  }
0x15e: {  	[sflag:s19] =	ssyncadd.s32 $0xFFFFFE00  }
0x15f: {  	_ =	sfence.sel $0x180000  }
0x160: {  	[bflag:$0x0] =	sbarrier.arrive $0xFFFF  }
0x161: {  	_ =	strace $0x90000047  }
0x162: {  	s0 =	sadd.s32 @!p0 $0x100000, s0;
	[bflag:$0x2] =	sbarrier.arrive $0xFFFF  }
0x163: {  	[sflag:s0] =	ssyncadd.tile.s32 @!p0 $0x1;
	_ =	shalt  }
.Lfunc_end2:
_tile_overlayer_lowered:
.L_overlay_start_2:
0x164: {  	(tag) =	ssettag $0x2  }
0x165: {  	s0 =	rddreg [dreg:$0x0];
	s2 =	stileid.u32  }
0x166: {  	s1 =	rddreg [dreg:$0x1];
	p0 =	sne.s32 s2, $0x0  }
0x167: {  	s3 =	rddreg [dreg:$0x2];
	[bflag:$0x3] =	sbarrier.arrive $0xFFFF;
	s2 =	simm.s32 @!p0 $0x1C05  }
0x168: {  	[timem:s3], [sflag:s2] =	dma.local @!p0 [hbm:s0], s1  }
0x169: {  	s0 =	simm.s32 @!p0 $0x5  }
0x16a: {  	_ =	swait.ge @!p0 [sflag:s0], s1  }
0x16b: {  	s1 =	ssub.s32 @!p0 $0x0, s1;
	[sflag:s0] =	ssyncset.done @!p0 $0x0  }
0x16c: {  	[sflag:s0] =	ssyncadd.s32 @!p0 s1  }
0x16d: {  	[bflag:$0x3] =	sbarrier.arrive $0xFFFF  }
0x16e: {  	_ =	shalt  }

</sc_bundles>
